<compile_context>
chip_gen: v7x
topology: tpu7x:2x2x1
jax: 0.10.2.dev20260603
libtpu: 0.0.44.dev20260713+nightly
codegen_flags: <defaults>
</compile_context>

<pallas_src>
import functools

import jax
import jax.numpy as jnp
import numpy as np
from jax import lax
from jax.experimental import pallas as pl
from jax.experimental.pallas import tpu as pltpu
from jax.experimental.pallas import tpu_sc as plsc

_ALPHA = 0.2
_NPAD = 1024
_ACCR = _NPAD + 512
_CH = 128


def _sc_body(nc, ns, e_w, nch,
             xT, idxg, idxs, w0f, w1f, ddf, zx,
             outx0, outx1, outd,
             rg_v, r1_v, msgd_v, idxg_v, idxs_v, w0_v, w1_v, dd_v,
             stage_v, pack_v,
             acc0_s, acc1_s, accd_s, gsem, ssem):
    cid = lax.axis_index("c")
    sid = lax.axis_index("s")
    wid = sid * nc + cid

    pltpu.sync_copy(idxg.at[wid], idxg_v)
    pltpu.sync_copy(idxs.at[wid], idxs_v)
    pltpu.sync_copy(w0f.at[wid], w0_v)
    pltpu.sync_copy(w1f.at[wid], w1_v)
    pltpu.sync_copy(ddf.at[wid], dd_v)

    rpw = _NPAD // ns
    pltpu.sync_copy(zx, acc0_s.at[pl.ds(sid * rpw, rpw)])
    pltpu.sync_copy(zx, acc1_s.at[pl.ds(sid * rpw, rpw)])
    pltpu.sync_copy(zx, accd_s.at[pl.ds(sid * rpw, rpw)])

    gcps = [
        pltpu.async_copy(xT.at[idxg_v.at[c]],
                         rg_v.at[pl.ds(c * _CH, _CH)], gsem)
        for c in range(nch)
    ]
    plsc.subcore_barrier()

    lane = lax.iota(jnp.int32, 16)
    m01 = lane == 0
    zv = jnp.zeros((16,), jnp.float32)
    s0, s1 = pl.ds(0, 16), pl.ds(16, 16)
    scps = []
    for c in range(nch):
        gcps[c].wait()

        @plsc.parallel_loop(0, _CH, step=1, unroll=4)
        def mul_body(k, _c=c):
            e = _c * _CH + k
            ei = jnp.full((16,), e, jnp.int32)
            w0b = plsc.load_gather(w0_v, [ei])
            w1b = plsc.load_gather(w1_v, [ei])
            ddb = plsc.load_gather(dd_v, [ei])
            a = rg_v[e, s0]
            b_ = rg_v[e, s1]
            r1_v[e, s0] = w1b * a
            r1_v[e, s1] = w1b * b_
            rg_v[e, s0] = w0b * a
            rg_v[e, s1] = w0b * b_
            msgd_v[e, s0] = jnp.where(m01, w0b, w1b) * ddb
            msgd_v[e, s1] = zv

        scps.append(pltpu.async_copy(
            rg_v.at[pl.ds(c * _CH, _CH)], acc0_s.at[idxs_v.at[c]],
            ssem, add=True))
        scps.append(pltpu.async_copy(
            r1_v.at[pl.ds(c * _CH, _CH)], acc1_s.at[idxs_v.at[c]],
            ssem, add=True))
        scps.append(pltpu.async_copy(
            msgd_v.at[pl.ds(c * _CH, _CH)], accd_s.at[idxs_v.at[c]],
            ssem, add=True))
    for cp in scps:
        cp.wait()

    plsc.subcore_barrier()

    rows = rpw * 32 // 128
    src = pl.ds(sid * rpw, rpw)
    dst = pl.ds(cid * (_NPAD * 32 // 128) + sid * rows, rows)
    for acc_s, out_ref in ((acc0_s, outx0), (acc1_s, outx1),
                           (accd_s, outd)):
        pltpu.sync_copy(acc_s.at[src], stage_v)

        @plsc.parallel_loop(0, rpw * 2, step=1, unroll=4)
        def pack_body(v):
            val = stage_v[v // 2, pl.ds((v % 2) * 16, 16)]
            pack_v[v // 8, pl.ds((v % 8) * 16, 16)] = val

        pltpu.sync_copy(pack_v, out_ref.at[dst])


def _fc_body(nc, x0_ref, x1_ref, d_ref, A0_ref, A1_ref, Ad_ref, bt_ref,
             out_ref):
    hp = _NPAD * 32 // 128
    x0p = x0_ref[:hp, :] + x0_ref[hp:, :]
    x1p = x1_ref[:hp, :] + x1_ref[hp:, :]
    dp = d_ref[:hp, :] + d_ref[hp:, :]
    A0 = A0_ref[...]
    A1 = A1_ref[...]
    Ad = Ad_ref[...]
    for i in range(4):
        s = slice(32 * i, 32 * i + 32)
        y = (jnp.dot(x0p[:, s], A0, preferred_element_type=jnp.float32)
             + jnp.dot(x1p[:, s], A1, preferred_element_type=jnp.float32)
             + jnp.dot(dp[:, s], Ad, preferred_element_type=jnp.float32)
             + bt_ref[0:1, :])
        for t in range(4):
            o = jnp.concatenate(
                [y[:, 8 * t:8 * t + 8], y[:, 32 + 8 * t:32 + 8 * t + 8]],
                axis=1)
            out_ref[t, pl.Slice(i, _NPAD // 4, 4), :] = (
                1.0 / (1.0 + jnp.exp(-o)))


def kernel(x, T, d_ew, d_edges, d_dist, W, b):
    del T
    _, T_, N, Cx = x.shape
    E = d_edges.shape[0]
    F = T_ * Cx

    info = plsc.get_sparse_core_info()
    nc, ns = info.num_cores, info.num_subcores
    nw = nc * ns
    e_w = -(-E // (nw * _CH)) * _CH
    nch = e_w // _CH
    e_pad = nw * e_w

    xT = x[0].transpose(1, 0, 2).reshape(N, F)
    xTp = jnp.zeros((_NPAD, F), jnp.float32).at[:N].set(xT)

    ar = jnp.arange(e_pad, dtype=jnp.int32)
    ni = (ar % _NPAD).at[:E].set(d_edges[:, 0])
    nj = (_NPAD + (ar % (_ACCR - _NPAD))).at[:E].set(d_edges[:, 1])
    w0 = jnp.zeros((e_pad,), jnp.float32).at[:E].set(d_ew[:, 0])
    w1 = jnp.zeros((e_pad,), jnp.float32).at[:E].set(d_ew[:, 1])
    dd = jnp.zeros((e_pad,), jnp.float32).at[:E].set(d_dist)

    idxg = ni.reshape(nw, nch, _CH)
    idxs = nj.reshape(nw, nch, _CH)
    w0f = w0.reshape(nw, e_w)
    w1f = w1.reshape(nw, e_w)
    ddf = dd.reshape(nw, e_w)
    rpw = _NPAD // ns
    zx = jnp.zeros((rpw, F), jnp.float32)

    orows = nc * _NPAD * F // 128
    mesh = plsc.VectorSubcoreMesh(core_axis_name="c", subcore_axis_name="s")
    outx0, outx1, outd = pl.kernel(
        functools.partial(_sc_body, nc, ns, e_w, nch),
        out_type=[
            jax.ShapeDtypeStruct((orows, 128), jnp.float32),
            jax.ShapeDtypeStruct((orows, 128), jnp.float32),
            jax.ShapeDtypeStruct((orows, 128), jnp.float32),
        ],
        mesh=mesh,
        compiler_params=pltpu.CompilerParams(
            use_tc_tiling_on_sc=False, needs_layout_passes=False),
        scratch_types=[
            pltpu.VMEM((e_w, F), jnp.float32),
            pltpu.VMEM((e_w, F), jnp.float32),
            pltpu.VMEM((e_w, F), jnp.float32),
            pltpu.VMEM((nch, _CH), jnp.int32),
            pltpu.VMEM((nch, _CH), jnp.int32),
            pltpu.VMEM((e_w,), jnp.float32),
            pltpu.VMEM((e_w,), jnp.float32),
            pltpu.VMEM((e_w,), jnp.float32),
            pltpu.VMEM((_NPAD // 16, F), jnp.float32),
            pltpu.VMEM((_NPAD * F // 16 // 128, 128), jnp.float32),
            pltpu.VMEM_SHARED((_ACCR, F), jnp.float32),
            pltpu.VMEM_SHARED((_ACCR, F), jnp.float32),
            pltpu.VMEM_SHARED((_ACCR, F), jnp.float32),
            pltpu.SemaphoreType.DMA,
            pltpu.SemaphoreType.DMA,
        ],
    )(xTp, idxg, idxs, w0f, w1f, ddf, zx)

    M = np.zeros((4, 4), np.float32)
    M[0, 0] = 1.0
    for t in range(1, 4):
        M[t, t] = 1.0 - _ALPHA
        M[t - 1, t] = _ALPHA
    S32 = jnp.asarray(np.kron(M, np.eye(8, dtype=np.float32)))
    KWS = jnp.kron(jnp.eye(4, dtype=jnp.float32), W[:8, :]) @ S32
    Z32 = jnp.zeros((32, 32), jnp.float32)
    A0 = jnp.concatenate([KWS, Z32], axis=1)
    A1 = jnp.concatenate([Z32, KWS], axis=1)
    w8s = jnp.tile(W[8, :], 4) @ S32
    Ad = jnp.zeros((32, 64), jnp.float32).at[0, :32].set(w8s)
    Ad = Ad.at[1, 32:].set(w8s)
    bt = jnp.broadcast_to(jnp.tile(b, 8)[None, :], (8, 64))

    out = pl.pallas_call(
        functools.partial(_fc_body, nc),
        in_specs=[
            pl.BlockSpec((orows, 128), lambda: (0, 0)),
            pl.BlockSpec((orows, 128), lambda: (0, 0)),
            pl.BlockSpec((orows, 128), lambda: (0, 0)),
            pl.BlockSpec((32, 64), lambda: (0, 0)),
            pl.BlockSpec((32, 64), lambda: (0, 0)),
            pl.BlockSpec((32, 64), lambda: (0, 0)),
            pl.BlockSpec((8, 64), lambda: (0, 0)),
        ],
        out_specs=pl.BlockSpec((T_, _NPAD, 16), lambda: (0, 0, 0)),
        out_shape=jax.ShapeDtypeStruct((T_, _NPAD, 16), jnp.float32),
    )(outx0, outx1, outd, A0, A1, Ad, bt)

    res = out[:, :N, :].reshape(T_, N, 2, 8)
    return res[None]

# --- scband reference (transcript-rebuilt; emitter-appended) ---
"""Pipeline reference for scband-feature-extractor-58832462020667 (READ-ONLY COPY).

The authoritative reference and input builder live on the scoring server;
editing this copy changes nothing except your own understanding.
"""

import jax, jax.numpy as jnp
import numpy as np

N_NODES = 1000
N_EDGES_U = 16000
N_HEADS = 2
C = 8          # x channel dim (n_in - 1)
N_IN = 9       # fc input = C + 1 (dist feature concatenated)
N_OUT = 8
B = 1
T_CONST = 4
ALPHA = 0.2


def _make_unique_edges():
    # unique off-diagonal (i, j) pairs so scatter-overwrite == scatter-add
    rng = np.random.default_rng(0)
    idx = rng.choice(N_NODES * N_NODES, size=N_EDGES_U + 2000, replace=False)
    idx = idx[(idx // N_NODES) != (idx % N_NODES)][:N_EDGES_U]
    return np.stack([idx // N_NODES, idx % N_NODES], axis=1).astype(np.int32)


def setup_inputs(seed: int = 0) -> dict:
    key = jax.random.key(seed)
    k1, k2, k3, k4 = jax.random.split(key, 4)
    x = jax.random.normal(k1, (B, T_CONST, N_NODES, C), dtype=jnp.float32)
    u_edges = jnp.asarray(_make_unique_edges())
    self_loops = jnp.arange(N_NODES, dtype=jnp.int32)
    self_edges = jnp.stack([self_loops, self_loops], axis=1)
    d_edges = jnp.concatenate([u_edges, self_edges], axis=0)  # (17000, 2)
    u_dist = jax.random.uniform(k2, (N_EDGES_U,), dtype=jnp.float32)
    d_dist = jnp.concatenate([u_dist, jnp.zeros((N_NODES,), jnp.float32)], axis=0)
    d_ew = jax.random.uniform(k3, (N_EDGES_U + N_NODES, N_HEADS), dtype=jnp.float32)
    W = jax.random.normal(k4, (N_IN, N_OUT), dtype=jnp.float32) * (1.0 / np.sqrt(N_IN))
    b = jnp.zeros((N_OUT,), dtype=jnp.float32)
    return {"x": x, "T": T_CONST, "d_ew": d_ew, "d_edges": d_edges, "d_dist": d_dist, "W": W, "b": b}


def reference(x, T, d_ew, d_edges, d_dist, W, b):
    node_i = d_edges[:, 0]
    node_j = d_edges[:, 1]
    # graph_convolution: holder[:, :, i, j] = d_ew * x[:, :, i]; sum over i
    # == segment-sum of edge messages by destination node j (edges are unique)
    msgs = d_ew[:, :, None] * x[:, :, node_i, None, :]        # (B, T, E, H, C)
    msgs_e = jnp.moveaxis(msgs, 2, 0)                          # (E, B, T, H, C)
    x_conv = jax.ops.segment_sum(msgs_e, node_j, num_segments=N_NODES)
    x_conv = jnp.moveaxis(x_conv, 0, 2)                        # (B, T, N, H, C)
    # dist_convolution
    dist_conv = jax.ops.segment_sum(d_dist[:, None] * d_ew, node_j, num_segments=N_NODES)  # (N, H)
    Bb, Tt = x.shape[0], x.shape[1]
    dist_b = jnp.broadcast_to(dist_conv[None, None, :, :, None], (Bb, Tt, N_NODES, N_HEADS, 1))
    x_feature = jnp.concatenate([x_conv, dist_b], axis=-1)     # (B, T, N, H, C+1)
    x_out = x_feature @ W + b                                  # (B, T, N, H, n_out)
    # x.size(1) == T so LR_guess is skipped; temporal smoothing (RHS from pre-update values)
    x_out = x_out.at[:, 1:].set(ALPHA * x_out[:, :-1] + (1.0 - ALPHA) * x_out[:, 1:])
    return jax.nn.sigmoid(x_out)

if __name__ == "__main__":
    import jax
    _d = setup_inputs()
    print(jax.jit(kernel)(*tuple(_d.values())))

</pallas_src>

<mosaic_0001>
#map = affine_map<(d0, d1) -> (0, 0)>
#map1 = affine_map<(d0, d1) -> (0, 0, 0)>
module attributes {stable_mosaic.version = 14 : i64} {
  func.func @_sc_body(%arg0: i32, %arg1: i32, %arg2: memref<1024x32xf32, #tpu.memory_space<hbm>>, %arg3: memref<32x5x128xi32, #tpu.memory_space<hbm>>, %arg4: memref<32x5x128xi32, #tpu.memory_space<hbm>>, %arg5: memref<32x640xf32, #tpu.memory_space<hbm>>, %arg6: memref<32x640xf32, #tpu.memory_space<hbm>>, %arg7: memref<32x640xf32, #tpu.memory_space<hbm>>, %arg8: memref<64x32xf32, #tpu.memory_space<hbm>>, %arg9: memref<512x128xf32, #tpu.memory_space<hbm>>, %arg10: memref<512x128xf32, #tpu.memory_space<hbm>>, %arg11: memref<512x128xf32, #tpu.memory_space<hbm>>, %arg12: memref<640x32xf32, #tpu.memory_space<vmem>>, %arg13: memref<640x32xf32, #tpu.memory_space<vmem>>, %arg14: memref<640x32xf32, #tpu.memory_space<vmem>>, %arg15: memref<5x128xi32, #tpu.memory_space<vmem>>, %arg16: memref<5x128xi32, #tpu.memory_space<vmem>>, %arg17: memref<640xf32, #tpu.memory_space<vmem>>, %arg18: memref<640xf32, #tpu.memory_space<vmem>>, %arg19: memref<640xf32, #tpu.memory_space<vmem>>, %arg20: memref<64x32xf32, #tpu.memory_space<vmem>>, %arg21: memref<16x128xf32, #tpu.memory_space<vmem>>, %arg22: memref<1536x32xf32, #tpu.memory_space<vmem_shared>>, %arg23: memref<1536x32xf32, #tpu.memory_space<vmem_shared>>, %arg24: memref<1536x32xf32, #tpu.memory_space<vmem_shared>>, %arg25: memref<!tpu.dma_semaphore, #tpu.memory_space<semaphore_mem>>, %arg26: memref<!tpu.dma_semaphore, #tpu.memory_space<semaphore_mem>>) attributes {dimension_semantics = [#tpu.dimension_semantics<core_parallel>, #tpu.dimension_semantics<subcore_parallel>], iteration_bounds = array<i64: 2, 16>, scalar_prefetch = 0 : i64, scratch_operands = 15 : i64, tpu.core_type = #tpu.core_type<sc_vector_subcore>, window_params = [{transform_indices = #map}, {transform_indices = #map1}, {transform_indices = #map1}, {transform_indices = #map}, {transform_indices = #map}, {transform_indices = #map}, {transform_indices = #map}, {transform_indices = #map}, {transform_indices = #map}, {transform_indices = #map}]} {
    %mul3A = arith.constant 2 : i32
    %mul3A_0 = arith.muli %arg1, %mul3A : i32
    %add3A = arith.addi %mul3A_0, %arg0 : i32
    "tpu.region"() ({
      %run_scoped3A = tpu.sem_alloc : memref<!tpu.dma_semaphore, #tpu.memory_space<semaphore_mem>>
      %dma_start3A_439 = arith.constant 0 : i32
      %dma_start3A_440 = arith.constant 0 : i32
      %dma_start3A_441 = tpu.memref_slice %arg3[%add3A, %dma_start3A_439, %dma_start3A_440] : memref<32x5x128xi32, #tpu.memory_space<hbm>> -> memref<1x5x128xi32, #tpu.memory_space<hbm>>
      %dma_start3A_442 = tpu.memref_squeeze %dma_start3A_441 : memref<1x5x128xi32, #tpu.memory_space<hbm>> -> memref<5x128xi32, #tpu.memory_space<hbm>>
      %dma_start3A_443 = arith.constant 0 : i32
      %dma_start3A_444 = arith.constant 0 : i32
      %dma_start3A_445 = tpu.memref_slice %arg3[%add3A, %dma_start3A_443, %dma_start3A_444] : memref<32x5x128xi32, #tpu.memory_space<hbm>> -> memref<1x5x128xi32, #tpu.memory_space<hbm>>
      %dma_start3A_446 = tpu.memref_squeeze %dma_start3A_445 : memref<1x5x128xi32, #tpu.memory_space<hbm>> -> memref<5x128xi32, #tpu.memory_space<hbm>>
      tpu.enqueue_dma source(%dma_start3A_446 : memref<5x128xi32, #tpu.memory_space<hbm>>) target(%arg15 : memref<5x128xi32, #tpu.memory_space<vmem>>) target_semaphore(%run_scoped3A : memref<!tpu.dma_semaphore, #tpu.memory_space<semaphore_mem>>)
      %dma_wait3A_447 = arith.constant 0 : i32
      %dma_wait3A_448 = arith.constant 0 : i32
      %dma_wait3A_449 = tpu.memref_slice %arg3[%add3A, %dma_wait3A_447, %dma_wait3A_448] : memref<32x5x128xi32, #tpu.memory_space<hbm>> -> memref<1x5x128xi32, #tpu.memory_space<hbm>>
      %dma_wait3A_450 = tpu.memref_squeeze %dma_wait3A_449 : memref<1x5x128xi32, #tpu.memory_space<hbm>> -> memref<5x128xi32, #tpu.memory_space<hbm>>
      %dma_wait3A_451 = arith.constant 0 : i32
      %dma_wait3A_452 = arith.constant 0 : i32
      %dma_wait3A_453 = tpu.memref_slice %arg3[%add3A, %dma_wait3A_451, %dma_wait3A_452] : memref<32x5x128xi32, #tpu.memory_space<hbm>> -> memref<1x5x128xi32, #tpu.memory_space<hbm>>
      %dma_wait3A_454 = tpu.memref_squeeze %dma_wait3A_453 : memref<1x5x128xi32, #tpu.memory_space<hbm>> -> memref<5x128xi32, #tpu.memory_space<hbm>>
      tpu.wait_dma2 semaphore(%run_scoped3A : memref<!tpu.dma_semaphore, #tpu.memory_space<semaphore_mem>>) src(%dma_wait3A_454 : memref<5x128xi32, #tpu.memory_space<hbm>>) dst(%arg15 : memref<5x128xi32, #tpu.memory_space<vmem>>)
      tpu.yield
    }) : () -> ()
    "tpu.region"() ({
      %run_scoped3A = tpu.sem_alloc : memref<!tpu.dma_semaphore, #tpu.memory_space<semaphore_mem>>
      %dma_start3A_439 = arith.constant 0 : i32
      %dma_start3A_440 = arith.constant 0 : i32
      %dma_start3A_441 = tpu.memref_slice %arg4[%add3A, %dma_start3A_439, %dma_start3A_440] : memref<32x5x128xi32, #tpu.memory_space<hbm>> -> memref<1x5x128xi32, #tpu.memory_space<hbm>>
      %dma_start3A_442 = tpu.memref_squeeze %dma_start3A_441 : memref<1x5x128xi32, #tpu.memory_space<hbm>> -> memref<5x128xi32, #tpu.memory_space<hbm>>
      %dma_start3A_443 = arith.constant 0 : i32
      %dma_start3A_444 = arith.constant 0 : i32
      %dma_start3A_445 = tpu.memref_slice %arg4[%add3A, %dma_start3A_443, %dma_start3A_444] : memref<32x5x128xi32, #tpu.memory_space<hbm>> -> memref<1x5x128xi32, #tpu.memory_space<hbm>>
      %dma_start3A_446 = tpu.memref_squeeze %dma_start3A_445 : memref<1x5x128xi32, #tpu.memory_space<hbm>> -> memref<5x128xi32, #tpu.memory_space<hbm>>
      tpu.enqueue_dma source(%dma_start3A_446 : memref<5x128xi32, #tpu.memory_space<hbm>>) target(%arg16 : memref<5x128xi32, #tpu.memory_space<vmem>>) target_semaphore(%run_scoped3A : memref<!tpu.dma_semaphore, #tpu.memory_space<semaphore_mem>>)
      %dma_wait3A_447 = arith.constant 0 : i32
      %dma_wait3A_448 = arith.constant 0 : i32
      %dma_wait3A_449 = tpu.memref_slice %arg4[%add3A, %dma_wait3A_447, %dma_wait3A_448] : memref<32x5x128xi32, #tpu.memory_space<hbm>> -> memref<1x5x128xi32, #tpu.memory_space<hbm>>
      %dma_wait3A_450 = tpu.memref_squeeze %dma_wait3A_449 : memref<1x5x128xi32, #tpu.memory_space<hbm>> -> memref<5x128xi32, #tpu.memory_space<hbm>>
      %dma_wait3A_451 = arith.constant 0 : i32
      %dma_wait3A_452 = arith.constant 0 : i32
      %dma_wait3A_453 = tpu.memref_slice %arg4[%add3A, %dma_wait3A_451, %dma_wait3A_452] : memref<32x5x128xi32, #tpu.memory_space<hbm>> -> memref<1x5x128xi32, #tpu.memory_space<hbm>>
      %dma_wait3A_454 = tpu.memref_squeeze %dma_wait3A_453 : memref<1x5x128xi32, #tpu.memory_space<hbm>> -> memref<5x128xi32, #tpu.memory_space<hbm>>
      tpu.wait_dma2 semaphore(%run_scoped3A : memref<!tpu.dma_semaphore, #tpu.memory_space<semaphore_mem>>) src(%dma_wait3A_454 : memref<5x128xi32, #tpu.memory_space<hbm>>) dst(%arg16 : memref<5x128xi32, #tpu.memory_space<vmem>>)
      tpu.yield
    }) : () -> ()
    "tpu.region"() ({
      %run_scoped3A = tpu.sem_alloc : memref<!tpu.dma_semaphore, #tpu.memory_space<semaphore_mem>>
      %dma_start3A_439 = arith.constant 0 : i32
      %dma_start3A_440 = tpu.memref_slice %arg5[%add3A, %dma_start3A_439] : memref<32x640xf32, #tpu.memory_space<hbm>> -> memref<1x640xf32, #tpu.memory_space<hbm>>
      %dma_start3A_441 = tpu.memref_squeeze %dma_start3A_440 : memref<1x640xf32, #tpu.memory_space<hbm>> -> memref<640xf32, #tpu.memory_space<hbm>>
      %dma_start3A_442 = arith.constant 0 : i32
      %dma_start3A_443 = tpu.memref_slice %arg5[%add3A, %dma_start3A_442] : memref<32x640xf32, #tpu.memory_space<hbm>> -> memref<1x640xf32, #tpu.memory_space<hbm>>
      %dma_start3A_444 = tpu.memref_squeeze %dma_start3A_443 : memref<1x640xf32, #tpu.memory_space<hbm>> -> memref<640xf32, #tpu.memory_space<hbm>>
      tpu.enqueue_dma source(%dma_start3A_444 : memref<640xf32, #tpu.memory_space<hbm>>) target(%arg17 : memref<640xf32, #tpu.memory_space<vmem>>) target_semaphore(%run_scoped3A : memref<!tpu.dma_semaphore, #tpu.memory_space<semaphore_mem>>)
      %dma_wait3A_445 = arith.constant 0 : i32
      %dma_wait3A_446 = tpu.memref_slice %arg5[%add3A, %dma_wait3A_445] : memref<32x640xf32, #tpu.memory_space<hbm>> -> memref<1x640xf32, #tpu.memory_space<hbm>>
      %dma_wait3A_447 = tpu.memref_squeeze %dma_wait3A_446 : memref<1x640xf32, #tpu.memory_space<hbm>> -> memref<640xf32, #tpu.memory_space<hbm>>
      %dma_wait3A_448 = arith.constant 0 : i32
      %dma_wait3A_449 = tpu.memref_slice %arg5[%add3A, %dma_wait3A_448] : memref<32x640xf32, #tpu.memory_space<hbm>> -> memref<1x640xf32, #tpu.memory_space<hbm>>
      %dma_wait3A_450 = tpu.memref_squeeze %dma_wait3A_449 : memref<1x640xf32, #tpu.memory_space<hbm>> -> memref<640xf32, #tpu.memory_space<hbm>>
      tpu.wait_dma2 semaphore(%run_scoped3A : memref<!tpu.dma_semaphore, #tpu.memory_space<semaphore_mem>>) src(%dma_wait3A_450 : memref<640xf32, #tpu.memory_space<hbm>>) dst(%arg17 : memref<640xf32, #tpu.memory_space<vmem>>)
      tpu.yield
    }) : () -> ()
    "tpu.region"() ({
      %run_scoped3A = tpu.sem_alloc : memref<!tpu.dma_semaphore, #tpu.memory_space<semaphore_mem>>
      %dma_start3A_439 = arith.constant 0 : i32
      %dma_start3A_440 = tpu.memref_slice %arg6[%add3A, %dma_start3A_439] : memref<32x640xf32, #tpu.memory_space<hbm>> -> memref<1x640xf32, #tpu.memory_space<hbm>>
      %dma_start3A_441 = tpu.memref_squeeze %dma_start3A_440 : memref<1x640xf32, #tpu.memory_space<hbm>> -> memref<640xf32, #tpu.memory_space<hbm>>
      %dma_start3A_442 = arith.constant 0 : i32
      %dma_start3A_443 = tpu.memref_slice %arg6[%add3A, %dma_start3A_442] : memref<32x640xf32, #tpu.memory_space<hbm>> -> memref<1x640xf32, #tpu.memory_space<hbm>>
      %dma_start3A_444 = tpu.memref_squeeze %dma_start3A_443 : memref<1x640xf32, #tpu.memory_space<hbm>> -> memref<640xf32, #tpu.memory_space<hbm>>
      tpu.enqueue_dma source(%dma_start3A_444 : memref<640xf32, #tpu.memory_space<hbm>>) target(%arg18 : memref<640xf32, #tpu.memory_space<vmem>>) target_semaphore(%run_scoped3A : memref<!tpu.dma_semaphore, #tpu.memory_space<semaphore_mem>>)
      %dma_wait3A_445 = arith.constant 0 : i32
      %dma_wait3A_446 = tpu.memref_slice %arg6[%add3A, %dma_wait3A_445] : memref<32x640xf32, #tpu.memory_space<hbm>> -> memref<1x640xf32, #tpu.memory_space<hbm>>
      %dma_wait3A_447 = tpu.memref_squeeze %dma_wait3A_446 : memref<1x640xf32, #tpu.memory_space<hbm>> -> memref<640xf32, #tpu.memory_space<hbm>>
      %dma_wait3A_448 = arith.constant 0 : i32
      %dma_wait3A_449 = tpu.memref_slice %arg6[%add3A, %dma_wait3A_448] : memref<32x640xf32, #tpu.memory_space<hbm>> -> memref<1x640xf32, #tpu.memory_space<hbm>>
      %dma_wait3A_450 = tpu.memref_squeeze %dma_wait3A_449 : memref<1x640xf32, #tpu.memory_space<hbm>> -> memref<640xf32, #tpu.memory_space<hbm>>
      tpu.wait_dma2 semaphore(%run_scoped3A : memref<!tpu.dma_semaphore, #tpu.memory_space<semaphore_mem>>) src(%dma_wait3A_450 : memref<640xf32, #tpu.memory_space<hbm>>) dst(%arg18 : memref<640xf32, #tpu.memory_space<vmem>>)
      tpu.yield
    }) : () -> ()
    "tpu.region"() ({
      %run_scoped3A = tpu.sem_alloc : memref<!tpu.dma_semaphore, #tpu.memory_space<semaphore_mem>>
      %dma_start3A_439 = arith.constant 0 : i32
      %dma_start3A_440 = tpu.memref_slice %arg7[%add3A, %dma_start3A_439] : memref<32x640xf32, #tpu.memory_space<hbm>> -> memref<1x640xf32, #tpu.memory_space<hbm>>
      %dma_start3A_441 = tpu.memref_squeeze %dma_start3A_440 : memref<1x640xf32, #tpu.memory_space<hbm>> -> memref<640xf32, #tpu.memory_space<hbm>>
      %dma_start3A_442 = arith.constant 0 : i32
      %dma_start3A_443 = tpu.memref_slice %arg7[%add3A, %dma_start3A_442] : memref<32x640xf32, #tpu.memory_space<hbm>> -> memref<1x640xf32, #tpu.memory_space<hbm>>
      %dma_start3A_444 = tpu.memref_squeeze %dma_start3A_443 : memref<1x640xf32, #tpu.memory_space<hbm>> -> memref<640xf32, #tpu.memory_space<hbm>>
      tpu.enqueue_dma source(%dma_start3A_444 : memref<640xf32, #tpu.memory_space<hbm>>) target(%arg19 : memref<640xf32, #tpu.memory_space<vmem>>) target_semaphore(%run_scoped3A : memref<!tpu.dma_semaphore, #tpu.memory_space<semaphore_mem>>)
      %dma_wait3A_445 = arith.constant 0 : i32
      %dma_wait3A_446 = tpu.memref_slice %arg7[%add3A, %dma_wait3A_445] : memref<32x640xf32, #tpu.memory_space<hbm>> -> memref<1x640xf32, #tpu.memory_space<hbm>>
      %dma_wait3A_447 = tpu.memref_squeeze %dma_wait3A_446 : memref<1x640xf32, #tpu.memory_space<hbm>> -> memref<640xf32, #tpu.memory_space<hbm>>
      %dma_wait3A_448 = arith.constant 0 : i32
      %dma_wait3A_449 = tpu.memref_slice %arg7[%add3A, %dma_wait3A_448] : memref<32x640xf32, #tpu.memory_space<hbm>> -> memref<1x640xf32, #tpu.memory_space<hbm>>
      %dma_wait3A_450 = tpu.memref_squeeze %dma_wait3A_449 : memref<1x640xf32, #tpu.memory_space<hbm>> -> memref<640xf32, #tpu.memory_space<hbm>>
      tpu.wait_dma2 semaphore(%run_scoped3A : memref<!tpu.dma_semaphore, #tpu.memory_space<semaphore_mem>>) src(%dma_wait3A_450 : memref<640xf32, #tpu.memory_space<hbm>>) dst(%arg19 : memref<640xf32, #tpu.memory_space<vmem>>)
      tpu.yield
    }) : () -> ()
    %mul3A_1 = arith.constant 64 : i32
    %mul3A_2 = arith.muli %arg1, %mul3A_1 : i32
    "tpu.region"() ({
      %run_scoped3A = tpu.sem_alloc : memref<!tpu.dma_semaphore, #tpu.memory_space<semaphore_mem>>
      %dma_start3A_439 = arith.constant 0 : i32
      %dma_start3A_440 = tpu.memref_slice %arg22[%mul3A_2, %dma_start3A_439] : memref<1536x32xf32, #tpu.memory_space<vmem_shared>> -> memref<64x32xf32, #tpu.memory_space<vmem_shared>>
      tpu.enqueue_dma source(%arg8 : memref<64x32xf32, #tpu.memory_space<hbm>>) target(%dma_start3A_440 : memref<64x32xf32, #tpu.memory_space<vmem_shared>>) target_semaphore(%run_scoped3A : memref<!tpu.dma_semaphore, #tpu.memory_space<semaphore_mem>>)
      %dma_wait3A_441 = arith.constant 0 : i32
      %dma_wait3A_442 = tpu.memref_slice %arg22[%mul3A_2, %dma_wait3A_441] : memref<1536x32xf32, #tpu.memory_space<vmem_shared>> -> memref<64x32xf32, #tpu.memory_space<vmem_shared>>
      tpu.wait_dma2 semaphore(%run_scoped3A : memref<!tpu.dma_semaphore, #tpu.memory_space<semaphore_mem>>) src(%arg8 : memref<64x32xf32, #tpu.memory_space<hbm>>) dst(%dma_wait3A_442 : memref<64x32xf32, #tpu.memory_space<vmem_shared>>)
      tpu.yield
    }) : () -> ()
    %mul3A_3 = arith.constant 64 : i32
    %mul3A_4 = arith.muli %arg1, %mul3A_3 : i32
    "tpu.region"() ({
      %run_scoped3A = tpu.sem_alloc : memref<!tpu.dma_semaphore, #tpu.memory_space<semaphore_mem>>
      %dma_start3A_439 = arith.constant 0 : i32
      %dma_start3A_440 = tpu.memref_slice %arg23[%mul3A_4, %dma_start3A_439] : memref<1536x32xf32, #tpu.memory_space<vmem_shared>> -> memref<64x32xf32, #tpu.memory_space<vmem_shared>>
      tpu.enqueue_dma source(%arg8 : memref<64x32xf32, #tpu.memory_space<hbm>>) target(%dma_start3A_440 : memref<64x32xf32, #tpu.memory_space<vmem_shared>>) target_semaphore(%run_scoped3A : memref<!tpu.dma_semaphore, #tpu.memory_space<semaphore_mem>>)
      %dma_wait3A_441 = arith.constant 0 : i32
      %dma_wait3A_442 = tpu.memref_slice %arg23[%mul3A_4, %dma_wait3A_441] : memref<1536x32xf32, #tpu.memory_space<vmem_shared>> -> memref<64x32xf32, #tpu.memory_space<vmem_shared>>
      tpu.wait_dma2 semaphore(%run_scoped3A : memref<!tpu.dma_semaphore, #tpu.memory_space<semaphore_mem>>) src(%arg8 : memref<64x32xf32, #tpu.memory_space<hbm>>) dst(%dma_wait3A_442 : memref<64x32xf32, #tpu.memory_space<vmem_shared>>)
      tpu.yield
    }) : () -> ()
    %mul3A_5 = arith.constant 64 : i32
    %mul3A_6 = arith.muli %arg1, %mul3A_5 : i32
    "tpu.region"() ({
      %run_scoped3A = tpu.sem_alloc : memref<!tpu.dma_semaphore, #tpu.memory_space<semaphore_mem>>
      %dma_start3A_439 = arith.constant 0 : i32
      %dma_start3A_440 = tpu.memref_slice %arg24[%mul3A_6, %dma_start3A_439] : memref<1536x32xf32, #tpu.memory_space<vmem_shared>> -> memref<64x32xf32, #tpu.memory_space<vmem_shared>>
      tpu.enqueue_dma source(%arg8 : memref<64x32xf32, #tpu.memory_space<hbm>>) target(%dma_start3A_440 : memref<64x32xf32, #tpu.memory_space<vmem_shared>>) target_semaphore(%run_scoped3A : memref<!tpu.dma_semaphore, #tpu.memory_space<semaphore_mem>>)
      %dma_wait3A_441 = arith.constant 0 : i32
      %dma_wait3A_442 = tpu.memref_slice %arg24[%mul3A_6, %dma_wait3A_441] : memref<1536x32xf32, #tpu.memory_space<vmem_shared>> -> memref<64x32xf32, #tpu.memory_space<vmem_shared>>
      tpu.wait_dma2 semaphore(%run_scoped3A : memref<!tpu.dma_semaphore, #tpu.memory_space<semaphore_mem>>) src(%arg8 : memref<64x32xf32, #tpu.memory_space<hbm>>) dst(%dma_wait3A_442 : memref<64x32xf32, #tpu.memory_space<vmem_shared>>)
      tpu.yield
    }) : () -> ()
    %dma_start3A = arith.constant 0 : i32
    %dma_start3A_7 = arith.constant 0 : i32
    %dma_start3A_8 = arith.constant 0 : i32
    %dma_start3A_9 = tpu.memref_slice %arg12[%dma_start3A_7, %dma_start3A_8] : memref<640x32xf32, #tpu.memory_space<vmem>> -> memref<128x32xf32, #tpu.memory_space<vmem>>
    %dma_start3A_10 = arith.constant 0 : i32
    %dma_start3A_11 = tpu.memref_slice %arg15[%dma_start3A, %dma_start3A_10] : memref<5x128xi32, #tpu.memory_space<vmem>> -> memref<1x128xi32, #tpu.memory_space<vmem>>
    %dma_start3A_12 = tpu.memref_squeeze %dma_start3A_11 : memref<1x128xi32, #tpu.memory_space<vmem>> -> memref<128xi32, #tpu.memory_space<vmem>>
    %dma_start3A_13 = arith.constant 0 : i32
    %dma_start3A_14 = arith.constant 0 : i32
    %dma_start3A_15 = tpu.memref_slice %arg2[%dma_start3A_13, %dma_start3A_14] : memref<1024x32xf32, #tpu.memory_space<hbm>> -> memref<1024x32xf32, #tpu.memory_space<hbm>>
    tpu.enqueue_indirect_dma source(%dma_start3A_15 : memref<1024x32xf32, #tpu.memory_space<hbm>>) target(%dma_start3A_9 : memref<128x32xf32, #tpu.memory_space<vmem>>) offsets(%dma_start3A_12 : memref<128xi32, #tpu.memory_space<vmem>>) semaphore(%arg25 : memref<!tpu.dma_semaphore, #tpu.memory_space<semaphore_mem>>)
    %dma_start3A_16 = arith.constant 1 : i32
    %dma_start3A_17 = arith.constant 128 : i32
    %dma_start3A_18 = arith.constant 0 : i32
    %dma_start3A_19 = tpu.memref_slice %arg12[%dma_start3A_17, %dma_start3A_18] : memref<640x32xf32, #tpu.memory_space<vmem>> -> memref<128x32xf32, #tpu.memory_space<vmem>>
    %dma_start3A_20 = arith.constant 0 : i32
    %dma_start3A_21 = tpu.memref_slice %arg15[%dma_start3A_16, %dma_start3A_20] : memref<5x128xi32, #tpu.memory_space<vmem>> -> memref<1x128xi32, #tpu.memory_space<vmem>>
    %dma_start3A_22 = tpu.memref_squeeze %dma_start3A_21 : memref<1x128xi32, #tpu.memory_space<vmem>> -> memref<128xi32, #tpu.memory_space<vmem>>
    %dma_start3A_23 = arith.constant 0 : i32
    %dma_start3A_24 = arith.constant 0 : i32
    %dma_start3A_25 = tpu.memref_slice %arg2[%dma_start3A_23, %dma_start3A_24] : memref<1024x32xf32, #tpu.memory_space<hbm>> -> memref<1024x32xf32, #tpu.memory_space<hbm>>
    tpu.enqueue_indirect_dma source(%dma_start3A_25 : memref<1024x32xf32, #tpu.memory_space<hbm>>) target(%dma_start3A_19 : memref<128x32xf32, #tpu.memory_space<vmem>>) offsets(%dma_start3A_22 : memref<128xi32, #tpu.memory_space<vmem>>) semaphore(%arg25 : memref<!tpu.dma_semaphore, #tpu.memory_space<semaphore_mem>>)
    %dma_start3A_26 = arith.constant 2 : i32
    %dma_start3A_27 = arith.constant 256 : i32
    %dma_start3A_28 = arith.constant 0 : i32
    %dma_start3A_29 = tpu.memref_slice %arg12[%dma_start3A_27, %dma_start3A_28] : memref<640x32xf32, #tpu.memory_space<vmem>> -> memref<128x32xf32, #tpu.memory_space<vmem>>
    %dma_start3A_30 = arith.constant 0 : i32
    %dma_start3A_31 = tpu.memref_slice %arg15[%dma_start3A_26, %dma_start3A_30] : memref<5x128xi32, #tpu.memory_space<vmem>> -> memref<1x128xi32, #tpu.memory_space<vmem>>
    %dma_start3A_32 = tpu.memref_squeeze %dma_start3A_31 : memref<1x128xi32, #tpu.memory_space<vmem>> -> memref<128xi32, #tpu.memory_space<vmem>>
    %dma_start3A_33 = arith.constant 0 : i32
    %dma_start3A_34 = arith.constant 0 : i32
    %dma_start3A_35 = tpu.memref_slice %arg2[%dma_start3A_33, %dma_start3A_34] : memref<1024x32xf32, #tpu.memory_space<hbm>> -> memref<1024x32xf32, #tpu.memory_space<hbm>>
    tpu.enqueue_indirect_dma source(%dma_start3A_35 : memref<1024x32xf32, #tpu.memory_space<hbm>>) target(%dma_start3A_29 : memref<128x32xf32, #tpu.memory_space<vmem>>) offsets(%dma_start3A_32 : memref<128xi32, #tpu.memory_space<vmem>>) semaphore(%arg25 : memref<!tpu.dma_semaphore, #tpu.memory_space<semaphore_mem>>)
    %dma_start3A_36 = arith.constant 3 : i32
    %dma_start3A_37 = arith.constant 384 : i32
    %dma_start3A_38 = arith.constant 0 : i32
    %dma_start3A_39 = tpu.memref_slice %arg12[%dma_start3A_37, %dma_start3A_38] : memref<640x32xf32, #tpu.memory_space<vmem>> -> memref<128x32xf32, #tpu.memory_space<vmem>>
    %dma_start3A_40 = arith.constant 0 : i32
    %dma_start3A_41 = tpu.memref_slice %arg15[%dma_start3A_36, %dma_start3A_40] : memref<5x128xi32, #tpu.memory_space<vmem>> -> memref<1x128xi32, #tpu.memory_space<vmem>>
    %dma_start3A_42 = tpu.memref_squeeze %dma_start3A_41 : memref<1x128xi32, #tpu.memory_space<vmem>> -> memref<128xi32, #tpu.memory_space<vmem>>
    %dma_start3A_43 = arith.constant 0 : i32
    %dma_start3A_44 = arith.constant 0 : i32
    %dma_start3A_45 = tpu.memref_slice %arg2[%dma_start3A_43, %dma_start3A_44] : memref<1024x32xf32, #tpu.memory_space<hbm>> -> memref<1024x32xf32, #tpu.memory_space<hbm>>
    tpu.enqueue_indirect_dma source(%dma_start3A_45 : memref<1024x32xf32, #tpu.memory_space<hbm>>) target(%dma_start3A_39 : memref<128x32xf32, #tpu.memory_space<vmem>>) offsets(%dma_start3A_42 : memref<128xi32, #tpu.memory_space<vmem>>) semaphore(%arg25 : memref<!tpu.dma_semaphore, #tpu.memory_space<semaphore_mem>>)
    %dma_start3A_46 = arith.constant 4 : i32
    %dma_start3A_47 = arith.constant 512 : i32
    %dma_start3A_48 = arith.constant 0 : i32
    %dma_start3A_49 = tpu.memref_slice %arg12[%dma_start3A_47, %dma_start3A_48] : memref<640x32xf32, #tpu.memory_space<vmem>> -> memref<128x32xf32, #tpu.memory_space<vmem>>
    %dma_start3A_50 = arith.constant 0 : i32
    %dma_start3A_51 = tpu.memref_slice %arg15[%dma_start3A_46, %dma_start3A_50] : memref<5x128xi32, #tpu.memory_space<vmem>> -> memref<1x128xi32, #tpu.memory_space<vmem>>
    %dma_start3A_52 = tpu.memref_squeeze %dma_start3A_51 : memref<1x128xi32, #tpu.memory_space<vmem>> -> memref<128xi32, #tpu.memory_space<vmem>>
    %dma_start3A_53 = arith.constant 0 : i32
    %dma_start3A_54 = arith.constant 0 : i32
    %dma_start3A_55 = tpu.memref_slice %arg2[%dma_start3A_53, %dma_start3A_54] : memref<1024x32xf32, #tpu.memory_space<hbm>> -> memref<1024x32xf32, #tpu.memory_space<hbm>>
    tpu.enqueue_indirect_dma source(%dma_start3A_55 : memref<1024x32xf32, #tpu.memory_space<hbm>>) target(%dma_start3A_49 : memref<128x32xf32, #tpu.memory_space<vmem>>) offsets(%dma_start3A_52 : memref<128xi32, #tpu.memory_space<vmem>>) semaphore(%arg25 : memref<!tpu.dma_semaphore, #tpu.memory_space<semaphore_mem>>)
    %barrier3A = arith.constant 0 : index
    tpu.barrier barrier_id(%barrier3A)
    %iota3A = tpu.iota {dimensions = array<i32: 0>} : vector<16xi32>
    %eq3A = arith.constant 0 : i32
    %eq3A_56 = vector.broadcast %eq3A : i32 to vector<16xi32>
    %eq3A_57 = arith.cmpi eq, %iota3A, %eq3A_56 : vector<16xi32>
    %broadcast_in_dim3A = arith.constant 0.000000e+00 : f32
    %broadcast_in_dim3A_58 = vector.broadcast %broadcast_in_dim3A : f32 to vector<16xf32>
    %dma_wait3A = arith.constant 0 : i32
    %dma_wait3A_59 = arith.constant 0 : i32
    %dma_wait3A_60 = arith.constant 0 : i32
    %dma_wait3A_61 = tpu.memref_slice %arg12[%dma_wait3A_59, %dma_wait3A_60] : memref<640x32xf32, #tpu.memory_space<vmem>> -> memref<128x32xf32, #tpu.memory_space<vmem>>
    %dma_wait3A_62 = arith.constant 0 : i32
    %dma_wait3A_63 = tpu.memref_slice %arg15[%dma_wait3A, %dma_wait3A_62] : memref<5x128xi32, #tpu.memory_space<vmem>> -> memref<1x128xi32, #tpu.memory_space<vmem>>
    %dma_wait3A_64 = tpu.memref_squeeze %dma_wait3A_63 : memref<1x128xi32, #tpu.memory_space<vmem>> -> memref<128xi32, #tpu.memory_space<vmem>>
    %dma_wait3A_65 = arith.constant 0 : i32
    %dma_wait3A_66 = arith.constant 0 : i32
    %dma_wait3A_67 = tpu.memref_slice %arg2[%dma_wait3A_65, %dma_wait3A_66] : memref<1024x32xf32, #tpu.memory_space<hbm>> -> memref<1024x32xf32, #tpu.memory_space<hbm>>
    tpu.wait_indirect_dma semaphore(%arg25 : memref<!tpu.dma_semaphore, #tpu.memory_space<semaphore_mem>>) src(%dma_wait3A_67 : memref<1024x32xf32, #tpu.memory_space<hbm>>) dst(%dma_wait3A_61 : memref<128x32xf32, #tpu.memory_space<vmem>>)
    %parallel_loop3A = arith.constant 0 : i32
    %parallel_loop3A_68 = arith.constant 128 : i32
    %parallel_loop3A_69 = arith.constant 1 : i32
    scf.for %parallel_loop3A_439 = %parallel_loop3A to %parallel_loop3A_68 step %parallel_loop3A_69  : i32 {
      %parallel_loop3A_440 = arith.constant 0 : i32
      %parallel_loop3A_441 = arith.addi %parallel_loop3A_440, %parallel_loop3A_439 : i32
      %parallel_loop3A_442 = vector.broadcast %parallel_loop3A_441 : i32 to vector<16xi32>
      %parallel_loop3A_443 = tpu.vector_load_idx %arg17[%parallel_loop3A_442] : memref<640xf32, #tpu.memory_space<vmem>>[vector<16xi32>], vector<16xf32>,
      %parallel_loop3A_444 = tpu.vector_load_idx %arg18[%parallel_loop3A_442] : memref<640xf32, #tpu.memory_space<vmem>>[vector<16xi32>], vector<16xf32>,
      %parallel_loop3A_445 = tpu.vector_load_idx %arg19[%parallel_loop3A_442] : memref<640xf32, #tpu.memory_space<vmem>>[vector<16xi32>], vector<16xf32>,
      %parallel_loop3A_446 = arith.index_cast %parallel_loop3A_441 : i32 to index
      %parallel_loop3A_447 = arith.constant 0 : index
      %parallel_loop3A_448 = tpu.vector_load %arg12[%parallel_loop3A_446, %parallel_loop3A_447] {strides = array<i32>} : memref<640x32xf32, #tpu.memory_space<vmem>>, vector<16xf32>,
      %parallel_loop3A_449 = arith.index_cast %parallel_loop3A_441 : i32 to index
      %parallel_loop3A_450 = arith.constant 16 : index
      %parallel_loop3A_451 = tpu.vector_load %arg12[%parallel_loop3A_449, %parallel_loop3A_450] {strides = array<i32>} : memref<640x32xf32, #tpu.memory_space<vmem>>, vector<16xf32>,
      %parallel_loop3A_452 = arith.mulf %parallel_loop3A_444, %parallel_loop3A_448 : vector<16xf32>
      %parallel_loop3A_453 = arith.index_cast %parallel_loop3A_441 : i32 to index
      %parallel_loop3A_454 = arith.constant 0 : index
      %parallel_loop3A_455 = tpu.vector_load %arg13[%parallel_loop3A_453, %parallel_loop3A_454] {strides = array<i32>} : memref<640x32xf32, #tpu.memory_space<vmem>>, vector<16xf32>,
      tpu.vector_store %arg13[%parallel_loop3A_453, %parallel_loop3A_454], %parallel_loop3A_452 {strides = array<i32>} : memref<640x32xf32, #tpu.memory_space<vmem>>, vector<16xf32>,
      %parallel_loop3A_456 = arith.mulf %parallel_loop3A_444, %parallel_loop3A_451 : vector<16xf32>
      %parallel_loop3A_457 = arith.index_cast %parallel_loop3A_441 : i32 to index
      %parallel_loop3A_458 = arith.constant 16 : index
      %parallel_loop3A_459 = tpu.vector_load %arg13[%parallel_loop3A_457, %parallel_loop3A_458] {strides = array<i32>} : memref<640x32xf32, #tpu.memory_space<vmem>>, vector<16xf32>,
      tpu.vector_store %arg13[%parallel_loop3A_457, %parallel_loop3A_458], %parallel_loop3A_456 {strides = array<i32>} : memref<640x32xf32, #tpu.memory_space<vmem>>, vector<16xf32>,
      %parallel_loop3A_460 = arith.mulf %parallel_loop3A_443, %parallel_loop3A_448 : vector<16xf32>
      %parallel_loop3A_461 = arith.index_cast %parallel_loop3A_441 : i32 to index
      %parallel_loop3A_462 = arith.constant 0 : index
      %parallel_loop3A_463 = tpu.vector_load %arg12[%parallel_loop3A_461, %parallel_loop3A_462] {strides = array<i32>} : memref<640x32xf32, #tpu.memory_space<vmem>>, vector<16xf32>,
      tpu.vector_store %arg12[%parallel_loop3A_461, %parallel_loop3A_462], %parallel_loop3A_460 {strides = array<i32>} : memref<640x32xf32, #tpu.memory_space<vmem>>, vector<16xf32>,
      %parallel_loop3A_464 = arith.mulf %parallel_loop3A_443, %parallel_loop3A_451 : vector<16xf32>
      %parallel_loop3A_465 = arith.index_cast %parallel_loop3A_441 : i32 to index
      %parallel_loop3A_466 = arith.constant 16 : index
      %parallel_loop3A_467 = tpu.vector_load %arg12[%parallel_loop3A_465, %parallel_loop3A_466] {strides = array<i32>} : memref<640x32xf32, #tpu.memory_space<vmem>>, vector<16xf32>,
      tpu.vector_store %arg12[%parallel_loop3A_465, %parallel_loop3A_466], %parallel_loop3A_464 {strides = array<i32>} : memref<640x32xf32, #tpu.memory_space<vmem>>, vector<16xf32>,
      %parallel_loop3A_468 = arith.select %eq3A_57, %parallel_loop3A_443, %parallel_loop3A_444 : vector<16xi1>, vector<16xf32>
      %parallel_loop3A_469 = arith.mulf %parallel_loop3A_468, %parallel_loop3A_445 : vector<16xf32>
      %parallel_loop3A_470 = arith.index_cast %parallel_loop3A_441 : i32 to index
      %parallel_loop3A_471 = arith.constant 0 : index
      %parallel_loop3A_472 = tpu.vector_load %arg14[%parallel_loop3A_470, %parallel_loop3A_471] {strides = array<i32>} : memref<640x32xf32, #tpu.memory_space<vmem>>, vector<16xf32>,
      tpu.vector_store %arg14[%parallel_loop3A_470, %parallel_loop3A_471], %parallel_loop3A_469 {strides = array<i32>} : memref<640x32xf32, #tpu.memory_space<vmem>>, vector<16xf32>,
      %parallel_loop3A_473 = arith.index_cast %parallel_loop3A_441 : i32 to index
      %parallel_loop3A_474 = arith.constant 16 : index
      %parallel_loop3A_475 = tpu.vector_load %arg14[%parallel_loop3A_473, %parallel_loop3A_474] {strides = array<i32>} : memref<640x32xf32, #tpu.memory_space<vmem>>, vector<16xf32>,
      tpu.vector_store %arg14[%parallel_loop3A_473, %parallel_loop3A_474], %broadcast_in_dim3A_58 {strides = array<i32>} : memref<640x32xf32, #tpu.memory_space<vmem>>, vector<16xf32>,
    } {sc.loop_unroll_factor = 4 : i64, sc.parallel_access}
    %dma_start3A_70 = arith.constant 0 : i32
    %dma_start3A_71 = arith.constant 0 : i32
    %dma_start3A_72 = arith.constant 0 : i32
    %dma_start3A_73 = tpu.memref_slice %arg12[%dma_start3A_71, %dma_start3A_72] : memref<640x32xf32, #tpu.memory_space<vmem>> -> memref<128x32xf32, #tpu.memory_space<vmem>>
    %dma_start3A_74 = arith.constant 0 : i32
    %dma_start3A_75 = tpu.memref_slice %arg16[%dma_start3A_70, %dma_start3A_74] : memref<5x128xi32, #tpu.memory_space<vmem>> -> memref<1x128xi32, #tpu.memory_space<vmem>>
    %dma_start3A_76 = tpu.memref_squeeze %dma_start3A_75 : memref<1x128xi32, #tpu.memory_space<vmem>> -> memref<128xi32, #tpu.memory_space<vmem>>
    %dma_start3A_77 = arith.constant 0 : i32
    %dma_start3A_78 = arith.constant 0 : i32
    %dma_start3A_79 = tpu.memref_slice %arg22[%dma_start3A_77, %dma_start3A_78] : memref<1536x32xf32, #tpu.memory_space<vmem_shared>> -> memref<1536x32xf32, #tpu.memory_space<vmem_shared>>
    tpu.enqueue_indirect_dma source(%dma_start3A_73 : memref<128x32xf32, #tpu.memory_space<vmem>>) target(%dma_start3A_79 : memref<1536x32xf32, #tpu.memory_space<vmem_shared>>) offsets(%dma_start3A_76 : memref<128xi32, #tpu.memory_space<vmem>>) semaphore(%arg26 : memref<!tpu.dma_semaphore, #tpu.memory_space<semaphore_mem>>) {add = true}
    %dma_start3A_80 = arith.constant 0 : i32
    %dma_start3A_81 = arith.constant 0 : i32
    %dma_start3A_82 = arith.constant 0 : i32
    %dma_start3A_83 = tpu.memref_slice %arg13[%dma_start3A_81, %dma_start3A_82] : memref<640x32xf32, #tpu.memory_space<vmem>> -> memref<128x32xf32, #tpu.memory_space<vmem>>
    %dma_start3A_84 = arith.constant 0 : i32
    %dma_start3A_85 = tpu.memref_slice %arg16[%dma_start3A_80, %dma_start3A_84] : memref<5x128xi32, #tpu.memory_space<vmem>> -> memref<1x128xi32, #tpu.memory_space<vmem>>
    %dma_start3A_86 = tpu.memref_squeeze %dma_start3A_85 : memref<1x128xi32, #tpu.memory_space<vmem>> -> memref<128xi32, #tpu.memory_space<vmem>>
    %dma_start3A_87 = arith.constant 0 : i32
    %dma_start3A_88 = arith.constant 0 : i32
    %dma_start3A_89 = tpu.memref_slice %arg23[%dma_start3A_87, %dma_start3A_88] : memref<1536x32xf32, #tpu.memory_space<vmem_shared>> -> memref<1536x32xf32, #tpu.memory_space<vmem_shared>>
    tpu.enqueue_indirect_dma source(%dma_start3A_83 : memref<128x32xf32, #tpu.memory_space<vmem>>) target(%dma_start3A_89 : memref<1536x32xf32, #tpu.memory_space<vmem_shared>>) offsets(%dma_start3A_86 : memref<128xi32, #tpu.memory_space<vmem>>) semaphore(%arg26 : memref<!tpu.dma_semaphore, #tpu.memory_space<semaphore_mem>>) {add = true}
    %dma_start3A_90 = arith.constant 0 : i32
    %dma_start3A_91 = arith.constant 0 : i32
    %dma_start3A_92 = arith.constant 0 : i32
    %dma_start3A_93 = tpu.memref_slice %arg14[%dma_start3A_91, %dma_start3A_92] : memref<640x32xf32, #tpu.memory_space<vmem>> -> memref<128x32xf32, #tpu.memory_space<vmem>>
    %dma_start3A_94 = arith.constant 0 : i32
    %dma_start3A_95 = tpu.memref_slice %arg16[%dma_start3A_90, %dma_start3A_94] : memref<5x128xi32, #tpu.memory_space<vmem>> -> memref<1x128xi32, #tpu.memory_space<vmem>>
    %dma_start3A_96 = tpu.memref_squeeze %dma_start3A_95 : memref<1x128xi32, #tpu.memory_space<vmem>> -> memref<128xi32, #tpu.memory_space<vmem>>
    %dma_start3A_97 = arith.constant 0 : i32
    %dma_start3A_98 = arith.constant 0 : i32
    %dma_start3A_99 = tpu.memref_slice %arg24[%dma_start3A_97, %dma_start3A_98] : memref<1536x32xf32, #tpu.memory_space<vmem_shared>> -> memref<1536x32xf32, #tpu.memory_space<vmem_shared>>
    tpu.enqueue_indirect_dma source(%dma_start3A_93 : memref<128x32xf32, #tpu.memory_space<vmem>>) target(%dma_start3A_99 : memref<1536x32xf32, #tpu.memory_space<vmem_shared>>) offsets(%dma_start3A_96 : memref<128xi32, #tpu.memory_space<vmem>>) semaphore(%arg26 : memref<!tpu.dma_semaphore, #tpu.memory_space<semaphore_mem>>) {add = true}
    %dma_wait3A_100 = arith.constant 1 : i32
    %dma_wait3A_101 = arith.constant 128 : i32
    %dma_wait3A_102 = arith.constant 0 : i32
    %dma_wait3A_103 = tpu.memref_slice %arg12[%dma_wait3A_101, %dma_wait3A_102] : memref<640x32xf32, #tpu.memory_space<vmem>> -> memref<128x32xf32, #tpu.memory_space<vmem>>
    %dma_wait3A_104 = arith.constant 0 : i32
    %dma_wait3A_105 = tpu.memref_slice %arg15[%dma_wait3A_100, %dma_wait3A_104] : memref<5x128xi32, #tpu.memory_space<vmem>> -> memref<1x128xi32, #tpu.memory_space<vmem>>
    %dma_wait3A_106 = tpu.memref_squeeze %dma_wait3A_105 : memref<1x128xi32, #tpu.memory_space<vmem>> -> memref<128xi32, #tpu.memory_space<vmem>>
    %dma_wait3A_107 = arith.constant 0 : i32
    %dma_wait3A_108 = arith.constant 0 : i32
    %dma_wait3A_109 = tpu.memref_slice %arg2[%dma_wait3A_107, %dma_wait3A_108] : memref<1024x32xf32, #tpu.memory_space<hbm>> -> memref<1024x32xf32, #tpu.memory_space<hbm>>
    tpu.wait_indirect_dma semaphore(%arg25 : memref<!tpu.dma_semaphore, #tpu.memory_space<semaphore_mem>>) src(%dma_wait3A_109 : memref<1024x32xf32, #tpu.memory_space<hbm>>) dst(%dma_wait3A_103 : memref<128x32xf32, #tpu.memory_space<vmem>>)
    %parallel_loop3A_110 = arith.constant 0 : i32
    %parallel_loop3A_111 = arith.constant 128 : i32
    %parallel_loop3A_112 = arith.constant 1 : i32
    scf.for %parallel_loop3A_439 = %parallel_loop3A_110 to %parallel_loop3A_111 step %parallel_loop3A_112  : i32 {
      %parallel_loop3A_440 = arith.constant 128 : i32
      %parallel_loop3A_441 = arith.addi %parallel_loop3A_440, %parallel_loop3A_439 : i32
      %parallel_loop3A_442 = vector.broadcast %parallel_loop3A_441 : i32 to vector<16xi32>
      %parallel_loop3A_443 = tpu.vector_load_idx %arg17[%parallel_loop3A_442] : memref<640xf32, #tpu.memory_space<vmem>>[vector<16xi32>], vector<16xf32>,
      %parallel_loop3A_444 = tpu.vector_load_idx %arg18[%parallel_loop3A_442] : memref<640xf32, #tpu.memory_space<vmem>>[vector<16xi32>], vector<16xf32>,
      %parallel_loop3A_445 = tpu.vector_load_idx %arg19[%parallel_loop3A_442] : memref<640xf32, #tpu.memory_space<vmem>>[vector<16xi32>], vector<16xf32>,
      %parallel_loop3A_446 = arith.index_cast %parallel_loop3A_441 : i32 to index
      %parallel_loop3A_447 = arith.constant 0 : index
      %parallel_loop3A_448 = tpu.vector_load %arg12[%parallel_loop3A_446, %parallel_loop3A_447] {strides = array<i32>} : memref<640x32xf32, #tpu.memory_space<vmem>>, vector<16xf32>,
      %parallel_loop3A_449 = arith.index_cast %parallel_loop3A_441 : i32 to index
      %parallel_loop3A_450 = arith.constant 16 : index
      %parallel_loop3A_451 = tpu.vector_load %arg12[%parallel_loop3A_449, %parallel_loop3A_450] {strides = array<i32>} : memref<640x32xf32, #tpu.memory_space<vmem>>, vector<16xf32>,
      %parallel_loop3A_452 = arith.mulf %parallel_loop3A_444, %parallel_loop3A_448 : vector<16xf32>
      %parallel_loop3A_453 = arith.index_cast %parallel_loop3A_441 : i32 to index
      %parallel_loop3A_454 = arith.constant 0 : index
      %parallel_loop3A_455 = tpu.vector_load %arg13[%parallel_loop3A_453, %parallel_loop3A_454] {strides = array<i32>} : memref<640x32xf32, #tpu.memory_space<vmem>>, vector<16xf32>,
      tpu.vector_store %arg13[%parallel_loop3A_453, %parallel_loop3A_454], %parallel_loop3A_452 {strides = array<i32>} : memref<640x32xf32, #tpu.memory_space<vmem>>, vector<16xf32>,
      %parallel_loop3A_456 = arith.mulf %parallel_loop3A_444, %parallel_loop3A_451 : vector<16xf32>
      %parallel_loop3A_457 = arith.index_cast %parallel_loop3A_441 : i32 to index
      %parallel_loop3A_458 = arith.constant 16 : index
      %parallel_loop3A_459 = tpu.vector_load %arg13[%parallel_loop3A_457, %parallel_loop3A_458] {strides = array<i32>} : memref<640x32xf32, #tpu.memory_space<vmem>>, vector<16xf32>,
      tpu.vector_store %arg13[%parallel_loop3A_457, %parallel_loop3A_458], %parallel_loop3A_456 {strides = array<i32>} : memref<640x32xf32, #tpu.memory_space<vmem>>, vector<16xf32>,
      %parallel_loop3A_460 = arith.mulf %parallel_loop3A_443, %parallel_loop3A_448 : vector<16xf32>
      %parallel_loop3A_461 = arith.index_cast %parallel_loop3A_441 : i32 to index
      %parallel_loop3A_462 = arith.constant 0 : index
      %parallel_loop3A_463 = tpu.vector_load %arg12[%parallel_loop3A_461, %parallel_loop3A_462] {strides = array<i32>} : memref<640x32xf32, #tpu.memory_space<vmem>>, vector<16xf32>,
      tpu.vector_store %arg12[%parallel_loop3A_461, %parallel_loop3A_462], %parallel_loop3A_460 {strides = array<i32>} : memref<640x32xf32, #tpu.memory_space<vmem>>, vector<16xf32>,
      %parallel_loop3A_464 = arith.mulf %parallel_loop3A_443, %parallel_loop3A_451 : vector<16xf32>
      %parallel_loop3A_465 = arith.index_cast %parallel_loop3A_441 : i32 to index
      %parallel_loop3A_466 = arith.constant 16 : index
      %parallel_loop3A_467 = tpu.vector_load %arg12[%parallel_loop3A_465, %parallel_loop3A_466] {strides = array<i32>} : memref<640x32xf32, #tpu.memory_space<vmem>>, vector<16xf32>,
      tpu.vector_store %arg12[%parallel_loop3A_465, %parallel_loop3A_466], %parallel_loop3A_464 {strides = array<i32>} : memref<640x32xf32, #tpu.memory_space<vmem>>, vector<16xf32>,
      %parallel_loop3A_468 = arith.select %eq3A_57, %parallel_loop3A_443, %parallel_loop3A_444 : vector<16xi1>, vector<16xf32>
      %parallel_loop3A_469 = arith.mulf %parallel_loop3A_468, %parallel_loop3A_445 : vector<16xf32>
      %parallel_loop3A_470 = arith.index_cast %parallel_loop3A_441 : i32 to index
      %parallel_loop3A_471 = arith.constant 0 : index
      %parallel_loop3A_472 = tpu.vector_load %arg14[%parallel_loop3A_470, %parallel_loop3A_471] {strides = array<i32>} : memref<640x32xf32, #tpu.memory_space<vmem>>, vector<16xf32>,
      tpu.vector_store %arg14[%parallel_loop3A_470, %parallel_loop3A_471], %parallel_loop3A_469 {strides = array<i32>} : memref<640x32xf32, #tpu.memory_space<vmem>>, vector<16xf32>,
      %parallel_loop3A_473 = arith.index_cast %parallel_loop3A_441 : i32 to index
      %parallel_loop3A_474 = arith.constant 16 : index
      %parallel_loop3A_475 = tpu.vector_load %arg14[%parallel_loop3A_473, %parallel_loop3A_474] {strides = array<i32>} : memref<640x32xf32, #tpu.memory_space<vmem>>, vector<16xf32>,
      tpu.vector_store %arg14[%parallel_loop3A_473, %parallel_loop3A_474], %broadcast_in_dim3A_58 {strides = array<i32>} : memref<640x32xf32, #tpu.memory_space<vmem>>, vector<16xf32>,
    } {sc.loop_unroll_factor = 4 : i64, sc.parallel_access}
    %dma_start3A_113 = arith.constant 1 : i32
    %dma_start3A_114 = arith.constant 128 : i32
    %dma_start3A_115 = arith.constant 0 : i32
    %dma_start3A_116 = tpu.memref_slice %arg12[%dma_start3A_114, %dma_start3A_115] : memref<640x32xf32, #tpu.memory_space<vmem>> -> memref<128x32xf32, #tpu.memory_space<vmem>>
    %dma_start3A_117 = arith.constant 0 : i32
    %dma_start3A_118 = tpu.memref_slice %arg16[%dma_start3A_113, %dma_start3A_117] : memref<5x128xi32, #tpu.memory_space<vmem>> -> memref<1x128xi32, #tpu.memory_space<vmem>>
    %dma_start3A_119 = tpu.memref_squeeze %dma_start3A_118 : memref<1x128xi32, #tpu.memory_space<vmem>> -> memref<128xi32, #tpu.memory_space<vmem>>
    %dma_start3A_120 = arith.constant 0 : i32
    %dma_start3A_121 = arith.constant 0 : i32
    %dma_start3A_122 = tpu.memref_slice %arg22[%dma_start3A_120, %dma_start3A_121] : memref<1536x32xf32, #tpu.memory_space<vmem_shared>> -> memref<1536x32xf32, #tpu.memory_space<vmem_shared>>
    tpu.enqueue_indirect_dma source(%dma_start3A_116 : memref<128x32xf32, #tpu.memory_space<vmem>>) target(%dma_start3A_122 : memref<1536x32xf32, #tpu.memory_space<vmem_shared>>) offsets(%dma_start3A_119 : memref<128xi32, #tpu.memory_space<vmem>>) semaphore(%arg26 : memref<!tpu.dma_semaphore, #tpu.memory_space<semaphore_mem>>) {add = true}
    %dma_start3A_123 = arith.constant 1 : i32
    %dma_start3A_124 = arith.constant 128 : i32
    %dma_start3A_125 = arith.constant 0 : i32
    %dma_start3A_126 = tpu.memref_slice %arg13[%dma_start3A_124, %dma_start3A_125] : memref<640x32xf32, #tpu.memory_space<vmem>> -> memref<128x32xf32, #tpu.memory_space<vmem>>
    %dma_start3A_127 = arith.constant 0 : i32
    %dma_start3A_128 = tpu.memref_slice %arg16[%dma_start3A_123, %dma_start3A_127] : memref<5x128xi32, #tpu.memory_space<vmem>> -> memref<1x128xi32, #tpu.memory_space<vmem>>
    %dma_start3A_129 = tpu.memref_squeeze %dma_start3A_128 : memref<1x128xi32, #tpu.memory_space<vmem>> -> memref<128xi32, #tpu.memory_space<vmem>>
    %dma_start3A_130 = arith.constant 0 : i32
    %dma_start3A_131 = arith.constant 0 : i32
    %dma_start3A_132 = tpu.memref_slice %arg23[%dma_start3A_130, %dma_start3A_131] : memref<1536x32xf32, #tpu.memory_space<vmem_shared>> -> memref<1536x32xf32, #tpu.memory_space<vmem_shared>>
    tpu.enqueue_indirect_dma source(%dma_start3A_126 : memref<128x32xf32, #tpu.memory_space<vmem>>) target(%dma_start3A_132 : memref<1536x32xf32, #tpu.memory_space<vmem_shared>>) offsets(%dma_start3A_129 : memref<128xi32, #tpu.memory_space<vmem>>) semaphore(%arg26 : memref<!tpu.dma_semaphore, #tpu.memory_space<semaphore_mem>>) {add = true}
    %dma_start3A_133 = arith.constant 1 : i32
    %dma_start3A_134 = arith.constant 128 : i32
    %dma_start3A_135 = arith.constant 0 : i32
    %dma_start3A_136 = tpu.memref_slice %arg14[%dma_start3A_134, %dma_start3A_135] : memref<640x32xf32, #tpu.memory_space<vmem>> -> memref<128x32xf32, #tpu.memory_space<vmem>>
    %dma_start3A_137 = arith.constant 0 : i32
    %dma_start3A_138 = tpu.memref_slice %arg16[%dma_start3A_133, %dma_start3A_137] : memref<5x128xi32, #tpu.memory_space<vmem>> -> memref<1x128xi32, #tpu.memory_space<vmem>>
    %dma_start3A_139 = tpu.memref_squeeze %dma_start3A_138 : memref<1x128xi32, #tpu.memory_space<vmem>> -> memref<128xi32, #tpu.memory_space<vmem>>
    %dma_start3A_140 = arith.constant 0 : i32
    %dma_start3A_141 = arith.constant 0 : i32
    %dma_start3A_142 = tpu.memref_slice %arg24[%dma_start3A_140, %dma_start3A_141] : memref<1536x32xf32, #tpu.memory_space<vmem_shared>> -> memref<1536x32xf32, #tpu.memory_space<vmem_shared>>
    tpu.enqueue_indirect_dma source(%dma_start3A_136 : memref<128x32xf32, #tpu.memory_space<vmem>>) target(%dma_start3A_142 : memref<1536x32xf32, #tpu.memory_space<vmem_shared>>) offsets(%dma_start3A_139 : memref<128xi32, #tpu.memory_space<vmem>>) semaphore(%arg26 : memref<!tpu.dma_semaphore, #tpu.memory_space<semaphore_mem>>) {add = true}
    %dma_wait3A_143 = arith.constant 2 : i32
    %dma_wait3A_144 = arith.constant 256 : i32
    %dma_wait3A_145 = arith.constant 0 : i32
    %dma_wait3A_146 = tpu.memref_slice %arg12[%dma_wait3A_144, %dma_wait3A_145] : memref<640x32xf32, #tpu.memory_space<vmem>> -> memref<128x32xf32, #tpu.memory_space<vmem>>
    %dma_wait3A_147 = arith.constant 0 : i32
    %dma_wait3A_148 = tpu.memref_slice %arg15[%dma_wait3A_143, %dma_wait3A_147] : memref<5x128xi32, #tpu.memory_space<vmem>> -> memref<1x128xi32, #tpu.memory_space<vmem>>
    %dma_wait3A_149 = tpu.memref_squeeze %dma_wait3A_148 : memref<1x128xi32, #tpu.memory_space<vmem>> -> memref<128xi32, #tpu.memory_space<vmem>>
    %dma_wait3A_150 = arith.constant 0 : i32
    %dma_wait3A_151 = arith.constant 0 : i32
    %dma_wait3A_152 = tpu.memref_slice %arg2[%dma_wait3A_150, %dma_wait3A_151] : memref<1024x32xf32, #tpu.memory_space<hbm>> -> memref<1024x32xf32, #tpu.memory_space<hbm>>
    tpu.wait_indirect_dma semaphore(%arg25 : memref<!tpu.dma_semaphore, #tpu.memory_space<semaphore_mem>>) src(%dma_wait3A_152 : memref<1024x32xf32, #tpu.memory_space<hbm>>) dst(%dma_wait3A_146 : memref<128x32xf32, #tpu.memory_space<vmem>>)
    %parallel_loop3A_153 = arith.constant 0 : i32
    %parallel_loop3A_154 = arith.constant 128 : i32
    %parallel_loop3A_155 = arith.constant 1 : i32
    scf.for %parallel_loop3A_439 = %parallel_loop3A_153 to %parallel_loop3A_154 step %parallel_loop3A_155  : i32 {
      %parallel_loop3A_440 = arith.constant 256 : i32
      %parallel_loop3A_441 = arith.addi %parallel_loop3A_440, %parallel_loop3A_439 : i32
      %parallel_loop3A_442 = vector.broadcast %parallel_loop3A_441 : i32 to vector<16xi32>
      %parallel_loop3A_443 = tpu.vector_load_idx %arg17[%parallel_loop3A_442] : memref<640xf32, #tpu.memory_space<vmem>>[vector<16xi32>], vector<16xf32>,
      %parallel_loop3A_444 = tpu.vector_load_idx %arg18[%parallel_loop3A_442] : memref<640xf32, #tpu.memory_space<vmem>>[vector<16xi32>], vector<16xf32>,
      %parallel_loop3A_445 = tpu.vector_load_idx %arg19[%parallel_loop3A_442] : memref<640xf32, #tpu.memory_space<vmem>>[vector<16xi32>], vector<16xf32>,
      %parallel_loop3A_446 = arith.index_cast %parallel_loop3A_441 : i32 to index
      %parallel_loop3A_447 = arith.constant 0 : index
      %parallel_loop3A_448 = tpu.vector_load %arg12[%parallel_loop3A_446, %parallel_loop3A_447] {strides = array<i32>} : memref<640x32xf32, #tpu.memory_space<vmem>>, vector<16xf32>,
      %parallel_loop3A_449 = arith.index_cast %parallel_loop3A_441 : i32 to index
      %parallel_loop3A_450 = arith.constant 16 : index
      %parallel_loop3A_451 = tpu.vector_load %arg12[%parallel_loop3A_449, %parallel_loop3A_450] {strides = array<i32>} : memref<640x32xf32, #tpu.memory_space<vmem>>, vector<16xf32>,
      %parallel_loop3A_452 = arith.mulf %parallel_loop3A_444, %parallel_loop3A_448 : vector<16xf32>
      %parallel_loop3A_453 = arith.index_cast %parallel_loop3A_441 : i32 to index
      %parallel_loop3A_454 = arith.constant 0 : index
      %parallel_loop3A_455 = tpu.vector_load %arg13[%parallel_loop3A_453, %parallel_loop3A_454] {strides = array<i32>} : memref<640x32xf32, #tpu.memory_space<vmem>>, vector<16xf32>,
      tpu.vector_store %arg13[%parallel_loop3A_453, %parallel_loop3A_454], %parallel_loop3A_452 {strides = array<i32>} : memref<640x32xf32, #tpu.memory_space<vmem>>, vector<16xf32>,
      %parallel_loop3A_456 = arith.mulf %parallel_loop3A_444, %parallel_loop3A_451 : vector<16xf32>
      %parallel_loop3A_457 = arith.index_cast %parallel_loop3A_441 : i32 to index
      %parallel_loop3A_458 = arith.constant 16 : index
      %parallel_loop3A_459 = tpu.vector_load %arg13[%parallel_loop3A_457, %parallel_loop3A_458] {strides = array<i32>} : memref<640x32xf32, #tpu.memory_space<vmem>>, vector<16xf32>,
      tpu.vector_store %arg13[%parallel_loop3A_457, %parallel_loop3A_458], %parallel_loop3A_456 {strides = array<i32>} : memref<640x32xf32, #tpu.memory_space<vmem>>, vector<16xf32>,
      %parallel_loop3A_460 = arith.mulf %parallel_loop3A_443, %parallel_loop3A_448 : vector<16xf32>
      %parallel_loop3A_461 = arith.index_cast %parallel_loop3A_441 : i32 to index
      %parallel_loop3A_462 = arith.constant 0 : index
      %parallel_loop3A_463 = tpu.vector_load %arg12[%parallel_loop3A_461, %parallel_loop3A_462] {strides = array<i32>} : memref<640x32xf32, #tpu.memory_space<vmem>>, vector<16xf32>,
      tpu.vector_store %arg12[%parallel_loop3A_461, %parallel_loop3A_462], %parallel_loop3A_460 {strides = array<i32>} : memref<640x32xf32, #tpu.memory_space<vmem>>, vector<16xf32>,
      %parallel_loop3A_464 = arith.mulf %parallel_loop3A_443, %parallel_loop3A_451 : vector<16xf32>
      %parallel_loop3A_465 = arith.index_cast %parallel_loop3A_441 : i32 to index
      %parallel_loop3A_466 = arith.constant 16 : index
      %parallel_loop3A_467 = tpu.vector_load %arg12[%parallel_loop3A_465, %parallel_loop3A_466] {strides = array<i32>} : memref<640x32xf32, #tpu.memory_space<vmem>>, vector<16xf32>,
      tpu.vector_store %arg12[%parallel_loop3A_465, %parallel_loop3A_466], %parallel_loop3A_464 {strides = array<i32>} : memref<640x32xf32, #tpu.memory_space<vmem>>, vector<16xf32>,
      %parallel_loop3A_468 = arith.select %eq3A_57, %parallel_loop3A_443, %parallel_loop3A_444 : vector<16xi1>, vector<16xf32>
      %parallel_loop3A_469 = arith.mulf %parallel_loop3A_468, %parallel_loop3A_445 : vector<16xf32>
      %parallel_loop3A_470 = arith.index_cast %parallel_loop3A_441 : i32 to index
      %parallel_loop3A_471 = arith.constant 0 : index
      %parallel_loop3A_472 = tpu.vector_load %arg14[%parallel_loop3A_470, %parallel_loop3A_471] {strides = array<i32>} : memref<640x32xf32, #tpu.memory_space<vmem>>, vector<16xf32>,
      tpu.vector_store %arg14[%parallel_loop3A_470, %parallel_loop3A_471], %parallel_loop3A_469 {strides = array<i32>} : memref<640x32xf32, #tpu.memory_space<vmem>>, vector<16xf32>,
      %parallel_loop3A_473 = arith.index_cast %parallel_loop3A_441 : i32 to index
      %parallel_loop3A_474 = arith.constant 16 : index
      %parallel_loop3A_475 = tpu.vector_load %arg14[%parallel_loop3A_473, %parallel_loop3A_474] {strides = array<i32>} : memref<640x32xf32, #tpu.memory_space<vmem>>, vector<16xf32>,
      tpu.vector_store %arg14[%parallel_loop3A_473, %parallel_loop3A_474], %broadcast_in_dim3A_58 {strides = array<i32>} : memref<640x32xf32, #tpu.memory_space<vmem>>, vector<16xf32>,
    } {sc.loop_unroll_factor = 4 : i64, sc.parallel_access}
    %dma_start3A_156 = arith.constant 2 : i32
    %dma_start3A_157 = arith.constant 256 : i32
    %dma_start3A_158 = arith.constant 0 : i32
    %dma_start3A_159 = tpu.memref_slice %arg12[%dma_start3A_157, %dma_start3A_158] : memref<640x32xf32, #tpu.memory_space<vmem>> -> memref<128x32xf32, #tpu.memory_space<vmem>>
    %dma_start3A_160 = arith.constant 0 : i32
    %dma_start3A_161 = tpu.memref_slice %arg16[%dma_start3A_156, %dma_start3A_160] : memref<5x128xi32, #tpu.memory_space<vmem>> -> memref<1x128xi32, #tpu.memory_space<vmem>>
    %dma_start3A_162 = tpu.memref_squeeze %dma_start3A_161 : memref<1x128xi32, #tpu.memory_space<vmem>> -> memref<128xi32, #tpu.memory_space<vmem>>
    %dma_start3A_163 = arith.constant 0 : i32
    %dma_start3A_164 = arith.constant 0 : i32
    %dma_start3A_165 = tpu.memref_slice %arg22[%dma_start3A_163, %dma_start3A_164] : memref<1536x32xf32, #tpu.memory_space<vmem_shared>> -> memref<1536x32xf32, #tpu.memory_space<vmem_shared>>
    tpu.enqueue_indirect_dma source(%dma_start3A_159 : memref<128x32xf32, #tpu.memory_space<vmem>>) target(%dma_start3A_165 : memref<1536x32xf32, #tpu.memory_space<vmem_shared>>) offsets(%dma_start3A_162 : memref<128xi32, #tpu.memory_space<vmem>>) semaphore(%arg26 : memref<!tpu.dma_semaphore, #tpu.memory_space<semaphore_mem>>) {add = true}
    %dma_start3A_166 = arith.constant 2 : i32
    %dma_start3A_167 = arith.constant 256 : i32
    %dma_start3A_168 = arith.constant 0 : i32
    %dma_start3A_169 = tpu.memref_slice %arg13[%dma_start3A_167, %dma_start3A_168] : memref<640x32xf32, #tpu.memory_space<vmem>> -> memref<128x32xf32, #tpu.memory_space<vmem>>
    %dma_start3A_170 = arith.constant 0 : i32
    %dma_start3A_171 = tpu.memref_slice %arg16[%dma_start3A_166, %dma_start3A_170] : memref<5x128xi32, #tpu.memory_space<vmem>> -> memref<1x128xi32, #tpu.memory_space<vmem>>
    %dma_start3A_172 = tpu.memref_squeeze %dma_start3A_171 : memref<1x128xi32, #tpu.memory_space<vmem>> -> memref<128xi32, #tpu.memory_space<vmem>>
    %dma_start3A_173 = arith.constant 0 : i32
    %dma_start3A_174 = arith.constant 0 : i32
    %dma_start3A_175 = tpu.memref_slice %arg23[%dma_start3A_173, %dma_start3A_174] : memref<1536x32xf32, #tpu.memory_space<vmem_shared>> -> memref<1536x32xf32, #tpu.memory_space<vmem_shared>>
    tpu.enqueue_indirect_dma source(%dma_start3A_169 : memref<128x32xf32, #tpu.memory_space<vmem>>) target(%dma_start3A_175 : memref<1536x32xf32, #tpu.memory_space<vmem_shared>>) offsets(%dma_start3A_172 : memref<128xi32, #tpu.memory_space<vmem>>) semaphore(%arg26 : memref<!tpu.dma_semaphore, #tpu.memory_space<semaphore_mem>>) {add = true}
    %dma_start3A_176 = arith.constant 2 : i32
    %dma_start3A_177 = arith.constant 256 : i32
    %dma_start3A_178 = arith.constant 0 : i32
    %dma_start3A_179 = tpu.memref_slice %arg14[%dma_start3A_177, %dma_start3A_178] : memref<640x32xf32, #tpu.memory_space<vmem>> -> memref<128x32xf32, #tpu.memory_space<vmem>>
    %dma_start3A_180 = arith.constant 0 : i32
    %dma_start3A_181 = tpu.memref_slice %arg16[%dma_start3A_176, %dma_start3A_180] : memref<5x128xi32, #tpu.memory_space<vmem>> -> memref<1x128xi32, #tpu.memory_space<vmem>>
    %dma_start3A_182 = tpu.memref_squeeze %dma_start3A_181 : memref<1x128xi32, #tpu.memory_space<vmem>> -> memref<128xi32, #tpu.memory_space<vmem>>
    %dma_start3A_183 = arith.constant 0 : i32
    %dma_start3A_184 = arith.constant 0 : i32
    %dma_start3A_185 = tpu.memref_slice %arg24[%dma_start3A_183, %dma_start3A_184] : memref<1536x32xf32, #tpu.memory_space<vmem_shared>> -> memref<1536x32xf32, #tpu.memory_space<vmem_shared>>
    tpu.enqueue_indirect_dma source(%dma_start3A_179 : memref<128x32xf32, #tpu.memory_space<vmem>>) target(%dma_start3A_185 : memref<1536x32xf32, #tpu.memory_space<vmem_shared>>) offsets(%dma_start3A_182 : memref<128xi32, #tpu.memory_space<vmem>>) semaphore(%arg26 : memref<!tpu.dma_semaphore, #tpu.memory_space<semaphore_mem>>) {add = true}
    %dma_wait3A_186 = arith.constant 3 : i32
    %dma_wait3A_187 = arith.constant 384 : i32
    %dma_wait3A_188 = arith.constant 0 : i32
    %dma_wait3A_189 = tpu.memref_slice %arg12[%dma_wait3A_187, %dma_wait3A_188] : memref<640x32xf32, #tpu.memory_space<vmem>> -> memref<128x32xf32, #tpu.memory_space<vmem>>
    %dma_wait3A_190 = arith.constant 0 : i32
    %dma_wait3A_191 = tpu.memref_slice %arg15[%dma_wait3A_186, %dma_wait3A_190] : memref<5x128xi32, #tpu.memory_space<vmem>> -> memref<1x128xi32, #tpu.memory_space<vmem>>
    %dma_wait3A_192 = tpu.memref_squeeze %dma_wait3A_191 : memref<1x128xi32, #tpu.memory_space<vmem>> -> memref<128xi32, #tpu.memory_space<vmem>>
    %dma_wait3A_193 = arith.constant 0 : i32
    %dma_wait3A_194 = arith.constant 0 : i32
    %dma_wait3A_195 = tpu.memref_slice %arg2[%dma_wait3A_193, %dma_wait3A_194] : memref<1024x32xf32, #tpu.memory_space<hbm>> -> memref<1024x32xf32, #tpu.memory_space<hbm>>
    tpu.wait_indirect_dma semaphore(%arg25 : memref<!tpu.dma_semaphore, #tpu.memory_space<semaphore_mem>>) src(%dma_wait3A_195 : memref<1024x32xf32, #tpu.memory_space<hbm>>) dst(%dma_wait3A_189 : memref<128x32xf32, #tpu.memory_space<vmem>>)
    %parallel_loop3A_196 = arith.constant 0 : i32
    %parallel_loop3A_197 = arith.constant 128 : i32
    %parallel_loop3A_198 = arith.constant 1 : i32
    scf.for %parallel_loop3A_439 = %parallel_loop3A_196 to %parallel_loop3A_197 step %parallel_loop3A_198  : i32 {
      %parallel_loop3A_440 = arith.constant 384 : i32
      %parallel_loop3A_441 = arith.addi %parallel_loop3A_440, %parallel_loop3A_439 : i32
      %parallel_loop3A_442 = vector.broadcast %parallel_loop3A_441 : i32 to vector<16xi32>
      %parallel_loop3A_443 = tpu.vector_load_idx %arg17[%parallel_loop3A_442] : memref<640xf32, #tpu.memory_space<vmem>>[vector<16xi32>], vector<16xf32>,
      %parallel_loop3A_444 = tpu.vector_load_idx %arg18[%parallel_loop3A_442] : memref<640xf32, #tpu.memory_space<vmem>>[vector<16xi32>], vector<16xf32>,
      %parallel_loop3A_445 = tpu.vector_load_idx %arg19[%parallel_loop3A_442] : memref<640xf32, #tpu.memory_space<vmem>>[vector<16xi32>], vector<16xf32>,
      %parallel_loop3A_446 = arith.index_cast %parallel_loop3A_441 : i32 to index
      %parallel_loop3A_447 = arith.constant 0 : index
      %parallel_loop3A_448 = tpu.vector_load %arg12[%parallel_loop3A_446, %parallel_loop3A_447] {strides = array<i32>} : memref<640x32xf32, #tpu.memory_space<vmem>>, vector<16xf32>,
      %parallel_loop3A_449 = arith.index_cast %parallel_loop3A_441 : i32 to index
      %parallel_loop3A_450 = arith.constant 16 : index
      %parallel_loop3A_451 = tpu.vector_load %arg12[%parallel_loop3A_449, %parallel_loop3A_450] {strides = array<i32>} : memref<640x32xf32, #tpu.memory_space<vmem>>, vector<16xf32>,
      %parallel_loop3A_452 = arith.mulf %parallel_loop3A_444, %parallel_loop3A_448 : vector<16xf32>
      %parallel_loop3A_453 = arith.index_cast %parallel_loop3A_441 : i32 to index
      %parallel_loop3A_454 = arith.constant 0 : index
      %parallel_loop3A_455 = tpu.vector_load %arg13[%parallel_loop3A_453, %parallel_loop3A_454] {strides = array<i32>} : memref<640x32xf32, #tpu.memory_space<vmem>>, vector<16xf32>,
      tpu.vector_store %arg13[%parallel_loop3A_453, %parallel_loop3A_454], %parallel_loop3A_452 {strides = array<i32>} : memref<640x32xf32, #tpu.memory_space<vmem>>, vector<16xf32>,
      %parallel_loop3A_456 = arith.mulf %parallel_loop3A_444, %parallel_loop3A_451 : vector<16xf32>
      %parallel_loop3A_457 = arith.index_cast %parallel_loop3A_441 : i32 to index
      %parallel_loop3A_458 = arith.constant 16 : index
      %parallel_loop3A_459 = tpu.vector_load %arg13[%parallel_loop3A_457, %parallel_loop3A_458] {strides = array<i32>} : memref<640x32xf32, #tpu.memory_space<vmem>>, vector<16xf32>,
      tpu.vector_store %arg13[%parallel_loop3A_457, %parallel_loop3A_458], %parallel_loop3A_456 {strides = array<i32>} : memref<640x32xf32, #tpu.memory_space<vmem>>, vector<16xf32>,
      %parallel_loop3A_460 = arith.mulf %parallel_loop3A_443, %parallel_loop3A_448 : vector<16xf32>
      %parallel_loop3A_461 = arith.index_cast %parallel_loop3A_441 : i32 to index
      %parallel_loop3A_462 = arith.constant 0 : index
      %parallel_loop3A_463 = tpu.vector_load %arg12[%parallel_loop3A_461, %parallel_loop3A_462] {strides = array<i32>} : memref<640x32xf32, #tpu.memory_space<vmem>>, vector<16xf32>,
      tpu.vector_store %arg12[%parallel_loop3A_461, %parallel_loop3A_462], %parallel_loop3A_460 {strides = array<i32>} : memref<640x32xf32, #tpu.memory_space<vmem>>, vector<16xf32>,
      %parallel_loop3A_464 = arith.mulf %parallel_loop3A_443, %parallel_loop3A_451 : vector<16xf32>
      %parallel_loop3A_465 = arith.index_cast %parallel_loop3A_441 : i32 to index
      %parallel_loop3A_466 = arith.constant 16 : index
      %parallel_loop3A_467 = tpu.vector_load %arg12[%parallel_loop3A_465, %parallel_loop3A_466] {strides = array<i32>} : memref<640x32xf32, #tpu.memory_space<vmem>>, vector<16xf32>,
      tpu.vector_store %arg12[%parallel_loop3A_465, %parallel_loop3A_466], %parallel_loop3A_464 {strides = array<i32>} : memref<640x32xf32, #tpu.memory_space<vmem>>, vector<16xf32>,
      %parallel_loop3A_468 = arith.select %eq3A_57, %parallel_loop3A_443, %parallel_loop3A_444 : vector<16xi1>, vector<16xf32>
      %parallel_loop3A_469 = arith.mulf %parallel_loop3A_468, %parallel_loop3A_445 : vector<16xf32>
      %parallel_loop3A_470 = arith.index_cast %parallel_loop3A_441 : i32 to index
      %parallel_loop3A_471 = arith.constant 0 : index
      %parallel_loop3A_472 = tpu.vector_load %arg14[%parallel_loop3A_470, %parallel_loop3A_471] {strides = array<i32>} : memref<640x32xf32, #tpu.memory_space<vmem>>, vector<16xf32>,
      tpu.vector_store %arg14[%parallel_loop3A_470, %parallel_loop3A_471], %parallel_loop3A_469 {strides = array<i32>} : memref<640x32xf32, #tpu.memory_space<vmem>>, vector<16xf32>,
      %parallel_loop3A_473 = arith.index_cast %parallel_loop3A_441 : i32 to index
      %parallel_loop3A_474 = arith.constant 16 : index
      %parallel_loop3A_475 = tpu.vector_load %arg14[%parallel_loop3A_473, %parallel_loop3A_474] {strides = array<i32>} : memref<640x32xf32, #tpu.memory_space<vmem>>, vector<16xf32>,
      tpu.vector_store %arg14[%parallel_loop3A_473, %parallel_loop3A_474], %broadcast_in_dim3A_58 {strides = array<i32>} : memref<640x32xf32, #tpu.memory_space<vmem>>, vector<16xf32>,
    } {sc.loop_unroll_factor = 4 : i64, sc.parallel_access}
    %dma_start3A_199 = arith.constant 3 : i32
    %dma_start3A_200 = arith.constant 384 : i32
    %dma_start3A_201 = arith.constant 0 : i32
    %dma_start3A_202 = tpu.memref_slice %arg12[%dma_start3A_200, %dma_start3A_201] : memref<640x32xf32, #tpu.memory_space<vmem>> -> memref<128x32xf32, #tpu.memory_space<vmem>>
    %dma_start3A_203 = arith.constant 0 : i32
    %dma_start3A_204 = tpu.memref_slice %arg16[%dma_start3A_199, %dma_start3A_203] : memref<5x128xi32, #tpu.memory_space<vmem>> -> memref<1x128xi32, #tpu.memory_space<vmem>>
    %dma_start3A_205 = tpu.memref_squeeze %dma_start3A_204 : memref<1x128xi32, #tpu.memory_space<vmem>> -> memref<128xi32, #tpu.memory_space<vmem>>
    %dma_start3A_206 = arith.constant 0 : i32
    %dma_start3A_207 = arith.constant 0 : i32
    %dma_start3A_208 = tpu.memref_slice %arg22[%dma_start3A_206, %dma_start3A_207] : memref<1536x32xf32, #tpu.memory_space<vmem_shared>> -> memref<1536x32xf32, #tpu.memory_space<vmem_shared>>
    tpu.enqueue_indirect_dma source(%dma_start3A_202 : memref<128x32xf32, #tpu.memory_space<vmem>>) target(%dma_start3A_208 : memref<1536x32xf32, #tpu.memory_space<vmem_shared>>) offsets(%dma_start3A_205 : memref<128xi32, #tpu.memory_space<vmem>>) semaphore(%arg26 : memref<!tpu.dma_semaphore, #tpu.memory_space<semaphore_mem>>) {add = true}
    %dma_start3A_209 = arith.constant 3 : i32
    %dma_start3A_210 = arith.constant 384 : i32
    %dma_start3A_211 = arith.constant 0 : i32
    %dma_start3A_212 = tpu.memref_slice %arg13[%dma_start3A_210, %dma_start3A_211] : memref<640x32xf32, #tpu.memory_space<vmem>> -> memref<128x32xf32, #tpu.memory_space<vmem>>
    %dma_start3A_213 = arith.constant 0 : i32
    %dma_start3A_214 = tpu.memref_slice %arg16[%dma_start3A_209, %dma_start3A_213] : memref<5x128xi32, #tpu.memory_space<vmem>> -> memref<1x128xi32, #tpu.memory_space<vmem>>
    %dma_start3A_215 = tpu.memref_squeeze %dma_start3A_214 : memref<1x128xi32, #tpu.memory_space<vmem>> -> memref<128xi32, #tpu.memory_space<vmem>>
    %dma_start3A_216 = arith.constant 0 : i32
    %dma_start3A_217 = arith.constant 0 : i32
    %dma_start3A_218 = tpu.memref_slice %arg23[%dma_start3A_216, %dma_start3A_217] : memref<1536x32xf32, #tpu.memory_space<vmem_shared>> -> memref<1536x32xf32, #tpu.memory_space<vmem_shared>>
    tpu.enqueue_indirect_dma source(%dma_start3A_212 : memref<128x32xf32, #tpu.memory_space<vmem>>) target(%dma_start3A_218 : memref<1536x32xf32, #tpu.memory_space<vmem_shared>>) offsets(%dma_start3A_215 : memref<128xi32, #tpu.memory_space<vmem>>) semaphore(%arg26 : memref<!tpu.dma_semaphore, #tpu.memory_space<semaphore_mem>>) {add = true}
    %dma_start3A_219 = arith.constant 3 : i32
    %dma_start3A_220 = arith.constant 384 : i32
    %dma_start3A_221 = arith.constant 0 : i32
    %dma_start3A_222 = tpu.memref_slice %arg14[%dma_start3A_220, %dma_start3A_221] : memref<640x32xf32, #tpu.memory_space<vmem>> -> memref<128x32xf32, #tpu.memory_space<vmem>>
    %dma_start3A_223 = arith.constant 0 : i32
    %dma_start3A_224 = tpu.memref_slice %arg16[%dma_start3A_219, %dma_start3A_223] : memref<5x128xi32, #tpu.memory_space<vmem>> -> memref<1x128xi32, #tpu.memory_space<vmem>>
    %dma_start3A_225 = tpu.memref_squeeze %dma_start3A_224 : memref<1x128xi32, #tpu.memory_space<vmem>> -> memref<128xi32, #tpu.memory_space<vmem>>
    %dma_start3A_226 = arith.constant 0 : i32
    %dma_start3A_227 = arith.constant 0 : i32
    %dma_start3A_228 = tpu.memref_slice %arg24[%dma_start3A_226, %dma_start3A_227] : memref<1536x32xf32, #tpu.memory_space<vmem_shared>> -> memref<1536x32xf32, #tpu.memory_space<vmem_shared>>
    tpu.enqueue_indirect_dma source(%dma_start3A_222 : memref<128x32xf32, #tpu.memory_space<vmem>>) target(%dma_start3A_228 : memref<1536x32xf32, #tpu.memory_space<vmem_shared>>) offsets(%dma_start3A_225 : memref<128xi32, #tpu.memory_space<vmem>>) semaphore(%arg26 : memref<!tpu.dma_semaphore, #tpu.memory_space<semaphore_mem>>) {add = true}
    %dma_wait3A_229 = arith.constant 4 : i32
    %dma_wait3A_230 = arith.constant 512 : i32
    %dma_wait3A_231 = arith.constant 0 : i32
    %dma_wait3A_232 = tpu.memref_slice %arg12[%dma_wait3A_230, %dma_wait3A_231] : memref<640x32xf32, #tpu.memory_space<vmem>> -> memref<128x32xf32, #tpu.memory_space<vmem>>
    %dma_wait3A_233 = arith.constant 0 : i32
    %dma_wait3A_234 = tpu.memref_slice %arg15[%dma_wait3A_229, %dma_wait3A_233] : memref<5x128xi32, #tpu.memory_space<vmem>> -> memref<1x128xi32, #tpu.memory_space<vmem>>
    %dma_wait3A_235 = tpu.memref_squeeze %dma_wait3A_234 : memref<1x128xi32, #tpu.memory_space<vmem>> -> memref<128xi32, #tpu.memory_space<vmem>>
    %dma_wait3A_236 = arith.constant 0 : i32
    %dma_wait3A_237 = arith.constant 0 : i32
    %dma_wait3A_238 = tpu.memref_slice %arg2[%dma_wait3A_236, %dma_wait3A_237] : memref<1024x32xf32, #tpu.memory_space<hbm>> -> memref<1024x32xf32, #tpu.memory_space<hbm>>
    tpu.wait_indirect_dma semaphore(%arg25 : memref<!tpu.dma_semaphore, #tpu.memory_space<semaphore_mem>>) src(%dma_wait3A_238 : memref<1024x32xf32, #tpu.memory_space<hbm>>) dst(%dma_wait3A_232 : memref<128x32xf32, #tpu.memory_space<vmem>>)
    %parallel_loop3A_239 = arith.constant 0 : i32
    %parallel_loop3A_240 = arith.constant 128 : i32
    %parallel_loop3A_241 = arith.constant 1 : i32
    scf.for %parallel_loop3A_439 = %parallel_loop3A_239 to %parallel_loop3A_240 step %parallel_loop3A_241  : i32 {
      %parallel_loop3A_440 = arith.constant 512 : i32
      %parallel_loop3A_441 = arith.addi %parallel_loop3A_440, %parallel_loop3A_439 : i32
      %parallel_loop3A_442 = vector.broadcast %parallel_loop3A_441 : i32 to vector<16xi32>
      %parallel_loop3A_443 = tpu.vector_load_idx %arg17[%parallel_loop3A_442] : memref<640xf32, #tpu.memory_space<vmem>>[vector<16xi32>], vector<16xf32>,
      %parallel_loop3A_444 = tpu.vector_load_idx %arg18[%parallel_loop3A_442] : memref<640xf32, #tpu.memory_space<vmem>>[vector<16xi32>], vector<16xf32>,
      %parallel_loop3A_445 = tpu.vector_load_idx %arg19[%parallel_loop3A_442] : memref<640xf32, #tpu.memory_space<vmem>>[vector<16xi32>], vector<16xf32>,
      %parallel_loop3A_446 = arith.index_cast %parallel_loop3A_441 : i32 to index
      %parallel_loop3A_447 = arith.constant 0 : index
      %parallel_loop3A_448 = tpu.vector_load %arg12[%parallel_loop3A_446, %parallel_loop3A_447] {strides = array<i32>} : memref<640x32xf32, #tpu.memory_space<vmem>>, vector<16xf32>,
      %parallel_loop3A_449 = arith.index_cast %parallel_loop3A_441 : i32 to index
      %parallel_loop3A_450 = arith.constant 16 : index
      %parallel_loop3A_451 = tpu.vector_load %arg12[%parallel_loop3A_449, %parallel_loop3A_450] {strides = array<i32>} : memref<640x32xf32, #tpu.memory_space<vmem>>, vector<16xf32>,
      %parallel_loop3A_452 = arith.mulf %parallel_loop3A_444, %parallel_loop3A_448 : vector<16xf32>
      %parallel_loop3A_453 = arith.index_cast %parallel_loop3A_441 : i32 to index
      %parallel_loop3A_454 = arith.constant 0 : index
      %parallel_loop3A_455 = tpu.vector_load %arg13[%parallel_loop3A_453, %parallel_loop3A_454] {strides = array<i32>} : memref<640x32xf32, #tpu.memory_space<vmem>>, vector<16xf32>,
      tpu.vector_store %arg13[%parallel_loop3A_453, %parallel_loop3A_454], %parallel_loop3A_452 {strides = array<i32>} : memref<640x32xf32, #tpu.memory_space<vmem>>, vector<16xf32>,
      %parallel_loop3A_456 = arith.mulf %parallel_loop3A_444, %parallel_loop3A_451 : vector<16xf32>
      %parallel_loop3A_457 = arith.index_cast %parallel_loop3A_441 : i32 to index
      %parallel_loop3A_458 = arith.constant 16 : index
      %parallel_loop3A_459 = tpu.vector_load %arg13[%parallel_loop3A_457, %parallel_loop3A_458] {strides = array<i32>} : memref<640x32xf32, #tpu.memory_space<vmem>>, vector<16xf32>,
      tpu.vector_store %arg13[%parallel_loop3A_457, %parallel_loop3A_458], %parallel_loop3A_456 {strides = array<i32>} : memref<640x32xf32, #tpu.memory_space<vmem>>, vector<16xf32>,
      %parallel_loop3A_460 = arith.mulf %parallel_loop3A_443, %parallel_loop3A_448 : vector<16xf32>
      %parallel_loop3A_461 = arith.index_cast %parallel_loop3A_441 : i32 to index
      %parallel_loop3A_462 = arith.constant 0 : index
      %parallel_loop3A_463 = tpu.vector_load %arg12[%parallel_loop3A_461, %parallel_loop3A_462] {strides = array<i32>} : memref<640x32xf32, #tpu.memory_space<vmem>>, vector<16xf32>,
      tpu.vector_store %arg12[%parallel_loop3A_461, %parallel_loop3A_462], %parallel_loop3A_460 {strides = array<i32>} : memref<640x32xf32, #tpu.memory_space<vmem>>, vector<16xf32>,
      %parallel_loop3A_464 = arith.mulf %parallel_loop3A_443, %parallel_loop3A_451 : vector<16xf32>
      %parallel_loop3A_465 = arith.index_cast %parallel_loop3A_441 : i32 to index
      %parallel_loop3A_466 = arith.constant 16 : index
      %parallel_loop3A_467 = tpu.vector_load %arg12[%parallel_loop3A_465, %parallel_loop3A_466] {strides = array<i32>} : memref<640x32xf32, #tpu.memory_space<vmem>>, vector<16xf32>,
      tpu.vector_store %arg12[%parallel_loop3A_465, %parallel_loop3A_466], %parallel_loop3A_464 {strides = array<i32>} : memref<640x32xf32, #tpu.memory_space<vmem>>, vector<16xf32>,
      %parallel_loop3A_468 = arith.select %eq3A_57, %parallel_loop3A_443, %parallel_loop3A_444 : vector<16xi1>, vector<16xf32>
      %parallel_loop3A_469 = arith.mulf %parallel_loop3A_468, %parallel_loop3A_445 : vector<16xf32>
      %parallel_loop3A_470 = arith.index_cast %parallel_loop3A_441 : i32 to index
      %parallel_loop3A_471 = arith.constant 0 : index
      %parallel_loop3A_472 = tpu.vector_load %arg14[%parallel_loop3A_470, %parallel_loop3A_471] {strides = array<i32>} : memref<640x32xf32, #tpu.memory_space<vmem>>, vector<16xf32>,
      tpu.vector_store %arg14[%parallel_loop3A_470, %parallel_loop3A_471], %parallel_loop3A_469 {strides = array<i32>} : memref<640x32xf32, #tpu.memory_space<vmem>>, vector<16xf32>,
      %parallel_loop3A_473 = arith.index_cast %parallel_loop3A_441 : i32 to index
      %parallel_loop3A_474 = arith.constant 16 : index
      %parallel_loop3A_475 = tpu.vector_load %arg14[%parallel_loop3A_473, %parallel_loop3A_474] {strides = array<i32>} : memref<640x32xf32, #tpu.memory_space<vmem>>, vector<16xf32>,
      tpu.vector_store %arg14[%parallel_loop3A_473, %parallel_loop3A_474], %broadcast_in_dim3A_58 {strides = array<i32>} : memref<640x32xf32, #tpu.memory_space<vmem>>, vector<16xf32>,
    } {sc.loop_unroll_factor = 4 : i64, sc.parallel_access}
    %dma_start3A_242 = arith.constant 4 : i32
    %dma_start3A_243 = arith.constant 512 : i32
    %dma_start3A_244 = arith.constant 0 : i32
    %dma_start3A_245 = tpu.memref_slice %arg12[%dma_start3A_243, %dma_start3A_244] : memref<640x32xf32, #tpu.memory_space<vmem>> -> memref<128x32xf32, #tpu.memory_space<vmem>>
    %dma_start3A_246 = arith.constant 0 : i32
    %dma_start3A_247 = tpu.memref_slice %arg16[%dma_start3A_242, %dma_start3A_246] : memref<5x128xi32, #tpu.memory_space<vmem>> -> memref<1x128xi32, #tpu.memory_space<vmem>>
    %dma_start3A_248 = tpu.memref_squeeze %dma_start3A_247 : memref<1x128xi32, #tpu.memory_space<vmem>> -> memref<128xi32, #tpu.memory_space<vmem>>
    %dma_start3A_249 = arith.constant 0 : i32
    %dma_start3A_250 = arith.constant 0 : i32
    %dma_start3A_251 = tpu.memref_slice %arg22[%dma_start3A_249, %dma_start3A_250] : memref<1536x32xf32, #tpu.memory_space<vmem_shared>> -> memref<1536x32xf32, #tpu.memory_space<vmem_shared>>
    tpu.enqueue_indirect_dma source(%dma_start3A_245 : memref<128x32xf32, #tpu.memory_space<vmem>>) target(%dma_start3A_251 : memref<1536x32xf32, #tpu.memory_space<vmem_shared>>) offsets(%dma_start3A_248 : memref<128xi32, #tpu.memory_space<vmem>>) semaphore(%arg26 : memref<!tpu.dma_semaphore, #tpu.memory_space<semaphore_mem>>) {add = true}
    %dma_start3A_252 = arith.constant 4 : i32
    %dma_start3A_253 = arith.constant 512 : i32
    %dma_start3A_254 = arith.constant 0 : i32
    %dma_start3A_255 = tpu.memref_slice %arg13[%dma_start3A_253, %dma_start3A_254] : memref<640x32xf32, #tpu.memory_space<vmem>> -> memref<128x32xf32, #tpu.memory_space<vmem>>
    %dma_start3A_256 = arith.constant 0 : i32
    %dma_start3A_257 = tpu.memref_slice %arg16[%dma_start3A_252, %dma_start3A_256] : memref<5x128xi32, #tpu.memory_space<vmem>> -> memref<1x128xi32, #tpu.memory_space<vmem>>
    %dma_start3A_258 = tpu.memref_squeeze %dma_start3A_257 : memref<1x128xi32, #tpu.memory_space<vmem>> -> memref<128xi32, #tpu.memory_space<vmem>>
    %dma_start3A_259 = arith.constant 0 : i32
    %dma_start3A_260 = arith.constant 0 : i32
    %dma_start3A_261 = tpu.memref_slice %arg23[%dma_start3A_259, %dma_start3A_260] : memref<1536x32xf32, #tpu.memory_space<vmem_shared>> -> memref<1536x32xf32, #tpu.memory_space<vmem_shared>>
    tpu.enqueue_indirect_dma source(%dma_start3A_255 : memref<128x32xf32, #tpu.memory_space<vmem>>) target(%dma_start3A_261 : memref<1536x32xf32, #tpu.memory_space<vmem_shared>>) offsets(%dma_start3A_258 : memref<128xi32, #tpu.memory_space<vmem>>) semaphore(%arg26 : memref<!tpu.dma_semaphore, #tpu.memory_space<semaphore_mem>>) {add = true}
    %dma_start3A_262 = arith.constant 4 : i32
    %dma_start3A_263 = arith.constant 512 : i32
    %dma_start3A_264 = arith.constant 0 : i32
    %dma_start3A_265 = tpu.memref_slice %arg14[%dma_start3A_263, %dma_start3A_264] : memref<640x32xf32, #tpu.memory_space<vmem>> -> memref<128x32xf32, #tpu.memory_space<vmem>>
    %dma_start3A_266 = arith.constant 0 : i32
    %dma_start3A_267 = tpu.memref_slice %arg16[%dma_start3A_262, %dma_start3A_266] : memref<5x128xi32, #tpu.memory_space<vmem>> -> memref<1x128xi32, #tpu.memory_space<vmem>>
    %dma_start3A_268 = tpu.memref_squeeze %dma_start3A_267 : memref<1x128xi32, #tpu.memory_space<vmem>> -> memref<128xi32, #tpu.memory_space<vmem>>
    %dma_start3A_269 = arith.constant 0 : i32
    %dma_start3A_270 = arith.constant 0 : i32
    %dma_start3A_271 = tpu.memref_slice %arg24[%dma_start3A_269, %dma_start3A_270] : memref<1536x32xf32, #tpu.memory_space<vmem_shared>> -> memref<1536x32xf32, #tpu.memory_space<vmem_shared>>
    tpu.enqueue_indirect_dma source(%dma_start3A_265 : memref<128x32xf32, #tpu.memory_space<vmem>>) target(%dma_start3A_271 : memref<1536x32xf32, #tpu.memory_space<vmem_shared>>) offsets(%dma_start3A_268 : memref<128xi32, #tpu.memory_space<vmem>>) semaphore(%arg26 : memref<!tpu.dma_semaphore, #tpu.memory_space<semaphore_mem>>) {add = true}
    %dma_wait3A_272 = arith.constant 0 : i32
    %dma_wait3A_273 = arith.constant 0 : i32
    %dma_wait3A_274 = arith.constant 0 : i32
    %dma_wait3A_275 = tpu.memref_slice %arg12[%dma_wait3A_273, %dma_wait3A_274] : memref<640x32xf32, #tpu.memory_space<vmem>> -> memref<128x32xf32, #tpu.memory_space<vmem>>
    %dma_wait3A_276 = arith.constant 0 : i32
    %dma_wait3A_277 = tpu.memref_slice %arg16[%dma_wait3A_272, %dma_wait3A_276] : memref<5x128xi32, #tpu.memory_space<vmem>> -> memref<1x128xi32, #tpu.memory_space<vmem>>
    %dma_wait3A_278 = tpu.memref_squeeze %dma_wait3A_277 : memref<1x128xi32, #tpu.memory_space<vmem>> -> memref<128xi32, #tpu.memory_space<vmem>>
    %dma_wait3A_279 = arith.constant 0 : i32
    %dma_wait3A_280 = arith.constant 0 : i32
    %dma_wait3A_281 = tpu.memref_slice %arg22[%dma_wait3A_279, %dma_wait3A_280] : memref<1536x32xf32, #tpu.memory_space<vmem_shared>> -> memref<1536x32xf32, #tpu.memory_space<vmem_shared>>
    tpu.wait_indirect_dma semaphore(%arg26 : memref<!tpu.dma_semaphore, #tpu.memory_space<semaphore_mem>>) src(%dma_wait3A_275 : memref<128x32xf32, #tpu.memory_space<vmem>>) dst(%dma_wait3A_281 : memref<1536x32xf32, #tpu.memory_space<vmem_shared>>)
    %dma_wait3A_282 = arith.constant 0 : i32
    %dma_wait3A_283 = arith.constant 0 : i32
    %dma_wait3A_284 = arith.constant 0 : i32
    %dma_wait3A_285 = tpu.memref_slice %arg13[%dma_wait3A_283, %dma_wait3A_284] : memref<640x32xf32, #tpu.memory_space<vmem>> -> memref<128x32xf32, #tpu.memory_space<vmem>>
    %dma_wait3A_286 = arith.constant 0 : i32
    %dma_wait3A_287 = tpu.memref_slice %arg16[%dma_wait3A_282, %dma_wait3A_286] : memref<5x128xi32, #tpu.memory_space<vmem>> -> memref<1x128xi32, #tpu.memory_space<vmem>>
    %dma_wait3A_288 = tpu.memref_squeeze %dma_wait3A_287 : memref<1x128xi32, #tpu.memory_space<vmem>> -> memref<128xi32, #tpu.memory_space<vmem>>
    %dma_wait3A_289 = arith.constant 0 : i32
    %dma_wait3A_290 = arith.constant 0 : i32
    %dma_wait3A_291 = tpu.memref_slice %arg23[%dma_wait3A_289, %dma_wait3A_290] : memref<1536x32xf32, #tpu.memory_space<vmem_shared>> -> memref<1536x32xf32, #tpu.memory_space<vmem_shared>>
    tpu.wait_indirect_dma semaphore(%arg26 : memref<!tpu.dma_semaphore, #tpu.memory_space<semaphore_mem>>) src(%dma_wait3A_285 : memref<128x32xf32, #tpu.memory_space<vmem>>) dst(%dma_wait3A_291 : memref<1536x32xf32, #tpu.memory_space<vmem_shared>>)
    %dma_wait3A_292 = arith.constant 0 : i32
    %dma_wait3A_293 = arith.constant 0 : i32
    %dma_wait3A_294 = arith.constant 0 : i32
    %dma_wait3A_295 = tpu.memref_slice %arg14[%dma_wait3A_293, %dma_wait3A_294] : memref<640x32xf32, #tpu.memory_space<vmem>> -> memref<128x32xf32, #tpu.memory_space<vmem>>
    %dma_wait3A_296 = arith.constant 0 : i32
    %dma_wait3A_297 = tpu.memref_slice %arg16[%dma_wait3A_292, %dma_wait3A_296] : memref<5x128xi32, #tpu.memory_space<vmem>> -> memref<1x128xi32, #tpu.memory_space<vmem>>
    %dma_wait3A_298 = tpu.memref_squeeze %dma_wait3A_297 : memref<1x128xi32, #tpu.memory_space<vmem>> -> memref<128xi32, #tpu.memory_space<vmem>>
    %dma_wait3A_299 = arith.constant 0 : i32
    %dma_wait3A_300 = arith.constant 0 : i32
    %dma_wait3A_301 = tpu.memref_slice %arg24[%dma_wait3A_299, %dma_wait3A_300] : memref<1536x32xf32, #tpu.memory_space<vmem_shared>> -> memref<1536x32xf32, #tpu.memory_space<vmem_shared>>
    tpu.wait_indirect_dma semaphore(%arg26 : memref<!tpu.dma_semaphore, #tpu.memory_space<semaphore_mem>>) src(%dma_wait3A_295 : memref<128x32xf32, #tpu.memory_space<vmem>>) dst(%dma_wait3A_301 : memref<1536x32xf32, #tpu.memory_space<vmem_shared>>)
    %dma_wait3A_302 = arith.constant 1 : i32
    %dma_wait3A_303 = arith.constant 128 : i32
    %dma_wait3A_304 = arith.constant 0 : i32
    %dma_wait3A_305 = tpu.memref_slice %arg12[%dma_wait3A_303, %dma_wait3A_304] : memref<640x32xf32, #tpu.memory_space<vmem>> -> memref<128x32xf32, #tpu.memory_space<vmem>>
    %dma_wait3A_306 = arith.constant 0 : i32
    %dma_wait3A_307 = tpu.memref_slice %arg16[%dma_wait3A_302, %dma_wait3A_306] : memref<5x128xi32, #tpu.memory_space<vmem>> -> memref<1x128xi32, #tpu.memory_space<vmem>>
    %dma_wait3A_308 = tpu.memref_squeeze %dma_wait3A_307 : memref<1x128xi32, #tpu.memory_space<vmem>> -> memref<128xi32, #tpu.memory_space<vmem>>
    %dma_wait3A_309 = arith.constant 0 : i32
    %dma_wait3A_310 = arith.constant 0 : i32
    %dma_wait3A_311 = tpu.memref_slice %arg22[%dma_wait3A_309, %dma_wait3A_310] : memref<1536x32xf32, #tpu.memory_space<vmem_shared>> -> memref<1536x32xf32, #tpu.memory_space<vmem_shared>>
    tpu.wait_indirect_dma semaphore(%arg26 : memref<!tpu.dma_semaphore, #tpu.memory_space<semaphore_mem>>) src(%dma_wait3A_305 : memref<128x32xf32, #tpu.memory_space<vmem>>) dst(%dma_wait3A_311 : memref<1536x32xf32, #tpu.memory_space<vmem_shared>>)
    %dma_wait3A_312 = arith.constant 1 : i32
    %dma_wait3A_313 = arith.constant 128 : i32
    %dma_wait3A_314 = arith.constant 0 : i32
    %dma_wait3A_315 = tpu.memref_slice %arg13[%dma_wait3A_313, %dma_wait3A_314] : memref<640x32xf32, #tpu.memory_space<vmem>> -> memref<128x32xf32, #tpu.memory_space<vmem>>
    %dma_wait3A_316 = arith.constant 0 : i32
    %dma_wait3A_317 = tpu.memref_slice %arg16[%dma_wait3A_312, %dma_wait3A_316] : memref<5x128xi32, #tpu.memory_space<vmem>> -> memref<1x128xi32, #tpu.memory_space<vmem>>
    %dma_wait3A_318 = tpu.memref_squeeze %dma_wait3A_317 : memref<1x128xi32, #tpu.memory_space<vmem>> -> memref<128xi32, #tpu.memory_space<vmem>>
    %dma_wait3A_319 = arith.constant 0 : i32
    %dma_wait3A_320 = arith.constant 0 : i32
    %dma_wait3A_321 = tpu.memref_slice %arg23[%dma_wait3A_319, %dma_wait3A_320] : memref<1536x32xf32, #tpu.memory_space<vmem_shared>> -> memref<1536x32xf32, #tpu.memory_space<vmem_shared>>
    tpu.wait_indirect_dma semaphore(%arg26 : memref<!tpu.dma_semaphore, #tpu.memory_space<semaphore_mem>>) src(%dma_wait3A_315 : memref<128x32xf32, #tpu.memory_space<vmem>>) dst(%dma_wait3A_321 : memref<1536x32xf32, #tpu.memory_space<vmem_shared>>)
    %dma_wait3A_322 = arith.constant 1 : i32
    %dma_wait3A_323 = arith.constant 128 : i32
    %dma_wait3A_324 = arith.constant 0 : i32
    %dma_wait3A_325 = tpu.memref_slice %arg14[%dma_wait3A_323, %dma_wait3A_324] : memref<640x32xf32, #tpu.memory_space<vmem>> -> memref<128x32xf32, #tpu.memory_space<vmem>>
    %dma_wait3A_326 = arith.constant 0 : i32
    %dma_wait3A_327 = tpu.memref_slice %arg16[%dma_wait3A_322, %dma_wait3A_326] : memref<5x128xi32, #tpu.memory_space<vmem>> -> memref<1x128xi32, #tpu.memory_space<vmem>>
    %dma_wait3A_328 = tpu.memref_squeeze %dma_wait3A_327 : memref<1x128xi32, #tpu.memory_space<vmem>> -> memref<128xi32, #tpu.memory_space<vmem>>
    %dma_wait3A_329 = arith.constant 0 : i32
    %dma_wait3A_330 = arith.constant 0 : i32
    %dma_wait3A_331 = tpu.memref_slice %arg24[%dma_wait3A_329, %dma_wait3A_330] : memref<1536x32xf32, #tpu.memory_space<vmem_shared>> -> memref<1536x32xf32, #tpu.memory_space<vmem_shared>>
    tpu.wait_indirect_dma semaphore(%arg26 : memref<!tpu.dma_semaphore, #tpu.memory_space<semaphore_mem>>) src(%dma_wait3A_325 : memref<128x32xf32, #tpu.memory_space<vmem>>) dst(%dma_wait3A_331 : memref<1536x32xf32, #tpu.memory_space<vmem_shared>>)
    %dma_wait3A_332 = arith.constant 2 : i32
    %dma_wait3A_333 = arith.constant 256 : i32
    %dma_wait3A_334 = arith.constant 0 : i32
    %dma_wait3A_335 = tpu.memref_slice %arg12[%dma_wait3A_333, %dma_wait3A_334] : memref<640x32xf32, #tpu.memory_space<vmem>> -> memref<128x32xf32, #tpu.memory_space<vmem>>
    %dma_wait3A_336 = arith.constant 0 : i32
    %dma_wait3A_337 = tpu.memref_slice %arg16[%dma_wait3A_332, %dma_wait3A_336] : memref<5x128xi32, #tpu.memory_space<vmem>> -> memref<1x128xi32, #tpu.memory_space<vmem>>
    %dma_wait3A_338 = tpu.memref_squeeze %dma_wait3A_337 : memref<1x128xi32, #tpu.memory_space<vmem>> -> memref<128xi32, #tpu.memory_space<vmem>>
    %dma_wait3A_339 = arith.constant 0 : i32
    %dma_wait3A_340 = arith.constant 0 : i32
    %dma_wait3A_341 = tpu.memref_slice %arg22[%dma_wait3A_339, %dma_wait3A_340] : memref<1536x32xf32, #tpu.memory_space<vmem_shared>> -> memref<1536x32xf32, #tpu.memory_space<vmem_shared>>
    tpu.wait_indirect_dma semaphore(%arg26 : memref<!tpu.dma_semaphore, #tpu.memory_space<semaphore_mem>>) src(%dma_wait3A_335 : memref<128x32xf32, #tpu.memory_space<vmem>>) dst(%dma_wait3A_341 : memref<1536x32xf32, #tpu.memory_space<vmem_shared>>)
    %dma_wait3A_342 = arith.constant 2 : i32
    %dma_wait3A_343 = arith.constant 256 : i32
    %dma_wait3A_344 = arith.constant 0 : i32
    %dma_wait3A_345 = tpu.memref_slice %arg13[%dma_wait3A_343, %dma_wait3A_344] : memref<640x32xf32, #tpu.memory_space<vmem>> -> memref<128x32xf32, #tpu.memory_space<vmem>>
    %dma_wait3A_346 = arith.constant 0 : i32
    %dma_wait3A_347 = tpu.memref_slice %arg16[%dma_wait3A_342, %dma_wait3A_346] : memref<5x128xi32, #tpu.memory_space<vmem>> -> memref<1x128xi32, #tpu.memory_space<vmem>>
    %dma_wait3A_348 = tpu.memref_squeeze %dma_wait3A_347 : memref<1x128xi32, #tpu.memory_space<vmem>> -> memref<128xi32, #tpu.memory_space<vmem>>
    %dma_wait3A_349 = arith.constant 0 : i32
    %dma_wait3A_350 = arith.constant 0 : i32
    %dma_wait3A_351 = tpu.memref_slice %arg23[%dma_wait3A_349, %dma_wait3A_350] : memref<1536x32xf32, #tpu.memory_space<vmem_shared>> -> memref<1536x32xf32, #tpu.memory_space<vmem_shared>>
    tpu.wait_indirect_dma semaphore(%arg26 : memref<!tpu.dma_semaphore, #tpu.memory_space<semaphore_mem>>) src(%dma_wait3A_345 : memref<128x32xf32, #tpu.memory_space<vmem>>) dst(%dma_wait3A_351 : memref<1536x32xf32, #tpu.memory_space<vmem_shared>>)
    %dma_wait3A_352 = arith.constant 2 : i32
    %dma_wait3A_353 = arith.constant 256 : i32
    %dma_wait3A_354 = arith.constant 0 : i32
    %dma_wait3A_355 = tpu.memref_slice %arg14[%dma_wait3A_353, %dma_wait3A_354] : memref<640x32xf32, #tpu.memory_space<vmem>> -> memref<128x32xf32, #tpu.memory_space<vmem>>
    %dma_wait3A_356 = arith.constant 0 : i32
    %dma_wait3A_357 = tpu.memref_slice %arg16[%dma_wait3A_352, %dma_wait3A_356] : memref<5x128xi32, #tpu.memory_space<vmem>> -> memref<1x128xi32, #tpu.memory_space<vmem>>
    %dma_wait3A_358 = tpu.memref_squeeze %dma_wait3A_357 : memref<1x128xi32, #tpu.memory_space<vmem>> -> memref<128xi32, #tpu.memory_space<vmem>>
    %dma_wait3A_359 = arith.constant 0 : i32
    %dma_wait3A_360 = arith.constant 0 : i32
    %dma_wait3A_361 = tpu.memref_slice %arg24[%dma_wait3A_359, %dma_wait3A_360] : memref<1536x32xf32, #tpu.memory_space<vmem_shared>> -> memref<1536x32xf32, #tpu.memory_space<vmem_shared>>
    tpu.wait_indirect_dma semaphore(%arg26 : memref<!tpu.dma_semaphore, #tpu.memory_space<semaphore_mem>>) src(%dma_wait3A_355 : memref<128x32xf32, #tpu.memory_space<vmem>>) dst(%dma_wait3A_361 : memref<1536x32xf32, #tpu.memory_space<vmem_shared>>)
    %dma_wait3A_362 = arith.constant 3 : i32
    %dma_wait3A_363 = arith.constant 384 : i32
    %dma_wait3A_364 = arith.constant 0 : i32
    %dma_wait3A_365 = tpu.memref_slice %arg12[%dma_wait3A_363, %dma_wait3A_364] : memref<640x32xf32, #tpu.memory_space<vmem>> -> memref<128x32xf32, #tpu.memory_space<vmem>>
    %dma_wait3A_366 = arith.constant 0 : i32
    %dma_wait3A_367 = tpu.memref_slice %arg16[%dma_wait3A_362, %dma_wait3A_366] : memref<5x128xi32, #tpu.memory_space<vmem>> -> memref<1x128xi32, #tpu.memory_space<vmem>>
    %dma_wait3A_368 = tpu.memref_squeeze %dma_wait3A_367 : memref<1x128xi32, #tpu.memory_space<vmem>> -> memref<128xi32, #tpu.memory_space<vmem>>
    %dma_wait3A_369 = arith.constant 0 : i32
    %dma_wait3A_370 = arith.constant 0 : i32
    %dma_wait3A_371 = tpu.memref_slice %arg22[%dma_wait3A_369, %dma_wait3A_370] : memref<1536x32xf32, #tpu.memory_space<vmem_shared>> -> memref<1536x32xf32, #tpu.memory_space<vmem_shared>>
    tpu.wait_indirect_dma semaphore(%arg26 : memref<!tpu.dma_semaphore, #tpu.memory_space<semaphore_mem>>) src(%dma_wait3A_365 : memref<128x32xf32, #tpu.memory_space<vmem>>) dst(%dma_wait3A_371 : memref<1536x32xf32, #tpu.memory_space<vmem_shared>>)
    %dma_wait3A_372 = arith.constant 3 : i32
    %dma_wait3A_373 = arith.constant 384 : i32
    %dma_wait3A_374 = arith.constant 0 : i32
    %dma_wait3A_375 = tpu.memref_slice %arg13[%dma_wait3A_373, %dma_wait3A_374] : memref<640x32xf32, #tpu.memory_space<vmem>> -> memref<128x32xf32, #tpu.memory_space<vmem>>
    %dma_wait3A_376 = arith.constant 0 : i32
    %dma_wait3A_377 = tpu.memref_slice %arg16[%dma_wait3A_372, %dma_wait3A_376] : memref<5x128xi32, #tpu.memory_space<vmem>> -> memref<1x128xi32, #tpu.memory_space<vmem>>
    %dma_wait3A_378 = tpu.memref_squeeze %dma_wait3A_377 : memref<1x128xi32, #tpu.memory_space<vmem>> -> memref<128xi32, #tpu.memory_space<vmem>>
    %dma_wait3A_379 = arith.constant 0 : i32
    %dma_wait3A_380 = arith.constant 0 : i32
    %dma_wait3A_381 = tpu.memref_slice %arg23[%dma_wait3A_379, %dma_wait3A_380] : memref<1536x32xf32, #tpu.memory_space<vmem_shared>> -> memref<1536x32xf32, #tpu.memory_space<vmem_shared>>
    tpu.wait_indirect_dma semaphore(%arg26 : memref<!tpu.dma_semaphore, #tpu.memory_space<semaphore_mem>>) src(%dma_wait3A_375 : memref<128x32xf32, #tpu.memory_space<vmem>>) dst(%dma_wait3A_381 : memref<1536x32xf32, #tpu.memory_space<vmem_shared>>)
    %dma_wait3A_382 = arith.constant 3 : i32
    %dma_wait3A_383 = arith.constant 384 : i32
    %dma_wait3A_384 = arith.constant 0 : i32
    %dma_wait3A_385 = tpu.memref_slice %arg14[%dma_wait3A_383, %dma_wait3A_384] : memref<640x32xf32, #tpu.memory_space<vmem>> -> memref<128x32xf32, #tpu.memory_space<vmem>>
    %dma_wait3A_386 = arith.constant 0 : i32
    %dma_wait3A_387 = tpu.memref_slice %arg16[%dma_wait3A_382, %dma_wait3A_386] : memref<5x128xi32, #tpu.memory_space<vmem>> -> memref<1x128xi32, #tpu.memory_space<vmem>>
    %dma_wait3A_388 = tpu.memref_squeeze %dma_wait3A_387 : memref<1x128xi32, #tpu.memory_space<vmem>> -> memref<128xi32, #tpu.memory_space<vmem>>
    %dma_wait3A_389 = arith.constant 0 : i32
    %dma_wait3A_390 = arith.constant 0 : i32
    %dma_wait3A_391 = tpu.memref_slice %arg24[%dma_wait3A_389, %dma_wait3A_390] : memref<1536x32xf32, #tpu.memory_space<vmem_shared>> -> memref<1536x32xf32, #tpu.memory_space<vmem_shared>>
    tpu.wait_indirect_dma semaphore(%arg26 : memref<!tpu.dma_semaphore, #tpu.memory_space<semaphore_mem>>) src(%dma_wait3A_385 : memref<128x32xf32, #tpu.memory_space<vmem>>) dst(%dma_wait3A_391 : memref<1536x32xf32, #tpu.memory_space<vmem_shared>>)
    %dma_wait3A_392 = arith.constant 4 : i32
    %dma_wait3A_393 = arith.constant 512 : i32
    %dma_wait3A_394 = arith.constant 0 : i32
    %dma_wait3A_395 = tpu.memref_slice %arg12[%dma_wait3A_393, %dma_wait3A_394] : memref<640x32xf32, #tpu.memory_space<vmem>> -> memref<128x32xf32, #tpu.memory_space<vmem>>
    %dma_wait3A_396 = arith.constant 0 : i32
    %dma_wait3A_397 = tpu.memref_slice %arg16[%dma_wait3A_392, %dma_wait3A_396] : memref<5x128xi32, #tpu.memory_space<vmem>> -> memref<1x128xi32, #tpu.memory_space<vmem>>
    %dma_wait3A_398 = tpu.memref_squeeze %dma_wait3A_397 : memref<1x128xi32, #tpu.memory_space<vmem>> -> memref<128xi32, #tpu.memory_space<vmem>>
    %dma_wait3A_399 = arith.constant 0 : i32
    %dma_wait3A_400 = arith.constant 0 : i32
    %dma_wait3A_401 = tpu.memref_slice %arg22[%dma_wait3A_399, %dma_wait3A_400] : memref<1536x32xf32, #tpu.memory_space<vmem_shared>> -> memref<1536x32xf32, #tpu.memory_space<vmem_shared>>
    tpu.wait_indirect_dma semaphore(%arg26 : memref<!tpu.dma_semaphore, #tpu.memory_space<semaphore_mem>>) src(%dma_wait3A_395 : memref<128x32xf32, #tpu.memory_space<vmem>>) dst(%dma_wait3A_401 : memref<1536x32xf32, #tpu.memory_space<vmem_shared>>)
    %dma_wait3A_402 = arith.constant 4 : i32
    %dma_wait3A_403 = arith.constant 512 : i32
    %dma_wait3A_404 = arith.constant 0 : i32
    %dma_wait3A_405 = tpu.memref_slice %arg13[%dma_wait3A_403, %dma_wait3A_404] : memref<640x32xf32, #tpu.memory_space<vmem>> -> memref<128x32xf32, #tpu.memory_space<vmem>>
    %dma_wait3A_406 = arith.constant 0 : i32
    %dma_wait3A_407 = tpu.memref_slice %arg16[%dma_wait3A_402, %dma_wait3A_406] : memref<5x128xi32, #tpu.memory_space<vmem>> -> memref<1x128xi32, #tpu.memory_space<vmem>>
    %dma_wait3A_408 = tpu.memref_squeeze %dma_wait3A_407 : memref<1x128xi32, #tpu.memory_space<vmem>> -> memref<128xi32, #tpu.memory_space<vmem>>
    %dma_wait3A_409 = arith.constant 0 : i32
    %dma_wait3A_410 = arith.constant 0 : i32
    %dma_wait3A_411 = tpu.memref_slice %arg23[%dma_wait3A_409, %dma_wait3A_410] : memref<1536x32xf32, #tpu.memory_space<vmem_shared>> -> memref<1536x32xf32, #tpu.memory_space<vmem_shared>>
    tpu.wait_indirect_dma semaphore(%arg26 : memref<!tpu.dma_semaphore, #tpu.memory_space<semaphore_mem>>) src(%dma_wait3A_405 : memref<128x32xf32, #tpu.memory_space<vmem>>) dst(%dma_wait3A_411 : memref<1536x32xf32, #tpu.memory_space<vmem_shared>>)
    %dma_wait3A_412 = arith.constant 4 : i32
    %dma_wait3A_413 = arith.constant 512 : i32
    %dma_wait3A_414 = arith.constant 0 : i32
    %dma_wait3A_415 = tpu.memref_slice %arg14[%dma_wait3A_413, %dma_wait3A_414] : memref<640x32xf32, #tpu.memory_space<vmem>> -> memref<128x32xf32, #tpu.memory_space<vmem>>
    %dma_wait3A_416 = arith.constant 0 : i32
    %dma_wait3A_417 = tpu.memref_slice %arg16[%dma_wait3A_412, %dma_wait3A_416] : memref<5x128xi32, #tpu.memory_space<vmem>> -> memref<1x128xi32, #tpu.memory_space<vmem>>
    %dma_wait3A_418 = tpu.memref_squeeze %dma_wait3A_417 : memref<1x128xi32, #tpu.memory_space<vmem>> -> memref<128xi32, #tpu.memory_space<vmem>>
    %dma_wait3A_419 = arith.constant 0 : i32
    %dma_wait3A_420 = arith.constant 0 : i32
    %dma_wait3A_421 = tpu.memref_slice %arg24[%dma_wait3A_419, %dma_wait3A_420] : memref<1536x32xf32, #tpu.memory_space<vmem_shared>> -> memref<1536x32xf32, #tpu.memory_space<vmem_shared>>
    tpu.wait_indirect_dma semaphore(%arg26 : memref<!tpu.dma_semaphore, #tpu.memory_space<semaphore_mem>>) src(%dma_wait3A_415 : memref<128x32xf32, #tpu.memory_space<vmem>>) dst(%dma_wait3A_421 : memref<1536x32xf32, #tpu.memory_space<vmem_shared>>)
    %barrier3A_422 = arith.constant 0 : index
    tpu.barrier barrier_id(%barrier3A_422)
    %mul3A_423 = arith.constant 64 : i32
    %mul3A_424 = arith.muli %arg1, %mul3A_423 : i32
    %mul3A_425 = arith.constant 256 : i32
    %mul3A_426 = arith.muli %arg0, %mul3A_425 : i32
    %mul3A_427 = arith.constant 16 : i32
    %mul3A_428 = arith.muli %arg1, %mul3A_427 : i32
    %add3A_429 = arith.addi %mul3A_426, %mul3A_428 : i32
    "tpu.region"() ({
      %run_scoped3A = tpu.sem_alloc : memref<!tpu.dma_semaphore, #tpu.memory_space<semaphore_mem>>
      %dma_start3A_439 = arith.constant 0 : i32
      %dma_start3A_440 = tpu.memref_slice %arg22[%mul3A_424, %dma_start3A_439] : memref<1536x32xf32, #tpu.memory_space<vmem_shared>> -> memref<64x32xf32, #tpu.memory_space<vmem_shared>>
      %dma_start3A_441 = arith.constant 0 : i32
      %dma_start3A_442 = tpu.memref_slice %arg22[%mul3A_424, %dma_start3A_441] : memref<1536x32xf32, #tpu.memory_space<vmem_shared>> -> memref<64x32xf32, #tpu.memory_space<vmem_shared>>
      tpu.enqueue_dma source(%dma_start3A_442 : memref<64x32xf32, #tpu.memory_space<vmem_shared>>) target(%arg20 : memref<64x32xf32, #tpu.memory_space<vmem>>) target_semaphore(%run_scoped3A : memref<!tpu.dma_semaphore, #tpu.memory_space<semaphore_mem>>)
      %dma_wait3A_443 = arith.constant 0 : i32
      %dma_wait3A_444 = tpu.memref_slice %arg22[%mul3A_424, %dma_wait3A_443] : memref<1536x32xf32, #tpu.memory_space<vmem_shared>> -> memref<64x32xf32, #tpu.memory_space<vmem_shared>>
      %dma_wait3A_445 = arith.constant 0 : i32
      %dma_wait3A_446 = tpu.memref_slice %arg22[%mul3A_424, %dma_wait3A_445] : memref<1536x32xf32, #tpu.memory_space<vmem_shared>> -> memref<64x32xf32, #tpu.memory_space<vmem_shared>>
      tpu.wait_dma2 semaphore(%run_scoped3A : memref<!tpu.dma_semaphore, #tpu.memory_space<semaphore_mem>>) src(%dma_wait3A_446 : memref<64x32xf32, #tpu.memory_space<vmem_shared>>) dst(%arg20 : memref<64x32xf32, #tpu.memory_space<vmem>>)
      tpu.yield
    }) : () -> ()
    %parallel_loop3A_430 = arith.constant 0 : i32
    %parallel_loop3A_431 = arith.constant 128 : i32
    %parallel_loop3A_432 = arith.constant 1 : i32
    scf.for %parallel_loop3A_439 = %parallel_loop3A_430 to %parallel_loop3A_431 step %parallel_loop3A_432  : i32 {
      %parallel_loop3A_440 = arith.constant 2 : i32
      %parallel_loop3A_441 = arith.divsi %parallel_loop3A_439, %parallel_loop3A_440 : i32
      %parallel_loop3A_442 = arith.constant 0 : i32
      %parallel_loop3A_443 = arith.cmpi sgt, %parallel_loop3A_439, %parallel_loop3A_442 : i32
      %parallel_loop3A_444 = arith.extui %parallel_loop3A_443 : i1 to i32
      %parallel_loop3A_445 = arith.constant 0 : i32
      %parallel_loop3A_446 = arith.cmpi slt, %parallel_loop3A_439, %parallel_loop3A_445 : i32
      %parallel_loop3A_447 = arith.extui %parallel_loop3A_446 : i1 to i32
      %parallel_loop3A_448 = arith.subi %parallel_loop3A_444, %parallel_loop3A_447 : i32
      %parallel_loop3A_449 = arith.constant 0 : i32
      %parallel_loop3A_450 = arith.cmpi sgt, %parallel_loop3A_440, %parallel_loop3A_449 : i32
      %parallel_loop3A_451 = arith.extui %parallel_loop3A_450 : i1 to i32
      %parallel_loop3A_452 = arith.constant 0 : i32
      %parallel_loop3A_453 = arith.cmpi slt, %parallel_loop3A_440, %parallel_loop3A_452 : i32
      %parallel_loop3A_454 = arith.extui %parallel_loop3A_453 : i1 to i32
      %parallel_loop3A_455 = arith.subi %parallel_loop3A_451, %parallel_loop3A_454 : i32
      %parallel_loop3A_456 = arith.cmpi ne, %parallel_loop3A_448, %parallel_loop3A_455 : i32
      %parallel_loop3A_457 = arith.remsi %parallel_loop3A_439, %parallel_loop3A_440 : i32
      %parallel_loop3A_458 = arith.constant 0 : i32
      %parallel_loop3A_459 = arith.cmpi ne, %parallel_loop3A_457, %parallel_loop3A_458 : i32
      %parallel_loop3A_460 = arith.andi %parallel_loop3A_456, %parallel_loop3A_459 : i1
      %parallel_loop3A_461 = arith.constant 1 : i32
      %parallel_loop3A_462 = arith.subi %parallel_loop3A_441, %parallel_loop3A_461 : i32
      %parallel_loop3A_463 = arith.select %parallel_loop3A_460, %parallel_loop3A_462, %parallel_loop3A_441 : i32
      %parallel_loop3A_464 = arith.constant 2 : i32
      %parallel_loop3A_465 = arith.constant 0 : i32
      %parallel_loop3A_466 = arith.cmpi eq, %parallel_loop3A_464, %parallel_loop3A_465 : i32
      %parallel_loop3A_467 = arith.constant 1 : i32
      %parallel_loop3A_468 = arith.select %parallel_loop3A_466, %parallel_loop3A_467, %parallel_loop3A_464 : i32
      %parallel_loop3A_469 = arith.remsi %parallel_loop3A_439, %parallel_loop3A_468 : i32
      %parallel_loop3A_470 = arith.constant 0 : i32
      %parallel_loop3A_471 = arith.cmpi ne, %parallel_loop3A_469, %parallel_loop3A_470 : i32
      %parallel_loop3A_472 = arith.constant 0 : i32
      %parallel_loop3A_473 = arith.cmpi slt, %parallel_loop3A_469, %parallel_loop3A_472 : i32
      %parallel_loop3A_474 = arith.constant 0 : i32
      %parallel_loop3A_475 = arith.cmpi slt, %parallel_loop3A_468, %parallel_loop3A_474 : i32
      %parallel_loop3A_476 = arith.xori %parallel_loop3A_473, %parallel_loop3A_475 : i1
      %parallel_loop3A_477 = arith.andi %parallel_loop3A_476, %parallel_loop3A_471 : i1
      %parallel_loop3A_478 = arith.addi %parallel_loop3A_469, %parallel_loop3A_468 : i32
      %parallel_loop3A_479 = arith.select %parallel_loop3A_477, %parallel_loop3A_478, %parallel_loop3A_469 : i32
      %parallel_loop3A_480 = arith.constant 16 : i32
      %parallel_loop3A_481 = arith.muli %parallel_loop3A_479, %parallel_loop3A_480 : i32
      %parallel_loop3A_482 = arith.index_cast %parallel_loop3A_463 : i32 to index
      %parallel_loop3A_483 = arith.index_cast %parallel_loop3A_481 : i32 to index
      %parallel_loop3A_484 = tpu.vector_load %arg20[%parallel_loop3A_482, %parallel_loop3A_483] {strides = array<i32>} : memref<64x32xf32, #tpu.memory_space<vmem>>, vector<16xf32>,
      %parallel_loop3A_485 = arith.constant 8 : i32
      %parallel_loop3A_486 = arith.divsi %parallel_loop3A_439, %parallel_loop3A_485 : i32
      %parallel_loop3A_487 = arith.constant 0 : i32
      %parallel_loop3A_488 = arith.cmpi sgt, %parallel_loop3A_439, %parallel_loop3A_487 : i32
      %parallel_loop3A_489 = arith.extui %parallel_loop3A_488 : i1 to i32
      %parallel_loop3A_490 = arith.constant 0 : i32
      %parallel_loop3A_491 = arith.cmpi slt, %parallel_loop3A_439, %parallel_loop3A_490 : i32
      %parallel_loop3A_492 = arith.extui %parallel_loop3A_491 : i1 to i32
      %parallel_loop3A_493 = arith.subi %parallel_loop3A_489, %parallel_loop3A_492 : i32
      %parallel_loop3A_494 = arith.constant 0 : i32
      %parallel_loop3A_495 = arith.cmpi sgt, %parallel_loop3A_485, %parallel_loop3A_494 : i32
      %parallel_loop3A_496 = arith.extui %parallel_loop3A_495 : i1 to i32
      %parallel_loop3A_497 = arith.constant 0 : i32
      %parallel_loop3A_498 = arith.cmpi slt, %parallel_loop3A_485, %parallel_loop3A_497 : i32
      %parallel_loop3A_499 = arith.extui %parallel_loop3A_498 : i1 to i32
      %parallel_loop3A_500 = arith.subi %parallel_loop3A_496, %parallel_loop3A_499 : i32
      %parallel_loop3A_501 = arith.cmpi ne, %parallel_loop3A_493, %parallel_loop3A_500 : i32
      %parallel_loop3A_502 = arith.remsi %parallel_loop3A_439, %parallel_loop3A_485 : i32
      %parallel_loop3A_503 = arith.constant 0 : i32
      %parallel_loop3A_504 = arith.cmpi ne, %parallel_loop3A_502, %parallel_loop3A_503 : i32
      %parallel_loop3A_505 = arith.andi %parallel_loop3A_501, %parallel_loop3A_504 : i1
      %parallel_loop3A_506 = arith.constant 1 : i32
      %parallel_loop3A_507 = arith.subi %parallel_loop3A_486, %parallel_loop3A_506 : i32
      %parallel_loop3A_508 = arith.select %parallel_loop3A_505, %parallel_loop3A_507, %parallel_loop3A_486 : i32
      %parallel_loop3A_509 = arith.constant 8 : i32
      %parallel_loop3A_510 = arith.constant 0 : i32
      %parallel_loop3A_511 = arith.cmpi eq, %parallel_loop3A_509, %parallel_loop3A_510 : i32
      %parallel_loop3A_512 = arith.constant 1 : i32
      %parallel_loop3A_513 = arith.select %parallel_loop3A_511, %parallel_loop3A_512, %parallel_loop3A_509 : i32
      %parallel_loop3A_514 = arith.remsi %parallel_loop3A_439, %parallel_loop3A_513 : i32
      %parallel_loop3A_515 = arith.constant 0 : i32
      %parallel_loop3A_516 = arith.cmpi ne, %parallel_loop3A_514, %parallel_loop3A_515 : i32
      %parallel_loop3A_517 = arith.constant 0 : i32
      %parallel_loop3A_518 = arith.cmpi slt, %parallel_loop3A_514, %parallel_loop3A_517 : i32
      %parallel_loop3A_519 = arith.constant 0 : i32
      %parallel_loop3A_520 = arith.cmpi slt, %parallel_loop3A_513, %parallel_loop3A_519 : i32
      %parallel_loop3A_521 = arith.xori %parallel_loop3A_518, %parallel_loop3A_520 : i1
      %parallel_loop3A_522 = arith.andi %parallel_loop3A_521, %parallel_loop3A_516 : i1
      %parallel_loop3A_523 = arith.addi %parallel_loop3A_514, %parallel_loop3A_513 : i32
      %parallel_loop3A_524 = arith.select %parallel_loop3A_522, %parallel_loop3A_523, %parallel_loop3A_514 : i32
      %parallel_loop3A_525 = arith.constant 16 : i32
      %parallel_loop3A_526 = arith.muli %parallel_loop3A_524, %parallel_loop3A_525 : i32
      %parallel_loop3A_527 = arith.index_cast %parallel_loop3A_508 : i32 to index
      %parallel_loop3A_528 = arith.index_cast %parallel_loop3A_526 : i32 to index
      %parallel_loop3A_529 = tpu.vector_load %arg21[%parallel_loop3A_527, %parallel_loop3A_528] {strides = array<i32>} : memref<16x128xf32, #tpu.memory_space<vmem>>, vector<16xf32>,
      tpu.vector_store %arg21[%parallel_loop3A_527, %parallel_loop3A_528], %parallel_loop3A_484 {strides = array<i32>} : memref<16x128xf32, #tpu.memory_space<vmem>>, vector<16xf32>,
    } {sc.loop_unroll_factor = 4 : i64, sc.parallel_access}
    "tpu.region"() ({
      %run_scoped3A = tpu.sem_alloc : memref<!tpu.dma_semaphore, #tpu.memory_space<semaphore_mem>>
      %dma_start3A_439 = arith.constant 0 : i32
      %dma_start3A_440 = tpu.memref_slice %arg9[%add3A_429, %dma_start3A_439] : memref<512x128xf32, #tpu.memory_space<hbm>> -> memref<16x128xf32, #tpu.memory_space<hbm>>
      %dma_start3A_441 = arith.constant 0 : i32
      %dma_start3A_442 = tpu.memref_slice %arg9[%add3A_429, %dma_start3A_441] : memref<512x128xf32, #tpu.memory_space<hbm>> -> memref<16x128xf32, #tpu.memory_space<hbm>>
      tpu.enqueue_dma source(%arg21 : memref<16x128xf32, #tpu.memory_space<vmem>>) target(%dma_start3A_442 : memref<16x128xf32, #tpu.memory_space<hbm>>) target_semaphore(%run_scoped3A : memref<!tpu.dma_semaphore, #tpu.memory_space<semaphore_mem>>)
      %dma_wait3A_443 = arith.constant 0 : i32
      %dma_wait3A_444 = tpu.memref_slice %arg9[%add3A_429, %dma_wait3A_443] : memref<512x128xf32, #tpu.memory_space<hbm>> -> memref<16x128xf32, #tpu.memory_space<hbm>>
      %dma_wait3A_445 = arith.constant 0 : i32
      %dma_wait3A_446 = tpu.memref_slice %arg9[%add3A_429, %dma_wait3A_445] : memref<512x128xf32, #tpu.memory_space<hbm>> -> memref<16x128xf32, #tpu.memory_space<hbm>>
      tpu.wait_dma2 semaphore(%run_scoped3A : memref<!tpu.dma_semaphore, #tpu.memory_space<semaphore_mem>>) src(%arg21 : memref<16x128xf32, #tpu.memory_space<vmem>>) dst(%dma_wait3A_446 : memref<16x128xf32, #tpu.memory_space<hbm>>)
      tpu.yield
    }) : () -> ()
    "tpu.region"() ({
      %run_scoped3A = tpu.sem_alloc : memref<!tpu.dma_semaphore, #tpu.memory_space<semaphore_mem>>
      %dma_start3A_439 = arith.constant 0 : i32
      %dma_start3A_440 = tpu.memref_slice %arg23[%mul3A_424, %dma_start3A_439] : memref<1536x32xf32, #tpu.memory_space<vmem_shared>> -> memref<64x32xf32, #tpu.memory_space<vmem_shared>>
      %dma_start3A_441 = arith.constant 0 : i32
      %dma_start3A_442 = tpu.memref_slice %arg23[%mul3A_424, %dma_start3A_441] : memref<1536x32xf32, #tpu.memory_space<vmem_shared>> -> memref<64x32xf32, #tpu.memory_space<vmem_shared>>
      tpu.enqueue_dma source(%dma_start3A_442 : memref<64x32xf32, #tpu.memory_space<vmem_shared>>) target(%arg20 : memref<64x32xf32, #tpu.memory_space<vmem>>) target_semaphore(%run_scoped3A : memref<!tpu.dma_semaphore, #tpu.memory_space<semaphore_mem>>)
      %dma_wait3A_443 = arith.constant 0 : i32
      %dma_wait3A_444 = tpu.memref_slice %arg23[%mul3A_424, %dma_wait3A_443] : memref<1536x32xf32, #tpu.memory_space<vmem_shared>> -> memref<64x32xf32, #tpu.memory_space<vmem_shared>>
      %dma_wait3A_445 = arith.constant 0 : i32
      %dma_wait3A_446 = tpu.memref_slice %arg23[%mul3A_424, %dma_wait3A_445] : memref<1536x32xf32, #tpu.memory_space<vmem_shared>> -> memref<64x32xf32, #tpu.memory_space<vmem_shared>>
      tpu.wait_dma2 semaphore(%run_scoped3A : memref<!tpu.dma_semaphore, #tpu.memory_space<semaphore_mem>>) src(%dma_wait3A_446 : memref<64x32xf32, #tpu.memory_space<vmem_shared>>) dst(%arg20 : memref<64x32xf32, #tpu.memory_space<vmem>>)
      tpu.yield
    }) : () -> ()
    %parallel_loop3A_433 = arith.constant 0 : i32
    %parallel_loop3A_434 = arith.constant 128 : i32
    %parallel_loop3A_435 = arith.constant 1 : i32
    scf.for %parallel_loop3A_439 = %parallel_loop3A_433 to %parallel_loop3A_434 step %parallel_loop3A_435  : i32 {
      %parallel_loop3A_440 = arith.constant 2 : i32
      %parallel_loop3A_441 = arith.divsi %parallel_loop3A_439, %parallel_loop3A_440 : i32
      %parallel_loop3A_442 = arith.constant 0 : i32
      %parallel_loop3A_443 = arith.cmpi sgt, %parallel_loop3A_439, %parallel_loop3A_442 : i32
      %parallel_loop3A_444 = arith.extui %parallel_loop3A_443 : i1 to i32
      %parallel_loop3A_445 = arith.constant 0 : i32
      %parallel_loop3A_446 = arith.cmpi slt, %parallel_loop3A_439, %parallel_loop3A_445 : i32
      %parallel_loop3A_447 = arith.extui %parallel_loop3A_446 : i1 to i32
      %parallel_loop3A_448 = arith.subi %parallel_loop3A_444, %parallel_loop3A_447 : i32
      %parallel_loop3A_449 = arith.constant 0 : i32
      %parallel_loop3A_450 = arith.cmpi sgt, %parallel_loop3A_440, %parallel_loop3A_449 : i32
      %parallel_loop3A_451 = arith.extui %parallel_loop3A_450 : i1 to i32
      %parallel_loop3A_452 = arith.constant 0 : i32
      %parallel_loop3A_453 = arith.cmpi slt, %parallel_loop3A_440, %parallel_loop3A_452 : i32
      %parallel_loop3A_454 = arith.extui %parallel_loop3A_453 : i1 to i32
      %parallel_loop3A_455 = arith.subi %parallel_loop3A_451, %parallel_loop3A_454 : i32
      %parallel_loop3A_456 = arith.cmpi ne, %parallel_loop3A_448, %parallel_loop3A_455 : i32
      %parallel_loop3A_457 = arith.remsi %parallel_loop3A_439, %parallel_loop3A_440 : i32
      %parallel_loop3A_458 = arith.constant 0 : i32
      %parallel_loop3A_459 = arith.cmpi ne, %parallel_loop3A_457, %parallel_loop3A_458 : i32
      %parallel_loop3A_460 = arith.andi %parallel_loop3A_456, %parallel_loop3A_459 : i1
      %parallel_loop3A_461 = arith.constant 1 : i32
      %parallel_loop3A_462 = arith.subi %parallel_loop3A_441, %parallel_loop3A_461 : i32
      %parallel_loop3A_463 = arith.select %parallel_loop3A_460, %parallel_loop3A_462, %parallel_loop3A_441 : i32
      %parallel_loop3A_464 = arith.constant 2 : i32
      %parallel_loop3A_465 = arith.constant 0 : i32
      %parallel_loop3A_466 = arith.cmpi eq, %parallel_loop3A_464, %parallel_loop3A_465 : i32
      %parallel_loop3A_467 = arith.constant 1 : i32
      %parallel_loop3A_468 = arith.select %parallel_loop3A_466, %parallel_loop3A_467, %parallel_loop3A_464 : i32
      %parallel_loop3A_469 = arith.remsi %parallel_loop3A_439, %parallel_loop3A_468 : i32
      %parallel_loop3A_470 = arith.constant 0 : i32
      %parallel_loop3A_471 = arith.cmpi ne, %parallel_loop3A_469, %parallel_loop3A_470 : i32
      %parallel_loop3A_472 = arith.constant 0 : i32
      %parallel_loop3A_473 = arith.cmpi slt, %parallel_loop3A_469, %parallel_loop3A_472 : i32
      %parallel_loop3A_474 = arith.constant 0 : i32
      %parallel_loop3A_475 = arith.cmpi slt, %parallel_loop3A_468, %parallel_loop3A_474 : i32
      %parallel_loop3A_476 = arith.xori %parallel_loop3A_473, %parallel_loop3A_475 : i1
      %parallel_loop3A_477 = arith.andi %parallel_loop3A_476, %parallel_loop3A_471 : i1
      %parallel_loop3A_478 = arith.addi %parallel_loop3A_469, %parallel_loop3A_468 : i32
      %parallel_loop3A_479 = arith.select %parallel_loop3A_477, %parallel_loop3A_478, %parallel_loop3A_469 : i32
      %parallel_loop3A_480 = arith.constant 16 : i32
      %parallel_loop3A_481 = arith.muli %parallel_loop3A_479, %parallel_loop3A_480 : i32
      %parallel_loop3A_482 = arith.index_cast %parallel_loop3A_463 : i32 to index
      %parallel_loop3A_483 = arith.index_cast %parallel_loop3A_481 : i32 to index
      %parallel_loop3A_484 = tpu.vector_load %arg20[%parallel_loop3A_482, %parallel_loop3A_483] {strides = array<i32>} : memref<64x32xf32, #tpu.memory_space<vmem>>, vector<16xf32>,
      %parallel_loop3A_485 = arith.constant 8 : i32
      %parallel_loop3A_486 = arith.divsi %parallel_loop3A_439, %parallel_loop3A_485 : i32
      %parallel_loop3A_487 = arith.constant 0 : i32
      %parallel_loop3A_488 = arith.cmpi sgt, %parallel_loop3A_439, %parallel_loop3A_487 : i32
      %parallel_loop3A_489 = arith.extui %parallel_loop3A_488 : i1 to i32
      %parallel_loop3A_490 = arith.constant 0 : i32
      %parallel_loop3A_491 = arith.cmpi slt, %parallel_loop3A_439, %parallel_loop3A_490 : i32
      %parallel_loop3A_492 = arith.extui %parallel_loop3A_491 : i1 to i32
      %parallel_loop3A_493 = arith.subi %parallel_loop3A_489, %parallel_loop3A_492 : i32
      %parallel_loop3A_494 = arith.constant 0 : i32
      %parallel_loop3A_495 = arith.cmpi sgt, %parallel_loop3A_485, %parallel_loop3A_494 : i32
      %parallel_loop3A_496 = arith.extui %parallel_loop3A_495 : i1 to i32
      %parallel_loop3A_497 = arith.constant 0 : i32
      %parallel_loop3A_498 = arith.cmpi slt, %parallel_loop3A_485, %parallel_loop3A_497 : i32
      %parallel_loop3A_499 = arith.extui %parallel_loop3A_498 : i1 to i32
      %parallel_loop3A_500 = arith.subi %parallel_loop3A_496, %parallel_loop3A_499 : i32
      %parallel_loop3A_501 = arith.cmpi ne, %parallel_loop3A_493, %parallel_loop3A_500 : i32
      %parallel_loop3A_502 = arith.remsi %parallel_loop3A_439, %parallel_loop3A_485 : i32
      %parallel_loop3A_503 = arith.constant 0 : i32
      %parallel_loop3A_504 = arith.cmpi ne, %parallel_loop3A_502, %parallel_loop3A_503 : i32
      %parallel_loop3A_505 = arith.andi %parallel_loop3A_501, %parallel_loop3A_504 : i1
      %parallel_loop3A_506 = arith.constant 1 : i32
      %parallel_loop3A_507 = arith.subi %parallel_loop3A_486, %parallel_loop3A_506 : i32
      %parallel_loop3A_508 = arith.select %parallel_loop3A_505, %parallel_loop3A_507, %parallel_loop3A_486 : i32
      %parallel_loop3A_509 = arith.constant 8 : i32
      %parallel_loop3A_510 = arith.constant 0 : i32
      %parallel_loop3A_511 = arith.cmpi eq, %parallel_loop3A_509, %parallel_loop3A_510 : i32
      %parallel_loop3A_512 = arith.constant 1 : i32
      %parallel_loop3A_513 = arith.select %parallel_loop3A_511, %parallel_loop3A_512, %parallel_loop3A_509 : i32
      %parallel_loop3A_514 = arith.remsi %parallel_loop3A_439, %parallel_loop3A_513 : i32
      %parallel_loop3A_515 = arith.constant 0 : i32
      %parallel_loop3A_516 = arith.cmpi ne, %parallel_loop3A_514, %parallel_loop3A_515 : i32
      %parallel_loop3A_517 = arith.constant 0 : i32
      %parallel_loop3A_518 = arith.cmpi slt, %parallel_loop3A_514, %parallel_loop3A_517 : i32
      %parallel_loop3A_519 = arith.constant 0 : i32
      %parallel_loop3A_520 = arith.cmpi slt, %parallel_loop3A_513, %parallel_loop3A_519 : i32
      %parallel_loop3A_521 = arith.xori %parallel_loop3A_518, %parallel_loop3A_520 : i1
      %parallel_loop3A_522 = arith.andi %parallel_loop3A_521, %parallel_loop3A_516 : i1
      %parallel_loop3A_523 = arith.addi %parallel_loop3A_514, %parallel_loop3A_513 : i32
      %parallel_loop3A_524 = arith.select %parallel_loop3A_522, %parallel_loop3A_523, %parallel_loop3A_514 : i32
      %parallel_loop3A_525 = arith.constant 16 : i32
      %parallel_loop3A_526 = arith.muli %parallel_loop3A_524, %parallel_loop3A_525 : i32
      %parallel_loop3A_527 = arith.index_cast %parallel_loop3A_508 : i32 to index
      %parallel_loop3A_528 = arith.index_cast %parallel_loop3A_526 : i32 to index
      %parallel_loop3A_529 = tpu.vector_load %arg21[%parallel_loop3A_527, %parallel_loop3A_528] {strides = array<i32>} : memref<16x128xf32, #tpu.memory_space<vmem>>, vector<16xf32>,
      tpu.vector_store %arg21[%parallel_loop3A_527, %parallel_loop3A_528], %parallel_loop3A_484 {strides = array<i32>} : memref<16x128xf32, #tpu.memory_space<vmem>>, vector<16xf32>,
    } {sc.loop_unroll_factor = 4 : i64, sc.parallel_access}
    "tpu.region"() ({
      %run_scoped3A = tpu.sem_alloc : memref<!tpu.dma_semaphore, #tpu.memory_space<semaphore_mem>>
      %dma_start3A_439 = arith.constant 0 : i32
      %dma_start3A_440 = tpu.memref_slice %arg10[%add3A_429, %dma_start3A_439] : memref<512x128xf32, #tpu.memory_space<hbm>> -> memref<16x128xf32, #tpu.memory_space<hbm>>
      %dma_start3A_441 = arith.constant 0 : i32
      %dma_start3A_442 = tpu.memref_slice %arg10[%add3A_429, %dma_start3A_441] : memref<512x128xf32, #tpu.memory_space<hbm>> -> memref<16x128xf32, #tpu.memory_space<hbm>>
      tpu.enqueue_dma source(%arg21 : memref<16x128xf32, #tpu.memory_space<vmem>>) target(%dma_start3A_442 : memref<16x128xf32, #tpu.memory_space<hbm>>) target_semaphore(%run_scoped3A : memref<!tpu.dma_semaphore, #tpu.memory_space<semaphore_mem>>)
      %dma_wait3A_443 = arith.constant 0 : i32
      %dma_wait3A_444 = tpu.memref_slice %arg10[%add3A_429, %dma_wait3A_443] : memref<512x128xf32, #tpu.memory_space<hbm>> -> memref<16x128xf32, #tpu.memory_space<hbm>>
      %dma_wait3A_445 = arith.constant 0 : i32
      %dma_wait3A_446 = tpu.memref_slice %arg10[%add3A_429, %dma_wait3A_445] : memref<512x128xf32, #tpu.memory_space<hbm>> -> memref<16x128xf32, #tpu.memory_space<hbm>>
      tpu.wait_dma2 semaphore(%run_scoped3A : memref<!tpu.dma_semaphore, #tpu.memory_space<semaphore_mem>>) src(%arg21 : memref<16x128xf32, #tpu.memory_space<vmem>>) dst(%dma_wait3A_446 : memref<16x128xf32, #tpu.memory_space<hbm>>)
      tpu.yield
    }) : () -> ()
    "tpu.region"() ({
      %run_scoped3A = tpu.sem_alloc : memref<!tpu.dma_semaphore, #tpu.memory_space<semaphore_mem>>
      %dma_start3A_439 = arith.constant 0 : i32
      %dma_start3A_440 = tpu.memref_slice %arg24[%mul3A_424, %dma_start3A_439] : memref<1536x32xf32, #tpu.memory_space<vmem_shared>> -> memref<64x32xf32, #tpu.memory_space<vmem_shared>>
      %dma_start3A_441 = arith.constant 0 : i32
      %dma_start3A_442 = tpu.memref_slice %arg24[%mul3A_424, %dma_start3A_441] : memref<1536x32xf32, #tpu.memory_space<vmem_shared>> -> memref<64x32xf32, #tpu.memory_space<vmem_shared>>
      tpu.enqueue_dma source(%dma_start3A_442 : memref<64x32xf32, #tpu.memory_space<vmem_shared>>) target(%arg20 : memref<64x32xf32, #tpu.memory_space<vmem>>) target_semaphore(%run_scoped3A : memref<!tpu.dma_semaphore, #tpu.memory_space<semaphore_mem>>)
      %dma_wait3A_443 = arith.constant 0 : i32
      %dma_wait3A_444 = tpu.memref_slice %arg24[%mul3A_424, %dma_wait3A_443] : memref<1536x32xf32, #tpu.memory_space<vmem_shared>> -> memref<64x32xf32, #tpu.memory_space<vmem_shared>>
      %dma_wait3A_445 = arith.constant 0 : i32
      %dma_wait3A_446 = tpu.memref_slice %arg24[%mul3A_424, %dma_wait3A_445] : memref<1536x32xf32, #tpu.memory_space<vmem_shared>> -> memref<64x32xf32, #tpu.memory_space<vmem_shared>>
      tpu.wait_dma2 semaphore(%run_scoped3A : memref<!tpu.dma_semaphore, #tpu.memory_space<semaphore_mem>>) src(%dma_wait3A_446 : memref<64x32xf32, #tpu.memory_space<vmem_shared>>) dst(%arg20 : memref<64x32xf32, #tpu.memory_space<vmem>>)
      tpu.yield
    }) : () -> ()
    %parallel_loop3A_436 = arith.constant 0 : i32
    %parallel_loop3A_437 = arith.constant 128 : i32
    %parallel_loop3A_438 = arith.constant 1 : i32
    scf.for %parallel_loop3A_439 = %parallel_loop3A_436 to %parallel_loop3A_437 step %parallel_loop3A_438  : i32 {
      %parallel_loop3A_440 = arith.constant 2 : i32
      %parallel_loop3A_441 = arith.divsi %parallel_loop3A_439, %parallel_loop3A_440 : i32
      %parallel_loop3A_442 = arith.constant 0 : i32
      %parallel_loop3A_443 = arith.cmpi sgt, %parallel_loop3A_439, %parallel_loop3A_442 : i32
      %parallel_loop3A_444 = arith.extui %parallel_loop3A_443 : i1 to i32
      %parallel_loop3A_445 = arith.constant 0 : i32
      %parallel_loop3A_446 = arith.cmpi slt, %parallel_loop3A_439, %parallel_loop3A_445 : i32
      %parallel_loop3A_447 = arith.extui %parallel_loop3A_446 : i1 to i32
      %parallel_loop3A_448 = arith.subi %parallel_loop3A_444, %parallel_loop3A_447 : i32
      %parallel_loop3A_449 = arith.constant 0 : i32
      %parallel_loop3A_450 = arith.cmpi sgt, %parallel_loop3A_440, %parallel_loop3A_449 : i32
      %parallel_loop3A_451 = arith.extui %parallel_loop3A_450 : i1 to i32
      %parallel_loop3A_452 = arith.constant 0 : i32
      %parallel_loop3A_453 = arith.cmpi slt, %parallel_loop3A_440, %parallel_loop3A_452 : i32
      %parallel_loop3A_454 = arith.extui %parallel_loop3A_453 : i1 to i32
      %parallel_loop3A_455 = arith.subi %parallel_loop3A_451, %parallel_loop3A_454 : i32
      %parallel_loop3A_456 = arith.cmpi ne, %parallel_loop3A_448, %parallel_loop3A_455 : i32
      %parallel_loop3A_457 = arith.remsi %parallel_loop3A_439, %parallel_loop3A_440 : i32
      %parallel_loop3A_458 = arith.constant 0 : i32
      %parallel_loop3A_459 = arith.cmpi ne, %parallel_loop3A_457, %parallel_loop3A_458 : i32
      %parallel_loop3A_460 = arith.andi %parallel_loop3A_456, %parallel_loop3A_459 : i1
      %parallel_loop3A_461 = arith.constant 1 : i32
      %parallel_loop3A_462 = arith.subi %parallel_loop3A_441, %parallel_loop3A_461 : i32
      %parallel_loop3A_463 = arith.select %parallel_loop3A_460, %parallel_loop3A_462, %parallel_loop3A_441 : i32
      %parallel_loop3A_464 = arith.constant 2 : i32
      %parallel_loop3A_465 = arith.constant 0 : i32
      %parallel_loop3A_466 = arith.cmpi eq, %parallel_loop3A_464, %parallel_loop3A_465 : i32
      %parallel_loop3A_467 = arith.constant 1 : i32
      %parallel_loop3A_468 = arith.select %parallel_loop3A_466, %parallel_loop3A_467, %parallel_loop3A_464 : i32
      %parallel_loop3A_469 = arith.remsi %parallel_loop3A_439, %parallel_loop3A_468 : i32
      %parallel_loop3A_470 = arith.constant 0 : i32
      %parallel_loop3A_471 = arith.cmpi ne, %parallel_loop3A_469, %parallel_loop3A_470 : i32
      %parallel_loop3A_472 = arith.constant 0 : i32
      %parallel_loop3A_473 = arith.cmpi slt, %parallel_loop3A_469, %parallel_loop3A_472 : i32
      %parallel_loop3A_474 = arith.constant 0 : i32
      %parallel_loop3A_475 = arith.cmpi slt, %parallel_loop3A_468, %parallel_loop3A_474 : i32
      %parallel_loop3A_476 = arith.xori %parallel_loop3A_473, %parallel_loop3A_475 : i1
      %parallel_loop3A_477 = arith.andi %parallel_loop3A_476, %parallel_loop3A_471 : i1
      %parallel_loop3A_478 = arith.addi %parallel_loop3A_469, %parallel_loop3A_468 : i32
      %parallel_loop3A_479 = arith.select %parallel_loop3A_477, %parallel_loop3A_478, %parallel_loop3A_469 : i32
      %parallel_loop3A_480 = arith.constant 16 : i32
      %parallel_loop3A_481 = arith.muli %parallel_loop3A_479, %parallel_loop3A_480 : i32
      %parallel_loop3A_482 = arith.index_cast %parallel_loop3A_463 : i32 to index
      %parallel_loop3A_483 = arith.index_cast %parallel_loop3A_481 : i32 to index
      %parallel_loop3A_484 = tpu.vector_load %arg20[%parallel_loop3A_482, %parallel_loop3A_483] {strides = array<i32>} : memref<64x32xf32, #tpu.memory_space<vmem>>, vector<16xf32>,
      %parallel_loop3A_485 = arith.constant 8 : i32
      %parallel_loop3A_486 = arith.divsi %parallel_loop3A_439, %parallel_loop3A_485 : i32
      %parallel_loop3A_487 = arith.constant 0 : i32
      %parallel_loop3A_488 = arith.cmpi sgt, %parallel_loop3A_439, %parallel_loop3A_487 : i32
      %parallel_loop3A_489 = arith.extui %parallel_loop3A_488 : i1 to i32
      %parallel_loop3A_490 = arith.constant 0 : i32
      %parallel_loop3A_491 = arith.cmpi slt, %parallel_loop3A_439, %parallel_loop3A_490 : i32
      %parallel_loop3A_492 = arith.extui %parallel_loop3A_491 : i1 to i32
      %parallel_loop3A_493 = arith.subi %parallel_loop3A_489, %parallel_loop3A_492 : i32
      %parallel_loop3A_494 = arith.constant 0 : i32
      %parallel_loop3A_495 = arith.cmpi sgt, %parallel_loop3A_485, %parallel_loop3A_494 : i32
      %parallel_loop3A_496 = arith.extui %parallel_loop3A_495 : i1 to i32
      %parallel_loop3A_497 = arith.constant 0 : i32
      %parallel_loop3A_498 = arith.cmpi slt, %parallel_loop3A_485, %parallel_loop3A_497 : i32
      %parallel_loop3A_499 = arith.extui %parallel_loop3A_498 : i1 to i32
      %parallel_loop3A_500 = arith.subi %parallel_loop3A_496, %parallel_loop3A_499 : i32
      %parallel_loop3A_501 = arith.cmpi ne, %parallel_loop3A_493, %parallel_loop3A_500 : i32
      %parallel_loop3A_502 = arith.remsi %parallel_loop3A_439, %parallel_loop3A_485 : i32
      %parallel_loop3A_503 = arith.constant 0 : i32
      %parallel_loop3A_504 = arith.cmpi ne, %parallel_loop3A_502, %parallel_loop3A_503 : i32
      %parallel_loop3A_505 = arith.andi %parallel_loop3A_501, %parallel_loop3A_504 : i1
      %parallel_loop3A_506 = arith.constant 1 : i32
      %parallel_loop3A_507 = arith.subi %parallel_loop3A_486, %parallel_loop3A_506 : i32
      %parallel_loop3A_508 = arith.select %parallel_loop3A_505, %parallel_loop3A_507, %parallel_loop3A_486 : i32
      %parallel_loop3A_509 = arith.constant 8 : i32
      %parallel_loop3A_510 = arith.constant 0 : i32
      %parallel_loop3A_511 = arith.cmpi eq, %parallel_loop3A_509, %parallel_loop3A_510 : i32
      %parallel_loop3A_512 = arith.constant 1 : i32
      %parallel_loop3A_513 = arith.select %parallel_loop3A_511, %parallel_loop3A_512, %parallel_loop3A_509 : i32
      %parallel_loop3A_514 = arith.remsi %parallel_loop3A_439, %parallel_loop3A_513 : i32
      %parallel_loop3A_515 = arith.constant 0 : i32
      %parallel_loop3A_516 = arith.cmpi ne, %parallel_loop3A_514, %parallel_loop3A_515 : i32
      %parallel_loop3A_517 = arith.constant 0 : i32
      %parallel_loop3A_518 = arith.cmpi slt, %parallel_loop3A_514, %parallel_loop3A_517 : i32
      %parallel_loop3A_519 = arith.constant 0 : i32
      %parallel_loop3A_520 = arith.cmpi slt, %parallel_loop3A_513, %parallel_loop3A_519 : i32
      %parallel_loop3A_521 = arith.xori %parallel_loop3A_518, %parallel_loop3A_520 : i1
      %parallel_loop3A_522 = arith.andi %parallel_loop3A_521, %parallel_loop3A_516 : i1
      %parallel_loop3A_523 = arith.addi %parallel_loop3A_514, %parallel_loop3A_513 : i32
      %parallel_loop3A_524 = arith.select %parallel_loop3A_522, %parallel_loop3A_523, %parallel_loop3A_514 : i32
      %parallel_loop3A_525 = arith.constant 16 : i32
      %parallel_loop3A_526 = arith.muli %parallel_loop3A_524, %parallel_loop3A_525 : i32
      %parallel_loop3A_527 = arith.index_cast %parallel_loop3A_508 : i32 to index
      %parallel_loop3A_528 = arith.index_cast %parallel_loop3A_526 : i32 to index
      %parallel_loop3A_529 = tpu.vector_load %arg21[%parallel_loop3A_527, %parallel_loop3A_528] {strides = array<i32>} : memref<16x128xf32, #tpu.memory_space<vmem>>, vector<16xf32>,
      tpu.vector_store %arg21[%parallel_loop3A_527, %parallel_loop3A_528], %parallel_loop3A_484 {strides = array<i32>} : memref<16x128xf32, #tpu.memory_space<vmem>>, vector<16xf32>,
    } {sc.loop_unroll_factor = 4 : i64, sc.parallel_access}
    "tpu.region"() ({
      %run_scoped3A = tpu.sem_alloc : memref<!tpu.dma_semaphore, #tpu.memory_space<semaphore_mem>>
      %dma_start3A_439 = arith.constant 0 : i32
      %dma_start3A_440 = tpu.memref_slice %arg11[%add3A_429, %dma_start3A_439] : memref<512x128xf32, #tpu.memory_space<hbm>> -> memref<16x128xf32, #tpu.memory_space<hbm>>
      %dma_start3A_441 = arith.constant 0 : i32
      %dma_start3A_442 = tpu.memref_slice %arg11[%add3A_429, %dma_start3A_441] : memref<512x128xf32, #tpu.memory_space<hbm>> -> memref<16x128xf32, #tpu.memory_space<hbm>>
      tpu.enqueue_dma source(%arg21 : memref<16x128xf32, #tpu.memory_space<vmem>>) target(%dma_start3A_442 : memref<16x128xf32, #tpu.memory_space<hbm>>) target_semaphore(%run_scoped3A : memref<!tpu.dma_semaphore, #tpu.memory_space<semaphore_mem>>)
      %dma_wait3A_443 = arith.constant 0 : i32
      %dma_wait3A_444 = tpu.memref_slice %arg11[%add3A_429, %dma_wait3A_443] : memref<512x128xf32, #tpu.memory_space<hbm>> -> memref<16x128xf32, #tpu.memory_space<hbm>>
      %dma_wait3A_445 = arith.constant 0 : i32
      %dma_wait3A_446 = tpu.memref_slice %arg11[%add3A_429, %dma_wait3A_445] : memref<512x128xf32, #tpu.memory_space<hbm>> -> memref<16x128xf32, #tpu.memory_space<hbm>>
      tpu.wait_dma2 semaphore(%run_scoped3A : memref<!tpu.dma_semaphore, #tpu.memory_space<semaphore_mem>>) src(%arg21 : memref<16x128xf32, #tpu.memory_space<vmem>>) dst(%dma_wait3A_446 : memref<16x128xf32, #tpu.memory_space<hbm>>)
      tpu.yield
    }) : () -> ()
    return
  }
}

module attributes {stable_mosaic.version = 14 : i64} {
  func.func @_fc_body(%arg0: memref<512x128xf32, #tpu.memory_space<vmem>>, %arg1: memref<512x128xf32, #tpu.memory_space<vmem>>, %arg2: memref<512x128xf32, #tpu.memory_space<vmem>>, %arg3: memref<32x64xf32, #tpu.memory_space<vmem>>, %arg4: memref<32x64xf32, #tpu.memory_space<vmem>>, %arg5: memref<32x64xf32, #tpu.memory_space<vmem>>, %arg6: memref<8x64xf32, #tpu.memory_space<vmem>>, %arg7: memref<4x1024x16xf32, #tpu.memory_space<vmem>>) attributes {dimension_semantics = [], scalar_prefetch = 0 : i64, scratch_operands = 0 : i64, tpu.core_type = #tpu.core_type<tc>} {
    %get3A = arith.constant 0 : index
    %get3A_0 = arith.constant 0 : index
    %get3A_1 = vector.load %arg0[%get3A, %get3A_0] : memref<512x128xf32, #tpu.memory_space<vmem>>, vector<256x128xf32>
    %get3A_2 = arith.constant 256 : index
    %get3A_3 = arith.constant 0 : index
    %get3A_4 = vector.load %arg0[%get3A_2, %get3A_3] : memref<512x128xf32, #tpu.memory_space<vmem>>, vector<256x128xf32>
    %add3A = arith.addf %get3A_1, %get3A_4 : vector<256x128xf32>
    %get3A_5 = arith.constant 0 : index
    %get3A_6 = arith.constant 0 : index
    %get3A_7 = vector.load %arg1[%get3A_5, %get3A_6] : memref<512x128xf32, #tpu.memory_space<vmem>>, vector<256x128xf32>
    %get3A_8 = arith.constant 256 : index
    %get3A_9 = arith.constant 0 : index
    %get3A_10 = vector.load %arg1[%get3A_8, %get3A_9] : memref<512x128xf32, #tpu.memory_space<vmem>>, vector<256x128xf32>
    %add3A_11 = arith.addf %get3A_7, %get3A_10 : vector<256x128xf32>
    %get3A_12 = arith.constant 0 : index
    %get3A_13 = arith.constant 0 : index
    %get3A_14 = vector.load %arg2[%get3A_12, %get3A_13] : memref<512x128xf32, #tpu.memory_space<vmem>>, vector<256x128xf32>
    %get3A_15 = arith.constant 256 : index
    %get3A_16 = arith.constant 0 : index
    %get3A_17 = vector.load %arg2[%get3A_15, %get3A_16] : memref<512x128xf32, #tpu.memory_space<vmem>>, vector<256x128xf32>
    %add3A_18 = arith.addf %get3A_14, %get3A_17 : vector<256x128xf32>
    %get3A_19 = arith.constant 0 : index
    %get3A_20 = arith.constant 0 : index
    %get3A_21 = vector.load %arg3[%get3A_19, %get3A_20] : memref<32x64xf32, #tpu.memory_space<vmem>>, vector<32x64xf32>
    %get3A_22 = arith.constant 0 : index
    %get3A_23 = arith.constant 0 : index
    %get3A_24 = vector.load %arg4[%get3A_22, %get3A_23] : memref<32x64xf32, #tpu.memory_space<vmem>>, vector<32x64xf32>
    %get3A_25 = arith.constant 0 : index
    %get3A_26 = arith.constant 0 : index
    %get3A_27 = vector.load %arg5[%get3A_25, %get3A_26] : memref<32x64xf32, #tpu.memory_space<vmem>>, vector<32x64xf32>
    %slice3A = vector.extract_strided_slice %add3A {offsets = [0, 0], sizes = [256, 32], strides = [1, 1]} : vector<256x128xf32> to vector<256x32xf32>
    %dot_general3A = arith.constant dense<0.000000e+00> : vector<256x64xf32>
    %dot_general3A_28 = tpu.matmul %slice3A, %get3A_21, %dot_general3A {dimension_numbers = #tpu.dot_dimension_numbers<[1], [0], [0], [1], [0, 0, 1, 1], [], []>, transpose_lhs_hint = false} : vector<256x32xf32>, vector<32x64xf32>, vector<256x64xf32> -> vector<256x64xf32>
    %slice3A_29 = vector.extract_strided_slice %add3A_11 {offsets = [0, 0], sizes = [256, 32], strides = [1, 1]} : vector<256x128xf32> to vector<256x32xf32>
    %dot_general3A_30 = arith.constant dense<0.000000e+00> : vector<256x64xf32>
    %dot_general3A_31 = tpu.matmul %slice3A_29, %get3A_24, %dot_general3A_30 {dimension_numbers = #tpu.dot_dimension_numbers<[1], [0], [0], [1], [0, 0, 1, 1], [], []>, transpose_lhs_hint = false} : vector<256x32xf32>, vector<32x64xf32>, vector<256x64xf32> -> vector<256x64xf32>
    %add3A_32 = arith.addf %dot_general3A_28, %dot_general3A_31 : vector<256x64xf32>
    %slice3A_33 = vector.extract_strided_slice %add3A_18 {offsets = [0, 0], sizes = [256, 32], strides = [1, 1]} : vector<256x128xf32> to vector<256x32xf32>
    %dot_general3A_34 = arith.constant dense<0.000000e+00> : vector<256x64xf32>
    %dot_general3A_35 = tpu.matmul %slice3A_33, %get3A_27, %dot_general3A_34 {dimension_numbers = #tpu.dot_dimension_numbers<[1], [0], [0], [1], [0, 0, 1, 1], [], []>, transpose_lhs_hint = false} : vector<256x32xf32>, vector<32x64xf32>, vector<256x64xf32> -> vector<256x64xf32>
    %add3A_36 = arith.addf %add3A_32, %dot_general3A_35 : vector<256x64xf32>
    %get3A_37 = arith.constant 0 : index
    %get3A_38 = arith.constant 0 : index
    %get3A_39 = vector.load %arg6[%get3A_37, %get3A_38] : memref<8x64xf32, #tpu.memory_space<vmem>>, vector<1x64xf32>
    %add3A_40 = vector.broadcast %get3A_39 : vector<1x64xf32> to vector<256x64xf32>
    %add3A_41 = arith.addf %add3A_36, %add3A_40 : vector<256x64xf32>
    %slice3A_42 = vector.extract_strided_slice %add3A_41 {offsets = [0, 0], sizes = [256, 8], strides = [1, 1]} : vector<256x64xf32> to vector<256x8xf32>
    %slice3A_43 = vector.extract_strided_slice %add3A_41 {offsets = [0, 32], sizes = [256, 8], strides = [1, 1]} : vector<256x64xf32> to vector<256x8xf32>
    %concatenate3A = tpu.concatenate %slice3A_42, %slice3A_43 in 1 : vector<256x8xf32>, vector<256x8xf32> -> vector<256x16xf32>
    %neg3A = arith.constant 0.000000e+00 : f32
    %neg3A_44 = vector.broadcast %neg3A : f32 to vector<256x16xf32>
    %neg3A_45 = arith.subf %neg3A_44, %concatenate3A : vector<256x16xf32>
    %exp3A = math.exp %neg3A_45 : vector<256x16xf32>
    %add3A_46 = arith.constant 1.000000e+00 : f32
    %add3A_47 = vector.broadcast %add3A_46 : f32 to vector<256x16xf32>
    %add3A_48 = arith.addf %add3A_47, %exp3A : vector<256x16xf32>
    %div3A = arith.constant 1.000000e+00 : f32
    %div3A_49 = vector.broadcast %div3A : f32 to vector<256x16xf32>
    %div3A_50 = arith.divf %div3A_49, %add3A_48 : vector<256x16xf32>
    %swap3A = arith.constant 0 : index
    %swap3A_51 = arith.constant 0 : index
    %swap3A_52 = arith.constant 0 : index
    %swap3A_53 = tpu.strided_load %arg7[%swap3A, %swap3A_51, %swap3A_52] {strides = array<i32: 1, 4, 1>} : memref<4x1024x16xf32, #tpu.memory_space<vmem>>, vector<1x256x16xf32>
    %swap3A_54 = vector.shape_cast %swap3A_53 : vector<1x256x16xf32> to vector<256x16xf32>
    %swap3A_55 = vector.shape_cast %div3A_50 : vector<256x16xf32> to vector<1x256x16xf32>
    tpu.strided_store %arg7[%swap3A, %swap3A_51, %swap3A_52], %swap3A_55 {strides = array<i32: 1, 4, 1>} : memref<4x1024x16xf32, #tpu.memory_space<vmem>>, vector<1x256x16xf32>
    %slice3A_56 = vector.extract_strided_slice %add3A_41 {offsets = [0, 8], sizes = [256, 8], strides = [1, 1]} : vector<256x64xf32> to vector<256x8xf32>
    %slice3A_57 = vector.extract_strided_slice %add3A_41 {offsets = [0, 40], sizes = [256, 8], strides = [1, 1]} : vector<256x64xf32> to vector<256x8xf32>
    %concatenate3A_58 = tpu.concatenate %slice3A_56, %slice3A_57 in 1 : vector<256x8xf32>, vector<256x8xf32> -> vector<256x16xf32>
    %neg3A_59 = arith.constant 0.000000e+00 : f32
    %neg3A_60 = vector.broadcast %neg3A_59 : f32 to vector<256x16xf32>
    %neg3A_61 = arith.subf %neg3A_60, %concatenate3A_58 : vector<256x16xf32>
    %exp3A_62 = math.exp %neg3A_61 : vector<256x16xf32>
    %add3A_63 = arith.constant 1.000000e+00 : f32
    %add3A_64 = vector.broadcast %add3A_63 : f32 to vector<256x16xf32>
    %add3A_65 = arith.addf %add3A_64, %exp3A_62 : vector<256x16xf32>
    %div3A_66 = arith.constant 1.000000e+00 : f32
    %div3A_67 = vector.broadcast %div3A_66 : f32 to vector<256x16xf32>
    %div3A_68 = arith.divf %div3A_67, %add3A_65 : vector<256x16xf32>
    %swap3A_69 = arith.constant 1 : index
    %swap3A_70 = arith.constant 0 : index
    %swap3A_71 = arith.constant 0 : index
    %swap3A_72 = tpu.strided_load %arg7[%swap3A_69, %swap3A_70, %swap3A_71] {strides = array<i32: 1, 4, 1>} : memref<4x1024x16xf32, #tpu.memory_space<vmem>>, vector<1x256x16xf32>
    %swap3A_73 = vector.shape_cast %swap3A_72 : vector<1x256x16xf32> to vector<256x16xf32>
    %swap3A_74 = vector.shape_cast %div3A_68 : vector<256x16xf32> to vector<1x256x16xf32>
    tpu.strided_store %arg7[%swap3A_69, %swap3A_70, %swap3A_71], %swap3A_74 {strides = array<i32: 1, 4, 1>} : memref<4x1024x16xf32, #tpu.memory_space<vmem>>, vector<1x256x16xf32>
    %slice3A_75 = vector.extract_strided_slice %add3A_41 {offsets = [0, 16], sizes = [256, 8], strides = [1, 1]} : vector<256x64xf32> to vector<256x8xf32>
    %slice3A_76 = vector.extract_strided_slice %add3A_41 {offsets = [0, 48], sizes = [256, 8], strides = [1, 1]} : vector<256x64xf32> to vector<256x8xf32>
    %concatenate3A_77 = tpu.concatenate %slice3A_75, %slice3A_76 in 1 : vector<256x8xf32>, vector<256x8xf32> -> vector<256x16xf32>
    %neg3A_78 = arith.constant 0.000000e+00 : f32
    %neg3A_79 = vector.broadcast %neg3A_78 : f32 to vector<256x16xf32>
    %neg3A_80 = arith.subf %neg3A_79, %concatenate3A_77 : vector<256x16xf32>
    %exp3A_81 = math.exp %neg3A_80 : vector<256x16xf32>
    %add3A_82 = arith.constant 1.000000e+00 : f32
    %add3A_83 = vector.broadcast %add3A_82 : f32 to vector<256x16xf32>
    %add3A_84 = arith.addf %add3A_83, %exp3A_81 : vector<256x16xf32>
    %div3A_85 = arith.constant 1.000000e+00 : f32
    %div3A_86 = vector.broadcast %div3A_85 : f32 to vector<256x16xf32>
    %div3A_87 = arith.divf %div3A_86, %add3A_84 : vector<256x16xf32>
    %swap3A_88 = arith.constant 2 : index
    %swap3A_89 = arith.constant 0 : index
    %swap3A_90 = arith.constant 0 : index
    %swap3A_91 = tpu.strided_load %arg7[%swap3A_88, %swap3A_89, %swap3A_90] {strides = array<i32: 1, 4, 1>} : memref<4x1024x16xf32, #tpu.memory_space<vmem>>, vector<1x256x16xf32>
    %swap3A_92 = vector.shape_cast %swap3A_91 : vector<1x256x16xf32> to vector<256x16xf32>
    %swap3A_93 = vector.shape_cast %div3A_87 : vector<256x16xf32> to vector<1x256x16xf32>
    tpu.strided_store %arg7[%swap3A_88, %swap3A_89, %swap3A_90], %swap3A_93 {strides = array<i32: 1, 4, 1>} : memref<4x1024x16xf32, #tpu.memory_space<vmem>>, vector<1x256x16xf32>
    %slice3A_94 = vector.extract_strided_slice %add3A_41 {offsets = [0, 24], sizes = [256, 8], strides = [1, 1]} : vector<256x64xf32> to vector<256x8xf32>
    %slice3A_95 = vector.extract_strided_slice %add3A_41 {offsets = [0, 56], sizes = [256, 8], strides = [1, 1]} : vector<256x64xf32> to vector<256x8xf32>
    %concatenate3A_96 = tpu.concatenate %slice3A_94, %slice3A_95 in 1 : vector<256x8xf32>, vector<256x8xf32> -> vector<256x16xf32>
    %neg3A_97 = arith.constant 0.000000e+00 : f32
    %neg3A_98 = vector.broadcast %neg3A_97 : f32 to vector<256x16xf32>
    %neg3A_99 = arith.subf %neg3A_98, %concatenate3A_96 : vector<256x16xf32>
    %exp3A_100 = math.exp %neg3A_99 : vector<256x16xf32>
    %add3A_101 = arith.constant 1.000000e+00 : f32
    %add3A_102 = vector.broadcast %add3A_101 : f32 to vector<256x16xf32>
    %add3A_103 = arith.addf %add3A_102, %exp3A_100 : vector<256x16xf32>
    %div3A_104 = arith.constant 1.000000e+00 : f32
    %div3A_105 = vector.broadcast %div3A_104 : f32 to vector<256x16xf32>
    %div3A_106 = arith.divf %div3A_105, %add3A_103 : vector<256x16xf32>
    %swap3A_107 = arith.constant 3 : index
    %swap3A_108 = arith.constant 0 : index
    %swap3A_109 = arith.constant 0 : index
    %swap3A_110 = tpu.strided_load %arg7[%swap3A_107, %swap3A_108, %swap3A_109] {strides = array<i32: 1, 4, 1>} : memref<4x1024x16xf32, #tpu.memory_space<vmem>>, vector<1x256x16xf32>
    %swap3A_111 = vector.shape_cast %swap3A_110 : vector<1x256x16xf32> to vector<256x16xf32>
    %swap3A_112 = vector.shape_cast %div3A_106 : vector<256x16xf32> to vector<1x256x16xf32>
    tpu.strided_store %arg7[%swap3A_107, %swap3A_108, %swap3A_109], %swap3A_112 {strides = array<i32: 1, 4, 1>} : memref<4x1024x16xf32, #tpu.memory_space<vmem>>, vector<1x256x16xf32>
    %slice3A_113 = vector.extract_strided_slice %add3A {offsets = [0, 32], sizes = [256, 32], strides = [1, 1]} : vector<256x128xf32> to vector<256x32xf32>
    %dot_general3A_114 = arith.constant dense<0.000000e+00> : vector<256x64xf32>
    %dot_general3A_115 = tpu.matmul %slice3A_113, %get3A_21, %dot_general3A_114 {dimension_numbers = #tpu.dot_dimension_numbers<[1], [0], [0], [1], [0, 0, 1, 1], [], []>, transpose_lhs_hint = false} : vector<256x32xf32>, vector<32x64xf32>, vector<256x64xf32> -> vector<256x64xf32>
    %slice3A_116 = vector.extract_strided_slice %add3A_11 {offsets = [0, 32], sizes = [256, 32], strides = [1, 1]} : vector<256x128xf32> to vector<256x32xf32>
    %dot_general3A_117 = arith.constant dense<0.000000e+00> : vector<256x64xf32>
    %dot_general3A_118 = tpu.matmul %slice3A_116, %get3A_24, %dot_general3A_117 {dimension_numbers = #tpu.dot_dimension_numbers<[1], [0], [0], [1], [0, 0, 1, 1], [], []>, transpose_lhs_hint = false} : vector<256x32xf32>, vector<32x64xf32>, vector<256x64xf32> -> vector<256x64xf32>
    %add3A_119 = arith.addf %dot_general3A_115, %dot_general3A_118 : vector<256x64xf32>
    %slice3A_120 = vector.extract_strided_slice %add3A_18 {offsets = [0, 32], sizes = [256, 32], strides = [1, 1]} : vector<256x128xf32> to vector<256x32xf32>
    %dot_general3A_121 = arith.constant dense<0.000000e+00> : vector<256x64xf32>
    %dot_general3A_122 = tpu.matmul %slice3A_120, %get3A_27, %dot_general3A_121 {dimension_numbers = #tpu.dot_dimension_numbers<[1], [0], [0], [1], [0, 0, 1, 1], [], []>, transpose_lhs_hint = false} : vector<256x32xf32>, vector<32x64xf32>, vector<256x64xf32> -> vector<256x64xf32>
    %add3A_123 = arith.addf %add3A_119, %dot_general3A_122 : vector<256x64xf32>
    %get3A_124 = arith.constant 0 : index
    %get3A_125 = arith.constant 0 : index
    %get3A_126 = vector.load %arg6[%get3A_124, %get3A_125] : memref<8x64xf32, #tpu.memory_space<vmem>>, vector<1x64xf32>
    %add3A_127 = vector.broadcast %get3A_126 : vector<1x64xf32> to vector<256x64xf32>
    %add3A_128 = arith.addf %add3A_123, %add3A_127 : vector<256x64xf32>
    %slice3A_129 = vector.extract_strided_slice %add3A_128 {offsets = [0, 0], sizes = [256, 8], strides = [1, 1]} : vector<256x64xf32> to vector<256x8xf32>
    %slice3A_130 = vector.extract_strided_slice %add3A_128 {offsets = [0, 32], sizes = [256, 8], strides = [1, 1]} : vector<256x64xf32> to vector<256x8xf32>
    %concatenate3A_131 = tpu.concatenate %slice3A_129, %slice3A_130 in 1 : vector<256x8xf32>, vector<256x8xf32> -> vector<256x16xf32>
    %neg3A_132 = arith.constant 0.000000e+00 : f32
    %neg3A_133 = vector.broadcast %neg3A_132 : f32 to vector<256x16xf32>
    %neg3A_134 = arith.subf %neg3A_133, %concatenate3A_131 : vector<256x16xf32>
    %exp3A_135 = math.exp %neg3A_134 : vector<256x16xf32>
    %add3A_136 = arith.constant 1.000000e+00 : f32
    %add3A_137 = vector.broadcast %add3A_136 : f32 to vector<256x16xf32>
    %add3A_138 = arith.addf %add3A_137, %exp3A_135 : vector<256x16xf32>
    %div3A_139 = arith.constant 1.000000e+00 : f32
    %div3A_140 = vector.broadcast %div3A_139 : f32 to vector<256x16xf32>
    %div3A_141 = arith.divf %div3A_140, %add3A_138 : vector<256x16xf32>
    %swap3A_142 = arith.constant 0 : index
    %swap3A_143 = arith.constant 1 : index
    %swap3A_144 = arith.constant 0 : index
    %swap3A_145 = tpu.strided_load %arg7[%swap3A_142, %swap3A_143, %swap3A_144] {strides = array<i32: 1, 4, 1>} : memref<4x1024x16xf32, #tpu.memory_space<vmem>>, vector<1x256x16xf32>
    %swap3A_146 = vector.shape_cast %swap3A_145 : vector<1x256x16xf32> to vector<256x16xf32>
    %swap3A_147 = vector.shape_cast %div3A_141 : vector<256x16xf32> to vector<1x256x16xf32>
    tpu.strided_store %arg7[%swap3A_142, %swap3A_143, %swap3A_144], %swap3A_147 {strides = array<i32: 1, 4, 1>} : memref<4x1024x16xf32, #tpu.memory_space<vmem>>, vector<1x256x16xf32>
    %slice3A_148 = vector.extract_strided_slice %add3A_128 {offsets = [0, 8], sizes = [256, 8], strides = [1, 1]} : vector<256x64xf32> to vector<256x8xf32>
    %slice3A_149 = vector.extract_strided_slice %add3A_128 {offsets = [0, 40], sizes = [256, 8], strides = [1, 1]} : vector<256x64xf32> to vector<256x8xf32>
    %concatenate3A_150 = tpu.concatenate %slice3A_148, %slice3A_149 in 1 : vector<256x8xf32>, vector<256x8xf32> -> vector<256x16xf32>
    %neg3A_151 = arith.constant 0.000000e+00 : f32
    %neg3A_152 = vector.broadcast %neg3A_151 : f32 to vector<256x16xf32>
    %neg3A_153 = arith.subf %neg3A_152, %concatenate3A_150 : vector<256x16xf32>
    %exp3A_154 = math.exp %neg3A_153 : vector<256x16xf32>
    %add3A_155 = arith.constant 1.000000e+00 : f32
    %add3A_156 = vector.broadcast %add3A_155 : f32 to vector<256x16xf32>
    %add3A_157 = arith.addf %add3A_156, %exp3A_154 : vector<256x16xf32>
    %div3A_158 = arith.constant 1.000000e+00 : f32
    %div3A_159 = vector.broadcast %div3A_158 : f32 to vector<256x16xf32>
    %div3A_160 = arith.divf %div3A_159, %add3A_157 : vector<256x16xf32>
    %swap3A_161 = arith.constant 1 : index
    %swap3A_162 = arith.constant 1 : index
    %swap3A_163 = arith.constant 0 : index
    %swap3A_164 = tpu.strided_load %arg7[%swap3A_161, %swap3A_162, %swap3A_163] {strides = array<i32: 1, 4, 1>} : memref<4x1024x16xf32, #tpu.memory_space<vmem>>, vector<1x256x16xf32>
    %swap3A_165 = vector.shape_cast %swap3A_164 : vector<1x256x16xf32> to vector<256x16xf32>
    %swap3A_166 = vector.shape_cast %div3A_160 : vector<256x16xf32> to vector<1x256x16xf32>
    tpu.strided_store %arg7[%swap3A_161, %swap3A_162, %swap3A_163], %swap3A_166 {strides = array<i32: 1, 4, 1>} : memref<4x1024x16xf32, #tpu.memory_space<vmem>>, vector<1x256x16xf32>
    %slice3A_167 = vector.extract_strided_slice %add3A_128 {offsets = [0, 16], sizes = [256, 8], strides = [1, 1]} : vector<256x64xf32> to vector<256x8xf32>
    %slice3A_168 = vector.extract_strided_slice %add3A_128 {offsets = [0, 48], sizes = [256, 8], strides = [1, 1]} : vector<256x64xf32> to vector<256x8xf32>
    %concatenate3A_169 = tpu.concatenate %slice3A_167, %slice3A_168 in 1 : vector<256x8xf32>, vector<256x8xf32> -> vector<256x16xf32>
    %neg3A_170 = arith.constant 0.000000e+00 : f32
    %neg3A_171 = vector.broadcast %neg3A_170 : f32 to vector<256x16xf32>
    %neg3A_172 = arith.subf %neg3A_171, %concatenate3A_169 : vector<256x16xf32>
    %exp3A_173 = math.exp %neg3A_172 : vector<256x16xf32>
    %add3A_174 = arith.constant 1.000000e+00 : f32
    %add3A_175 = vector.broadcast %add3A_174 : f32 to vector<256x16xf32>
    %add3A_176 = arith.addf %add3A_175, %exp3A_173 : vector<256x16xf32>
    %div3A_177 = arith.constant 1.000000e+00 : f32
    %div3A_178 = vector.broadcast %div3A_177 : f32 to vector<256x16xf32>
    %div3A_179 = arith.divf %div3A_178, %add3A_176 : vector<256x16xf32>
    %swap3A_180 = arith.constant 2 : index
    %swap3A_181 = arith.constant 1 : index
    %swap3A_182 = arith.constant 0 : index
    %swap3A_183 = tpu.strided_load %arg7[%swap3A_180, %swap3A_181, %swap3A_182] {strides = array<i32: 1, 4, 1>} : memref<4x1024x16xf32, #tpu.memory_space<vmem>>, vector<1x256x16xf32>
    %swap3A_184 = vector.shape_cast %swap3A_183 : vector<1x256x16xf32> to vector<256x16xf32>
    %swap3A_185 = vector.shape_cast %div3A_179 : vector<256x16xf32> to vector<1x256x16xf32>
    tpu.strided_store %arg7[%swap3A_180, %swap3A_181, %swap3A_182], %swap3A_185 {strides = array<i32: 1, 4, 1>} : memref<4x1024x16xf32, #tpu.memory_space<vmem>>, vector<1x256x16xf32>
    %slice3A_186 = vector.extract_strided_slice %add3A_128 {offsets = [0, 24], sizes = [256, 8], strides = [1, 1]} : vector<256x64xf32> to vector<256x8xf32>
    %slice3A_187 = vector.extract_strided_slice %add3A_128 {offsets = [0, 56], sizes = [256, 8], strides = [1, 1]} : vector<256x64xf32> to vector<256x8xf32>
    %concatenate3A_188 = tpu.concatenate %slice3A_186, %slice3A_187 in 1 : vector<256x8xf32>, vector<256x8xf32> -> vector<256x16xf32>
    %neg3A_189 = arith.constant 0.000000e+00 : f32
    %neg3A_190 = vector.broadcast %neg3A_189 : f32 to vector<256x16xf32>
    %neg3A_191 = arith.subf %neg3A_190, %concatenate3A_188 : vector<256x16xf32>
    %exp3A_192 = math.exp %neg3A_191 : vector<256x16xf32>
    %add3A_193 = arith.constant 1.000000e+00 : f32
    %add3A_194 = vector.broadcast %add3A_193 : f32 to vector<256x16xf32>
    %add3A_195 = arith.addf %add3A_194, %exp3A_192 : vector<256x16xf32>
    %div3A_196 = arith.constant 1.000000e+00 : f32
    %div3A_197 = vector.broadcast %div3A_196 : f32 to vector<256x16xf32>
    %div3A_198 = arith.divf %div3A_197, %add3A_195 : vector<256x16xf32>
    %swap3A_199 = arith.constant 3 : index
    %swap3A_200 = arith.constant 1 : index
    %swap3A_201 = arith.constant 0 : index
    %swap3A_202 = tpu.strided_load %arg7[%swap3A_199, %swap3A_200, %swap3A_201] {strides = array<i32: 1, 4, 1>} : memref<4x1024x16xf32, #tpu.memory_space<vmem>>, vector<1x256x16xf32>
    %swap3A_203 = vector.shape_cast %swap3A_202 : vector<1x256x16xf32> to vector<256x16xf32>
    %swap3A_204 = vector.shape_cast %div3A_198 : vector<256x16xf32> to vector<1x256x16xf32>
    tpu.strided_store %arg7[%swap3A_199, %swap3A_200, %swap3A_201], %swap3A_204 {strides = array<i32: 1, 4, 1>} : memref<4x1024x16xf32, #tpu.memory_space<vmem>>, vector<1x256x16xf32>
    %slice3A_205 = vector.extract_strided_slice %add3A {offsets = [0, 64], sizes = [256, 32], strides = [1, 1]} : vector<256x128xf32> to vector<256x32xf32>
    %dot_general3A_206 = arith.constant dense<0.000000e+00> : vector<256x64xf32>
    %dot_general3A_207 = tpu.matmul %slice3A_205, %get3A_21, %dot_general3A_206 {dimension_numbers = #tpu.dot_dimension_numbers<[1], [0], [0], [1], [0, 0, 1, 1], [], []>, transpose_lhs_hint = false} : vector<256x32xf32>, vector<32x64xf32>, vector<256x64xf32> -> vector<256x64xf32>
    %slice3A_208 = vector.extract_strided_slice %add3A_11 {offsets = [0, 64], sizes = [256, 32], strides = [1, 1]} : vector<256x128xf32> to vector<256x32xf32>
    %dot_general3A_209 = arith.constant dense<0.000000e+00> : vector<256x64xf32>
    %dot_general3A_210 = tpu.matmul %slice3A_208, %get3A_24, %dot_general3A_209 {dimension_numbers = #tpu.dot_dimension_numbers<[1], [0], [0], [1], [0, 0, 1, 1], [], []>, transpose_lhs_hint = false} : vector<256x32xf32>, vector<32x64xf32>, vector<256x64xf32> -> vector<256x64xf32>
    %add3A_211 = arith.addf %dot_general3A_207, %dot_general3A_210 : vector<256x64xf32>
    %slice3A_212 = vector.extract_strided_slice %add3A_18 {offsets = [0, 64], sizes = [256, 32], strides = [1, 1]} : vector<256x128xf32> to vector<256x32xf32>
    %dot_general3A_213 = arith.constant dense<0.000000e+00> : vector<256x64xf32>
    %dot_general3A_214 = tpu.matmul %slice3A_212, %get3A_27, %dot_general3A_213 {dimension_numbers = #tpu.dot_dimension_numbers<[1], [0], [0], [1], [0, 0, 1, 1], [], []>, transpose_lhs_hint = false} : vector<256x32xf32>, vector<32x64xf32>, vector<256x64xf32> -> vector<256x64xf32>
    %add3A_215 = arith.addf %add3A_211, %dot_general3A_214 : vector<256x64xf32>
    %get3A_216 = arith.constant 0 : index
    %get3A_217 = arith.constant 0 : index
    %get3A_218 = vector.load %arg6[%get3A_216, %get3A_217] : memref<8x64xf32, #tpu.memory_space<vmem>>, vector<1x64xf32>
    %add3A_219 = vector.broadcast %get3A_218 : vector<1x64xf32> to vector<256x64xf32>
    %add3A_220 = arith.addf %add3A_215, %add3A_219 : vector<256x64xf32>
    %slice3A_221 = vector.extract_strided_slice %add3A_220 {offsets = [0, 0], sizes = [256, 8], strides = [1, 1]} : vector<256x64xf32> to vector<256x8xf32>
    %slice3A_222 = vector.extract_strided_slice %add3A_220 {offsets = [0, 32], sizes = [256, 8], strides = [1, 1]} : vector<256x64xf32> to vector<256x8xf32>
    %concatenate3A_223 = tpu.concatenate %slice3A_221, %slice3A_222 in 1 : vector<256x8xf32>, vector<256x8xf32> -> vector<256x16xf32>
    %neg3A_224 = arith.constant 0.000000e+00 : f32
    %neg3A_225 = vector.broadcast %neg3A_224 : f32 to vector<256x16xf32>
    %neg3A_226 = arith.subf %neg3A_225, %concatenate3A_223 : vector<256x16xf32>
    %exp3A_227 = math.exp %neg3A_226 : vector<256x16xf32>
    %add3A_228 = arith.constant 1.000000e+00 : f32
    %add3A_229 = vector.broadcast %add3A_228 : f32 to vector<256x16xf32>
    %add3A_230 = arith.addf %add3A_229, %exp3A_227 : vector<256x16xf32>
    %div3A_231 = arith.constant 1.000000e+00 : f32
    %div3A_232 = vector.broadcast %div3A_231 : f32 to vector<256x16xf32>
    %div3A_233 = arith.divf %div3A_232, %add3A_230 : vector<256x16xf32>
    %swap3A_234 = arith.constant 0 : index
    %swap3A_235 = arith.constant 2 : index
    %swap3A_236 = arith.constant 0 : index
    %swap3A_237 = tpu.strided_load %arg7[%swap3A_234, %swap3A_235, %swap3A_236] {strides = array<i32: 1, 4, 1>} : memref<4x1024x16xf32, #tpu.memory_space<vmem>>, vector<1x256x16xf32>
    %swap3A_238 = vector.shape_cast %swap3A_237 : vector<1x256x16xf32> to vector<256x16xf32>
    %swap3A_239 = vector.shape_cast %div3A_233 : vector<256x16xf32> to vector<1x256x16xf32>
    tpu.strided_store %arg7[%swap3A_234, %swap3A_235, %swap3A_236], %swap3A_239 {strides = array<i32: 1, 4, 1>} : memref<4x1024x16xf32, #tpu.memory_space<vmem>>, vector<1x256x16xf32>
    %slice3A_240 = vector.extract_strided_slice %add3A_220 {offsets = [0, 8], sizes = [256, 8], strides = [1, 1]} : vector<256x64xf32> to vector<256x8xf32>
    %slice3A_241 = vector.extract_strided_slice %add3A_220 {offsets = [0, 40], sizes = [256, 8], strides = [1, 1]} : vector<256x64xf32> to vector<256x8xf32>
    %concatenate3A_242 = tpu.concatenate %slice3A_240, %slice3A_241 in 1 : vector<256x8xf32>, vector<256x8xf32> -> vector<256x16xf32>
    %neg3A_243 = arith.constant 0.000000e+00 : f32
    %neg3A_244 = vector.broadcast %neg3A_243 : f32 to vector<256x16xf32>
    %neg3A_245 = arith.subf %neg3A_244, %concatenate3A_242 : vector<256x16xf32>
    %exp3A_246 = math.exp %neg3A_245 : vector<256x16xf32>
    %add3A_247 = arith.constant 1.000000e+00 : f32
    %add3A_248 = vector.broadcast %add3A_247 : f32 to vector<256x16xf32>
    %add3A_249 = arith.addf %add3A_248, %exp3A_246 : vector<256x16xf32>
    %div3A_250 = arith.constant 1.000000e+00 : f32
    %div3A_251 = vector.broadcast %div3A_250 : f32 to vector<256x16xf32>
    %div3A_252 = arith.divf %div3A_251, %add3A_249 : vector<256x16xf32>
    %swap3A_253 = arith.constant 1 : index
    %swap3A_254 = arith.constant 2 : index
    %swap3A_255 = arith.constant 0 : index
    %swap3A_256 = tpu.strided_load %arg7[%swap3A_253, %swap3A_254, %swap3A_255] {strides = array<i32: 1, 4, 1>} : memref<4x1024x16xf32, #tpu.memory_space<vmem>>, vector<1x256x16xf32>
    %swap3A_257 = vector.shape_cast %swap3A_256 : vector<1x256x16xf32> to vector<256x16xf32>
    %swap3A_258 = vector.shape_cast %div3A_252 : vector<256x16xf32> to vector<1x256x16xf32>
    tpu.strided_store %arg7[%swap3A_253, %swap3A_254, %swap3A_255], %swap3A_258 {strides = array<i32: 1, 4, 1>} : memref<4x1024x16xf32, #tpu.memory_space<vmem>>, vector<1x256x16xf32>
    %slice3A_259 = vector.extract_strided_slice %add3A_220 {offsets = [0, 16], sizes = [256, 8], strides = [1, 1]} : vector<256x64xf32> to vector<256x8xf32>
    %slice3A_260 = vector.extract_strided_slice %add3A_220 {offsets = [0, 48], sizes = [256, 8], strides = [1, 1]} : vector<256x64xf32> to vector<256x8xf32>
    %concatenate3A_261 = tpu.concatenate %slice3A_259, %slice3A_260 in 1 : vector<256x8xf32>, vector<256x8xf32> -> vector<256x16xf32>
    %neg3A_262 = arith.constant 0.000000e+00 : f32
    %neg3A_263 = vector.broadcast %neg3A_262 : f32 to vector<256x16xf32>
    %neg3A_264 = arith.subf %neg3A_263, %concatenate3A_261 : vector<256x16xf32>
    %exp3A_265 = math.exp %neg3A_264 : vector<256x16xf32>
    %add3A_266 = arith.constant 1.000000e+00 : f32
    %add3A_267 = vector.broadcast %add3A_266 : f32 to vector<256x16xf32>
    %add3A_268 = arith.addf %add3A_267, %exp3A_265 : vector<256x16xf32>
    %div3A_269 = arith.constant 1.000000e+00 : f32
    %div3A_270 = vector.broadcast %div3A_269 : f32 to vector<256x16xf32>
    %div3A_271 = arith.divf %div3A_270, %add3A_268 : vector<256x16xf32>
    %swap3A_272 = arith.constant 2 : index
    %swap3A_273 = arith.constant 2 : index
    %swap3A_274 = arith.constant 0 : index
    %swap3A_275 = tpu.strided_load %arg7[%swap3A_272, %swap3A_273, %swap3A_274] {strides = array<i32: 1, 4, 1>} : memref<4x1024x16xf32, #tpu.memory_space<vmem>>, vector<1x256x16xf32>
    %swap3A_276 = vector.shape_cast %swap3A_275 : vector<1x256x16xf32> to vector<256x16xf32>
    %swap3A_277 = vector.shape_cast %div3A_271 : vector<256x16xf32> to vector<1x256x16xf32>
    tpu.strided_store %arg7[%swap3A_272, %swap3A_273, %swap3A_274], %swap3A_277 {strides = array<i32: 1, 4, 1>} : memref<4x1024x16xf32, #tpu.memory_space<vmem>>, vector<1x256x16xf32>
    %slice3A_278 = vector.extract_strided_slice %add3A_220 {offsets = [0, 24], sizes = [256, 8], strides = [1, 1]} : vector<256x64xf32> to vector<256x8xf32>
    %slice3A_279 = vector.extract_strided_slice %add3A_220 {offsets = [0, 56], sizes = [256, 8], strides = [1, 1]} : vector<256x64xf32> to vector<256x8xf32>
    %concatenate3A_280 = tpu.concatenate %slice3A_278, %slice3A_279 in 1 : vector<256x8xf32>, vector<256x8xf32> -> vector<256x16xf32>
    %neg3A_281 = arith.constant 0.000000e+00 : f32
    %neg3A_282 = vector.broadcast %neg3A_281 : f32 to vector<256x16xf32>
    %neg3A_283 = arith.subf %neg3A_282, %concatenate3A_280 : vector<256x16xf32>
    %exp3A_284 = math.exp %neg3A_283 : vector<256x16xf32>
    %add3A_285 = arith.constant 1.000000e+00 : f32
    %add3A_286 = vector.broadcast %add3A_285 : f32 to vector<256x16xf32>
    %add3A_287 = arith.addf %add3A_286, %exp3A_284 : vector<256x16xf32>
    %div3A_288 = arith.constant 1.000000e+00 : f32
    %div3A_289 = vector.broadcast %div3A_288 : f32 to vector<256x16xf32>
    %div3A_290 = arith.divf %div3A_289, %add3A_287 : vector<256x16xf32>
    %swap3A_291 = arith.constant 3 : index
    %swap3A_292 = arith.constant 2 : index
    %swap3A_293 = arith.constant 0 : index
    %swap3A_294 = tpu.strided_load %arg7[%swap3A_291, %swap3A_292, %swap3A_293] {strides = array<i32: 1, 4, 1>} : memref<4x1024x16xf32, #tpu.memory_space<vmem>>, vector<1x256x16xf32>
    %swap3A_295 = vector.shape_cast %swap3A_294 : vector<1x256x16xf32> to vector<256x16xf32>
    %swap3A_296 = vector.shape_cast %div3A_290 : vector<256x16xf32> to vector<1x256x16xf32>
    tpu.strided_store %arg7[%swap3A_291, %swap3A_292, %swap3A_293], %swap3A_296 {strides = array<i32: 1, 4, 1>} : memref<4x1024x16xf32, #tpu.memory_space<vmem>>, vector<1x256x16xf32>
    %slice3A_297 = vector.extract_strided_slice %add3A {offsets = [0, 96], sizes = [256, 32], strides = [1, 1]} : vector<256x128xf32> to vector<256x32xf32>
    %dot_general3A_298 = arith.constant dense<0.000000e+00> : vector<256x64xf32>
    %dot_general3A_299 = tpu.matmul %slice3A_297, %get3A_21, %dot_general3A_298 {dimension_numbers = #tpu.dot_dimension_numbers<[1], [0], [0], [1], [0, 0, 1, 1], [], []>, transpose_lhs_hint = false} : vector<256x32xf32>, vector<32x64xf32>, vector<256x64xf32> -> vector<256x64xf32>
    %slice3A_300 = vector.extract_strided_slice %add3A_11 {offsets = [0, 96], sizes = [256, 32], strides = [1, 1]} : vector<256x128xf32> to vector<256x32xf32>
    %dot_general3A_301 = arith.constant dense<0.000000e+00> : vector<256x64xf32>
    %dot_general3A_302 = tpu.matmul %slice3A_300, %get3A_24, %dot_general3A_301 {dimension_numbers = #tpu.dot_dimension_numbers<[1], [0], [0], [1], [0, 0, 1, 1], [], []>, transpose_lhs_hint = false} : vector<256x32xf32>, vector<32x64xf32>, vector<256x64xf32> -> vector<256x64xf32>
    %add3A_303 = arith.addf %dot_general3A_299, %dot_general3A_302 : vector<256x64xf32>
    %slice3A_304 = vector.extract_strided_slice %add3A_18 {offsets = [0, 96], sizes = [256, 32], strides = [1, 1]} : vector<256x128xf32> to vector<256x32xf32>
    %dot_general3A_305 = arith.constant dense<0.000000e+00> : vector<256x64xf32>
    %dot_general3A_306 = tpu.matmul %slice3A_304, %get3A_27, %dot_general3A_305 {dimension_numbers = #tpu.dot_dimension_numbers<[1], [0], [0], [1], [0, 0, 1, 1], [], []>, transpose_lhs_hint = false} : vector<256x32xf32>, vector<32x64xf32>, vector<256x64xf32> -> vector<256x64xf32>
    %add3A_307 = arith.addf %add3A_303, %dot_general3A_306 : vector<256x64xf32>
    %get3A_308 = arith.constant 0 : index
    %get3A_309 = arith.constant 0 : index
    %get3A_310 = vector.load %arg6[%get3A_308, %get3A_309] : memref<8x64xf32, #tpu.memory_space<vmem>>, vector<1x64xf32>
    %add3A_311 = vector.broadcast %get3A_310 : vector<1x64xf32> to vector<256x64xf32>
    %add3A_312 = arith.addf %add3A_307, %add3A_311 : vector<256x64xf32>
    %slice3A_313 = vector.extract_strided_slice %add3A_312 {offsets = [0, 0], sizes = [256, 8], strides = [1, 1]} : vector<256x64xf32> to vector<256x8xf32>
    %slice3A_314 = vector.extract_strided_slice %add3A_312 {offsets = [0, 32], sizes = [256, 8], strides = [1, 1]} : vector<256x64xf32> to vector<256x8xf32>
    %concatenate3A_315 = tpu.concatenate %slice3A_313, %slice3A_314 in 1 : vector<256x8xf32>, vector<256x8xf32> -> vector<256x16xf32>
    %neg3A_316 = arith.constant 0.000000e+00 : f32
    %neg3A_317 = vector.broadcast %neg3A_316 : f32 to vector<256x16xf32>
    %neg3A_318 = arith.subf %neg3A_317, %concatenate3A_315 : vector<256x16xf32>
    %exp3A_319 = math.exp %neg3A_318 : vector<256x16xf32>
    %add3A_320 = arith.constant 1.000000e+00 : f32
    %add3A_321 = vector.broadcast %add3A_320 : f32 to vector<256x16xf32>
    %add3A_322 = arith.addf %add3A_321, %exp3A_319 : vector<256x16xf32>
    %div3A_323 = arith.constant 1.000000e+00 : f32
    %div3A_324 = vector.broadcast %div3A_323 : f32 to vector<256x16xf32>
    %div3A_325 = arith.divf %div3A_324, %add3A_322 : vector<256x16xf32>
    %swap3A_326 = arith.constant 0 : index
    %swap3A_327 = arith.constant 3 : index
    %swap3A_328 = arith.constant 0 : index
    %swap3A_329 = tpu.strided_load %arg7[%swap3A_326, %swap3A_327, %swap3A_328] {strides = array<i32: 1, 4, 1>} : memref<4x1024x16xf32, #tpu.memory_space<vmem>>, vector<1x256x16xf32>
    %swap3A_330 = vector.shape_cast %swap3A_329 : vector<1x256x16xf32> to vector<256x16xf32>
    %swap3A_331 = vector.shape_cast %div3A_325 : vector<256x16xf32> to vector<1x256x16xf32>
    tpu.strided_store %arg7[%swap3A_326, %swap3A_327, %swap3A_328], %swap3A_331 {strides = array<i32: 1, 4, 1>} : memref<4x1024x16xf32, #tpu.memory_space<vmem>>, vector<1x256x16xf32>
    %slice3A_332 = vector.extract_strided_slice %add3A_312 {offsets = [0, 8], sizes = [256, 8], strides = [1, 1]} : vector<256x64xf32> to vector<256x8xf32>
    %slice3A_333 = vector.extract_strided_slice %add3A_312 {offsets = [0, 40], sizes = [256, 8], strides = [1, 1]} : vector<256x64xf32> to vector<256x8xf32>
    %concatenate3A_334 = tpu.concatenate %slice3A_332, %slice3A_333 in 1 : vector<256x8xf32>, vector<256x8xf32> -> vector<256x16xf32>
    %neg3A_335 = arith.constant 0.000000e+00 : f32
    %neg3A_336 = vector.broadcast %neg3A_335 : f32 to vector<256x16xf32>
    %neg3A_337 = arith.subf %neg3A_336, %concatenate3A_334 : vector<256x16xf32>
    %exp3A_338 = math.exp %neg3A_337 : vector<256x16xf32>
    %add3A_339 = arith.constant 1.000000e+00 : f32
    %add3A_340 = vector.broadcast %add3A_339 : f32 to vector<256x16xf32>
    %add3A_341 = arith.addf %add3A_340, %exp3A_338 : vector<256x16xf32>
    %div3A_342 = arith.constant 1.000000e+00 : f32
    %div3A_343 = vector.broadcast %div3A_342 : f32 to vector<256x16xf32>
    %div3A_344 = arith.divf %div3A_343, %add3A_341 : vector<256x16xf32>
    %swap3A_345 = arith.constant 1 : index
    %swap3A_346 = arith.constant 3 : index
    %swap3A_347 = arith.constant 0 : index
    %swap3A_348 = tpu.strided_load %arg7[%swap3A_345, %swap3A_346, %swap3A_347] {strides = array<i32: 1, 4, 1>} : memref<4x1024x16xf32, #tpu.memory_space<vmem>>, vector<1x256x16xf32>
    %swap3A_349 = vector.shape_cast %swap3A_348 : vector<1x256x16xf32> to vector<256x16xf32>
    %swap3A_350 = vector.shape_cast %div3A_344 : vector<256x16xf32> to vector<1x256x16xf32>
    tpu.strided_store %arg7[%swap3A_345, %swap3A_346, %swap3A_347], %swap3A_350 {strides = array<i32: 1, 4, 1>} : memref<4x1024x16xf32, #tpu.memory_space<vmem>>, vector<1x256x16xf32>
    %slice3A_351 = vector.extract_strided_slice %add3A_312 {offsets = [0, 16], sizes = [256, 8], strides = [1, 1]} : vector<256x64xf32> to vector<256x8xf32>
    %slice3A_352 = vector.extract_strided_slice %add3A_312 {offsets = [0, 48], sizes = [256, 8], strides = [1, 1]} : vector<256x64xf32> to vector<256x8xf32>
    %concatenate3A_353 = tpu.concatenate %slice3A_351, %slice3A_352 in 1 : vector<256x8xf32>, vector<256x8xf32> -> vector<256x16xf32>
    %neg3A_354 = arith.constant 0.000000e+00 : f32
    %neg3A_355 = vector.broadcast %neg3A_354 : f32 to vector<256x16xf32>
    %neg3A_356 = arith.subf %neg3A_355, %concatenate3A_353 : vector<256x16xf32>
    %exp3A_357 = math.exp %neg3A_356 : vector<256x16xf32>
    %add3A_358 = arith.constant 1.000000e+00 : f32
    %add3A_359 = vector.broadcast %add3A_358 : f32 to vector<256x16xf32>
    %add3A_360 = arith.addf %add3A_359, %exp3A_357 : vector<256x16xf32>
    %div3A_361 = arith.constant 1.000000e+00 : f32
    %div3A_362 = vector.broadcast %div3A_361 : f32 to vector<256x16xf32>
    %div3A_363 = arith.divf %div3A_362, %add3A_360 : vector<256x16xf32>
    %swap3A_364 = arith.constant 2 : index
    %swap3A_365 = arith.constant 3 : index
    %swap3A_366 = arith.constant 0 : index
    %swap3A_367 = tpu.strided_load %arg7[%swap3A_364, %swap3A_365, %swap3A_366] {strides = array<i32: 1, 4, 1>} : memref<4x1024x16xf32, #tpu.memory_space<vmem>>, vector<1x256x16xf32>
    %swap3A_368 = vector.shape_cast %swap3A_367 : vector<1x256x16xf32> to vector<256x16xf32>
    %swap3A_369 = vector.shape_cast %div3A_363 : vector<256x16xf32> to vector<1x256x16xf32>
    tpu.strided_store %arg7[%swap3A_364, %swap3A_365, %swap3A_366], %swap3A_369 {strides = array<i32: 1, 4, 1>} : memref<4x1024x16xf32, #tpu.memory_space<vmem>>, vector<1x256x16xf32>
    %slice3A_370 = vector.extract_strided_slice %add3A_312 {offsets = [0, 24], sizes = [256, 8], strides = [1, 1]} : vector<256x64xf32> to vector<256x8xf32>
    %slice3A_371 = vector.extract_strided_slice %add3A_312 {offsets = [0, 56], sizes = [256, 8], strides = [1, 1]} : vector<256x64xf32> to vector<256x8xf32>
    %concatenate3A_372 = tpu.concatenate %slice3A_370, %slice3A_371 in 1 : vector<256x8xf32>, vector<256x8xf32> -> vector<256x16xf32>
    %neg3A_373 = arith.constant 0.000000e+00 : f32
    %neg3A_374 = vector.broadcast %neg3A_373 : f32 to vector<256x16xf32>
    %neg3A_375 = arith.subf %neg3A_374, %concatenate3A_372 : vector<256x16xf32>
    %exp3A_376 = math.exp %neg3A_375 : vector<256x16xf32>
    %add3A_377 = arith.constant 1.000000e+00 : f32
    %add3A_378 = vector.broadcast %add3A_377 : f32 to vector<256x16xf32>
    %add3A_379 = arith.addf %add3A_378, %exp3A_376 : vector<256x16xf32>
    %div3A_380 = arith.constant 1.000000e+00 : f32
    %div3A_381 = vector.broadcast %div3A_380 : f32 to vector<256x16xf32>
    %div3A_382 = arith.divf %div3A_381, %add3A_379 : vector<256x16xf32>
    %swap3A_383 = arith.constant 3 : index
    %swap3A_384 = arith.constant 3 : index
    %swap3A_385 = arith.constant 0 : index
    %swap3A_386 = tpu.strided_load %arg7[%swap3A_383, %swap3A_384, %swap3A_385] {strides = array<i32: 1, 4, 1>} : memref<4x1024x16xf32, #tpu.memory_space<vmem>>, vector<1x256x16xf32>
    %swap3A_387 = vector.shape_cast %swap3A_386 : vector<1x256x16xf32> to vector<256x16xf32>
    %swap3A_388 = vector.shape_cast %div3A_382 : vector<256x16xf32> to vector<1x256x16xf32>
    tpu.strided_store %arg7[%swap3A_383, %swap3A_384, %swap3A_385], %swap3A_388 {strides = array<i32: 1, 4, 1>} : memref<4x1024x16xf32, #tpu.memory_space<vmem>>, vector<1x256x16xf32>
    return
  }
}

</mosaic_0001>

<sc_bundles>
// kernel: kernel.4.cloned.1.call-start
scs
__scs_entry_jumppad:
0x0: {  	(pc) =	sbr.rel $0x88, $3  }
0x1: {  	(tag) =	ssettag $0x0;
	lr =	simm.s32 $0x1  }
0x2: {  	[smem:$0x3F9B] =	sst lr;
	_ =	strace $0xD0000000  }
0x3: {  	_ = 	snop  }
0x4: {  	_ = 	snop  }
0x5: {  	_ = 	snop  }
0x6: {  	_ = 	snop  }
0x7: {  	_ = 	snop  }
__scs_overlays_trampoline_lowered:
0x8: {  	[smem:$0x3FAA] =	sst s0  }
0x9: {  	[smem:$0x3FAB] =	sst s1  }
0xa: {  	[smem:$0x3FAC] =	sst s2  }
0xb: {  	[smem:$0x3FAD] =	sst s3  }
0xc: {  	[smem:$0x3FAE] =	sst s4  }
0xd: {  	[smem:$0x3FAF] =	sst s5  }
0xe: {  	[smem:$0x3FB0] =	sst s6  }
0xf: {  	[smem:$0x3FB1] =	sst s7  }
0x10: {  	[smem:$0x3FB2] =	sst s8  }
0x11: {  	[smem:$0x3FB3] =	sst s9;
	s0 =	simm.s32 @!p0 $0x0  }
0x12: {  	s1 =	sld [smem:$0x3F99];
	s0 =	simm.s32 @p0 $0x1  }
0x13: {  	[smem:$0x3FB4] =	sst s0;
	s0 =	simm.s32 @!p1 $0x0  }
0x14: {  	s2 =	sld [smem:$0x3F98];
	s0 =	simm.s32 @p1 $0x1  }
0x15: {  	[smem:$0x3FB5] =	sst s0;
	s0 =	simm.s32 @!p2 $0x0  }
0x16: {  	s3 =	sld [smem:$0x3FDB];
	s0 =	simm.s32 @p2 $0x1  }
0x17: {  	s4 =	simm.s32 $0x1BF5;
	[smem:$0x3FB7] =	sst s0  }
0x18: {  	s0 =	sld [smem:$0x3F9A];
	_ =	swait.ge [sflag:s4], $0x0  }
0x19: {  	s7 =	sld [smem:$0x3F9B]  }
0x1a: {  	s8 =	sadd.s32 $0xFFFFE003, lr  }
0x1b: {  	s9 =	sadd.s32 $0xFFFFFEF7, lr;
	s5 =	simm.s32 $0xFFFFFFFF;
	p2 =	slt.u32 s8, $0xFFFFF086  }
0x1c: {  	p1 =	slt.u32 s9, $0xF7A;
	s5 =	simm.s32 @!p2 $0x0  }
0x1d: {  	s5 =	simm.s32 @p1 $0x1;
	p0 =	seq.s32 s7, s2  }
0x1e: {  	s7 =	smul.u32 @!p0 $0xF7A, s2;
	p2 =	seq.s32 @!p0 s5, $0x0  }
0x1f: {  	s9 =	smul.u32 $0xF7A, s1;
	s8 =	simm.s32 @!p0 $0x1BF5;
	p2 =	por !p2, p0  }
0x20: {  	[sflag:s8] =	ssyncset.s32 @!p0 $0xFFFFF086;
	s6 =	sadd.s32 @!p0 s3, s7;
	s7 =	simm.s32 @!p0 $0x108  }
0x21: {  	s3 =	sadd.s32 s3, s9;
	s6 =	sadd.s32 @!p0 $0x88, s6;
	s7 =	simm.s32 @p2 $0x1082  }
0x22: {  	[simem:s7], [sflag:s8] =	dma.local @!p0 [hbm:s6], $0xF7A  }
0x23: {  	s9 =	sor.u32 $0xD0000000, s2;
	s6 =	simm.s32 $0x108;
	_ =	swait.ge @!p0 [sflag:s8], $0x0  }
0x24: {  	s3 =	sadd.s32 $0x88, s3;
	s6 =	simm.s32 @!p1 $0x1082;
	[sflag:s4] =	ssyncset.s32 $0xFFFFF086  }
0x25: {  	[simem:s6], [sflag:s4] =	dma.local [hbm:s3], $0xF7A  }
0x26: {  	[smem:$0x3F9B] =	sst s1;
	(tag) =	ssettag s2;
	_ =	strace s9  }
0x27: {  	s1 =	sld [smem:$0x3FAB]  }
0x28: {  	s2 =	sld [smem:$0x3FAC]  }
0x29: {  	s4 =	sld [smem:$0x3FAE]  }
0x2a: {  	p0 =	seq.s32 s5, $0x0;
	s5 =	sld [smem:$0x3FAF]  }
0x2b: {  	s6 =	sld [smem:$0x3FB0]  }
0x2c: {  	s7 =	sld [smem:$0x3FB1]  }
0x2d: {  	s3 =	simm.s32 $0x108;
	s8 =	sld [smem:$0x3FB2]  }
0x2e: {  	s3 =	simm.s32 @!p0 $0x1082;
	s9 =	sld [smem:$0x3FB3]  }
0x2f: {  	lr =	sadd.s32 s0, s3;
	s0 =	sld [smem:$0x3FAA]  }
0x30: {  	s3 =	sld [smem:$0x3FAD]  }
0x31: {  	[smem:$0x3FB6] =	sst s10  }
0x32: {  	s10 =	sld [smem:$0x3FB4];
	_ =	sdelay $0x3  }
0x33: {  	p0 =	seq.s32 s10, $0x1;
	s10 =	sld [smem:$0x3FB6];
	_ =	sdelay $0x3  }
0x34: {  	[smem:$0x3FB6] =	sst s10  }
0x35: {  	s10 =	sld [smem:$0x3FB5];
	_ =	sdelay $0x3  }
0x36: {  	p1 =	seq.s32 s10, $0x1;
	s10 =	sld [smem:$0x3FB6];
	_ =	sdelay $0x3  }
0x37: {  	[smem:$0x3FB6] =	sst s10  }
0x38: {  	s10 =	sld [smem:$0x3FB7]  }
0x39: {  	_ = 	snop;
	(pc) =	sbr.ind lr, $3  }
0x3a: {  	_ = 	snop  }
0x3b: {  	_ = 	snop  }
0x3c: {  	p2 =	seq.s32 s10, $0x1;
	s10 =	sld [smem:$0x3FB6]  }
0x3d: {  	_ =	shalt  }
0x3e: {  	_ =	shalt  }
0x3f: {  	_ =	shalt  }
0x40: {  	_ =	shalt  }
0x41: {  	_ =	shalt  }
0x42: {  	_ =	shalt  }
0x43: {  	_ =	shalt  }
0x44: {  	_ =	shalt  }
0x45: {  	_ =	shalt  }
0x46: {  	_ =	shalt  }
0x47: {  	_ =	shalt  }
0x48: {  	_ =	shalt  }
0x49: {  	_ =	shalt  }
0x4a: {  	_ =	shalt  }
0x4b: {  	_ =	shalt  }
0x4c: {  	_ =	shalt  }
0x4d: {  	_ =	shalt  }
0x4e: {  	_ =	shalt  }
0x4f: {  	_ =	shalt  }
0x50: {  	_ =	shalt  }
0x51: {  	_ =	shalt  }
0x52: {  	_ =	shalt  }
0x53: {  	_ =	shalt  }
0x54: {  	_ =	shalt  }
0x55: {  	_ =	shalt  }
0x56: {  	_ =	shalt  }
0x57: {  	_ =	shalt  }
0x58: {  	_ =	shalt  }
0x59: {  	_ =	shalt  }
0x5a: {  	_ =	shalt  }
0x5b: {  	_ =	shalt  }
0x5c: {  	_ =	shalt  }
0x5d: {  	_ =	shalt  }
0x5e: {  	_ =	shalt  }
0x5f: {  	_ =	shalt  }
0x60: {  	_ =	shalt  }
0x61: {  	_ =	shalt  }
0x62: {  	_ =	shalt  }
0x63: {  	_ =	shalt  }
0x64: {  	_ =	shalt  }
0x65: {  	_ =	shalt  }
0x66: {  	_ =	shalt  }
0x67: {  	_ =	shalt  }
0x68: {  	_ =	shalt  }
0x69: {  	_ =	shalt  }
0x6a: {  	_ =	shalt  }
0x6b: {  	_ =	shalt  }
0x6c: {  	_ =	shalt  }
0x6d: {  	_ =	shalt  }
0x6e: {  	_ =	shalt  }
0x6f: {  	_ =	shalt  }
0x70: {  	_ =	shalt  }
0x71: {  	_ =	shalt  }
0x72: {  	_ =	shalt  }
0x73: {  	_ =	shalt  }
0x74: {  	_ =	shalt  }
0x75: {  	_ =	shalt  }
0x76: {  	_ =	shalt  }
0x77: {  	_ =	shalt  }
0x78: {  	_ =	shalt  }
0x79: {  	_ =	shalt  }
0x7a: {  	_ =	shalt  }
0x7b: {  	_ =	shalt  }
0x7c: {  	_ =	shalt  }
0x7d: {  	_ =	shalt  }
0x7e: {  	_ =	shalt  }
0x7f: {  	_ =	shalt  }
0x80: {  	_ =	shalt  }
0x81: {  	_ =	shalt  }
0x82: {  	_ =	shalt  }
0x83: {  	_ =	shalt  }
0x84: {  	_ =	shalt  }
0x85: {  	_ =	shalt  }
0x86: {  	_ =	shalt  }
0x87: {  	_ =	shalt  }
.Lfunc_end0:
.L_simem_size_0:
called_computation_lowered:
.L_overlay_start_0:
0x88: {  	s2 =	sld [smem:$0x3FD9]  }
0x89: {  	s3 =	sld [smem:$0x3FFE];
	_ =	sdelay $0x1  }
0x8a: {  	s1 =	srdreg.scid  }
0x8b: {  	s0 =	sand.u32 $0x1, s1  }
0x8c: {  	s17 =	sshll.u32 s0, $0xA;
	s2 =	sadd.s32 s3, s2  }
0x8d: {  	s2 =	sadd.s32 s2, s17  }
0x8e: {  	[smem:$0x3FC2] =	sst s2  }
0x8f: {  	_ = 	snop  }
0x90: {  	s2 =	sld [smem:$0x3FD0];
	(tm) =	ssettm $0x1  }
0x91: {  	s18 =	sld [smem:$0x3FFB];
	_ =	sdelay $0x3  }
0x92: {  	_ =	strace s18  }
0x93: {  	s3 =	sld [smem:$0x3FFC];
	_ =	sdelay $0x3  }
0x94: {  	_ =	strace s3  }
0x95: {  	s3 =	sld [smem:$0x3FFD];
	_ =	sdelay $0x3  }
0x96: {  	_ =	strace s3  }
0x97: {  	_ =	strace $0x8FFFFFFF  }
0x98: {  	s19 =	sld [smem:$0x3FDB];
	_ =	sdelay $0x1  }
0x99: {  	s4 =	simm.s32 $_scs_section_size  }
0x9a: {  	s5 =	simm.s32 $_size__tile_overlayer_lowered;
	s6 =	simm.s32 $_tile_overlayer_lowered  }
0x9b: {  	s22 =	simm.s32 $0x1BFF;
	s21 =	sshll.u32 s6, $0x1;
	s3 =	sadd.s32 s4, s19  }
0x9c: {  	s7 =	simm.s32 $0x0;
	s20 =	sshll.u32 s5, $0x1;
	s5 =	sadd.s32 s21, s3  }
0x9d: {  	[timem:s7], [sflag:s22] =	dma.local [hbm:s5], s20  }
0x9e: {  	_ =	swait.ge [sflag:s22], s20  }
0x9f: {  	s4 =	ssub.s32 $0x0, s20;
	[sflag:s22] =	ssyncset.done $0x0  }
0xa0: {  	[sflag:s22] =	ssyncadd.s32 s4;
	_ =	sdelay $0x1  }
0xa1: {  	s23 =	simm.s32 $0x1B8B  }
0xa2: {  	_ =	swait.ge [sflag:s23], $0x1  }
0xa3: {  	[sflag:s23] =	ssyncset.done $0x0  }
0xa4: {  	s25 =	simm.s32 $0x1B8E;
	s24 =	sld [smem:$0x3FFE];
	[sflag:s23] =	ssyncadd.s32 $0xFFFFFFFF  }
0xa5: {  	s26 =	simm.s32 $execute0_lowered;
	[smem:$0x3FD2] =	sst s25  }
0xa6: {  	s5 =	sshll.u32 s26, $0x1;
	_ =	strace $0x80000046;
	[dreg:$0x1] =	wrdreg $0xFFFFFFFF  }
0xa7: {  	s28 =	simm.s32 $_size_execute0_lowered;
	s3 =	sadd.s32 s3, s5;
	[dreg:$0x0] =	wrdreg $0x0  }
0xa8: {  	s5 =	sshll.u32 s28, $0x1;
	[dreg:$0x2] =	wrdreg s3  }
0xa9: {  	[dreg:$0x3] =	wrdreg s5  }
0xaa: {  	[dreg:$0x4] =	wrdreg $0xC0  }
0xab: {  	_ =	task [dreg:s7], $0x5FFFF  }
0xac: {  	[dreg:$0x1] =	wrdreg $0xFFFFFFFF  }
0xad: {  	[dreg:$0x0] =	wrdreg $0x60  }
0xae: {  	[dreg:$0x2] =	wrdreg s24  }
0xaf: {  	[dreg:$0x3] =	wrdreg s2  }
0xb0: {  	[dreg:$0x4] =	wrdreg $0x10C800  }
0xb1: {  	[dreg:$0x5] =	wrdreg $0x118800  }
0xb2: {  	[dreg:$0x6] =	wrdreg $0x124800  }
0xb3: {  	[dreg:$0x7] =	wrdreg $0x9  }
0xb4: {  	_ =	task.clear_ibuf [dreg:s7], $0x8FFFF;
	_ =	strace $0x90000046  }
0xb5: {  	s29 =	simm.s32 $0x9;
	_ =	strace $0x80000048  }
0xb6: {  	_ =	swait.ge [sflag:s29], $0x1  }
0xb7: {  	[sflag:s29] =	ssyncadd.s32 $0xFFFFFFFF  }
0xb8: {  	_ =	strace $0x90000048  }
0xb9: {  	_ =	sfence  }
0xba: {  	s30 =	sld [smem:$0x0];
	_ =	sdelay $0x2  }
0xbb: {  	s31 =	sshll.u32 s1, $0xD;
	s1 =	sshrl.u32 s1, $0x2  }
0xbc: {  	s3 =	sand.u32 $0x4000, s31;
	s1 =	sadd.s32 s1, s30  }
0xbd: {  	s0 =	sor.u32 s3, s0;
	s1 =	sshll.u32 s1, $0x11  }
0xbe: {  	s0 =	sor.u32 s1, s0  }
0xbf: {  	s0 =	sadd.s32 $0x8F2B, s0  }
0xc0: {  	[sflag:s0] =	ssyncadd.remote.s32 $0x1  }
0xc1: {  	_ =	sfence.sel $0xFFFF  }
0xc2: {  	[dreg:$0x0] =	wrdreg $0xFFFFFFFF;
	(pc) =	sbr.abs _section_cstart, $3  }
0xc3: {  	[dreg:$0x1] =	wrdreg $0xFFFFFFFF  }
0xc4: {  	_ =	task.clear_ibuf [dreg:s7], $0x2FFFF;
	_ =	strace $0x9FFFFFFF  }
0xc5: {  	(tm) =	ssettm $0x7FFFFFFF  }
tec
execute0_lowered:
.L_overlay_start_1:
0x0: {  	(tag) =	ssettag $0x1  }
0x1: {  	s0 =	rddreg [dreg:$0x0]  }
0x2: {  	s2 =	rddreg [dreg:$0x1]  }
0x3: {  	s1 =	rddreg [dreg:$0x2]  }
0x4: {  	s3 =	rddreg [dreg:$0x3]  }
0x5: {  	s4 =	rddreg [dreg:$0x4]  }
0x6: {  	s6 =	srdreg.scid;
	s9 =	stileid.u32;
	s5 =	simm.s32 $0x0  }
0x7: {  	s29 =	simm.s32 $0x3000;
	s30 =	simm.s32 $0x1;
	s31 =	simm.s32 $0xF480  }
0x8: {  	s28 =	simm.s32 $0x10480;
	s7 =	sand.u32 $0x1, s6;
	s20 =	sshll.u32 s9, $0x1  }
0x9: {  	[smem:$0x7FF] =	sst s5;
	s9 =	sshll.u32 s9, $0xB;
	s10 =	sshll.u32 s7, $0xF  }
0xa: {  	s6 =	sor.u32 s7, s20;
	s11 =	ssub.s32 $0x2, s7;
	s10 =	sor.u32 s9, s10  }
0xb: {  	s8 =	smul.u32 $0x50, s6;
	s12 =	sshrl.u32 s11, $0x1;
	s10 =	sshrl.u32 s10, $0x3  }
0xc: {  	_ =	strace $0x80000047;
	s11 =	ssub.s32 s11, s12;
	s2 =	sadd.s32 s2, s10  }
0xd: {  	s8 =	sadd.s32 s8, s0;
	s26 =	smax.u32 s11, $0x1;
	[dreg:$0xb] =	wrdreg s2  }
0xe: {  	s7 =	sadd.s32 $0x4600, s0;
	s21 =	sadd.s32 $0x3C00, s8;
	[dreg:$0xe] =	wrdreg s26  }
0xf: {  	s13 =	sadd.s32 s9, s1;
	s22 =	sadd.s32 $0x3200, s8;
	[dreg:$0x6] =	wrdreg s21  }
0x10: {  	s14 =	sadd.s32 s9, s3;
	s23 =	sadd.s32 $0x1800, s8;
	[dreg:$0x7] =	wrdreg s22  }
0x11: {  	s6 =	sadd.s32 $0x2200, s0;
	s24 =	sadd.s32 $0xE00, s8;
	[dreg:$0x8] =	wrdreg s23  }
0x12: {  	s0 =	sadd.s32 s10, s0;
	s8 =	sadd.s32 $0x400, s8;
	[dreg:$0x9] =	wrdreg s24  }
0x13: {  	s15 =	sadd.s32 s9, s4;
	s25 =	sadd.s32 $0x4800, s0;
	[dreg:$0xa] =	wrdreg s8  }
0x14: {  	s9 =	simm.s32 $0xFC80;
	s0 =	sadd.s32 $0x6800, s0;
	[dreg:$0xc] =	wrdreg s25  }
0x15: {  	s10 =	simm.s32 $0x0;
	s26 =	simm.s32 $0x80;
	[dreg:$0xd] =	wrdreg s0  }
0x16: {  	s21 =	simm.s32 $0x3;
	s22 =	simm.s32 $0xF280;
	s23 =	simm.s32 $0xF500  }
0x17: {  	vm0 =	vmmov $0x1;
	v0 =	vimm.f32 $0.0e+00;
	s24 =	simm.s32 $0xF780;
	s25 =	simm.s32 $0xFA00;
	s8 =	simm.s32 $0x2  }
.LBB2_1:
0x18: {  	s0 =	rddreg [dreg:$0x6];
	s2 =	simm.s32 $0xF000  }
0x19: {  	[tilespmem:s2], [sflag:$0x3] =	stream.linear.gather [hbm4b:s0+s5], $0x280, $0x38;
	[tilespmem:$0x13080] =	vst v63  }
0x1a: {  	_ =	swait.ge [sflag:s21], $0x280  }
0x1b: {  	[sflag:s21] =	ssyncset.done $0x0  }
0x1c: {  	s11 =	rddreg [dreg:$0x7];
	[sflag:s21] =	ssyncadd.s32 $0xFFFFFD80  }
0x1d: {  	[tilespmem:s22], [sflag:$0x3] =	stream.linear.gather [hbm4b:s11+s5], $0x280, $0x38;
	[tilespmem:$0x13080] =	vst v63  }
0x1e: {  	_ =	swait.ge [sflag:s21], $0x280  }
0x1f: {  	[sflag:s21] =	ssyncset.done $0x0  }
0x20: {  	s12 =	rddreg [dreg:$0x8];
	[sflag:s21] =	ssyncadd.s32 $0xFFFFFD80  }
0x21: {  	[tilespmem:s23], [sflag:$0x3] =	stream.linear.gather [hbm4b:s12+s5], $0x280, $0x38;
	[tilespmem:$0x13080] =	vst v63  }
0x22: {  	_ =	swait.ge [sflag:s21], $0x280  }
0x23: {  	[sflag:s21] =	ssyncset.done $0x0  }
0x24: {  	s16 =	rddreg [dreg:$0x9];
	[sflag:s21] =	ssyncadd.s32 $0xFFFFFD80  }
0x25: {  	[tilespmem:s24], [sflag:$0x3] =	stream.linear.gather [hbm4b:s16+s5], $0x280, $0x38;
	[tilespmem:$0x13080] =	vst v63  }
0x26: {  	_ =	swait.ge [sflag:s21], $0x280  }
0x27: {  	[sflag:s21] =	ssyncset.done $0x0  }
0x28: {  	s17 =	rddreg [dreg:$0xa];
	[sflag:s21] =	ssyncadd.s32 $0xFFFFFD80  }
0x29: {  	[tilespmem:s25], [sflag:$0x3] =	stream.linear.gather [hbm4b:s17+s5], $0x280, $0x38;
	[tilespmem:$0x13080] =	vst v63  }
0x2a: {  	s18 =	stileid.u32;
	_ =	swait.ge [sflag:s21], $0x280  }
0x2b: {  	s0 =	sshll.u32 s18, $0x6;
	[sflag:s21] =	ssyncset.done $0x0  }
0x2c: {  	s0 =	sor.u32 $0x1C03, s0;
	s11 =	sshrl.u32 s13, $0x3;
	[sflag:s21] =	ssyncadd.s32 $0xFFFFFD80  }
0x2d: {  	[spmem:s11], [sflag:s0] =	dma.local [hbm:s7], $0x100  }
0x2e: {  	_ =	swait.ge [sflag:s21], $0x100  }
0x2f: {  	[sflag:s21] =	ssyncset.done $0x0  }
0x30: {  	s19 =	sshrl.u32 s14, $0x3;
	[sflag:s21] =	ssyncadd.s32 $0xFFFFFF00  }
0x31: {  	[spmem:s19], [sflag:s0] =	dma.local [hbm:s7], $0x100  }
0x32: {  	_ =	swait.ge [sflag:s21], $0x100  }
0x33: {  	[sflag:s21] =	ssyncset.done $0x0  }
0x34: {  	s20 =	sshrl.u32 s15, $0x3;
	[sflag:s21] =	ssyncadd.s32 $0xFFFFFF00  }
0x35: {  	[spmem:s20], [sflag:s0] =	dma.local [hbm:s7], $0x100  }
0x36: {  	_ =	swait.ge [sflag:s21], $0x100  }
0x37: {  	[sflag:s21] =	ssyncset.done $0x0  }
0x38: {  	[sflag:s21] =	ssyncadd.s32 $0xFFFFFF00  }
0x39: {  	[tilespmem:s5], [sflag:$0x1] =	stream.indirect.gather [hbm4b:s6+s26], $0x20, s2, s26, $0xb8;
	[tilespmem:$0x13080] =	vst v63  }
0x3a: {  	s12 =	simm.s32 $0x1000;
	s11 =	simm.s32 $0xF080  }
0x3b: {  	[tilespmem:s12], [sflag:$0x1] =	stream.indirect.gather [hbm4b:s6+s26], $0x20, s11, s26, $0xb8;
	[tilespmem:$0x13080] =	vst v63  }
0x3c: {  	s16 =	simm.s32 $0xF100;
	s17 =	simm.s32 $0x2000  }
0x3d: {  	[tilespmem:s17], [sflag:$0x1] =	stream.indirect.gather [hbm4b:s6+s26], $0x20, s16, s26, $0xb8;
	[tilespmem:$0x13080] =	vst v63  }
0x3e: {  	s18 =	simm.s32 $0xF180  }
0x3f: {  	[tilespmem:s29], [sflag:$0x1] =	stream.indirect.gather [hbm4b:s6+s26], $0x20, s18, s26, $0xb8;
	[tilespmem:$0x13080] =	vst v63  }
0x40: {  	s19 =	simm.s32 $0xF200;
	s20 =	simm.s32 $0x4000  }
0x41: {  	[tilespmem:s20], [sflag:$0x1] =	stream.indirect.gather [hbm4b:s6+s26], $0x20, s19, s26, $0xb8;
	[tilespmem:$0x13080] =	vst v63  }
0x42: {  	[bflag:$0x0] =	sbarrier.arrive $0xFFFF  }
0x43: {  	_ =	swait.ge [sflag:s30], $0x1000  }
0x44: {  	[sflag:s30] =	ssyncset.done $0x0  }
0x45: {  	s11 =	simm.s32 $0x40;
	[sflag:s30] =	ssyncadd.s32 $0xFFFFF000  }
0x46: {  	v1 =	vld [tilespmem:s11+$0x10]  }
0x47: {  	v3 =	vmov s5;
	s12 =	simm.s32 $0x3;
	s16 =	simm.s32 $0x2;
	v2 =	vld [tilespmem:s11+$0x0]  }
0x48: {  	v3 =	vand.u32 $0xFFFFFFFC, v3;
	v6 =	vmov s12;
	v5 =	vmov s16;
	v11 =	vld [tilespmem:s11+$0xFFFFFFE0]  }
0x49: {  	v7 =	vbroadcast v3, $0x0;
	v8 =	vand.u32 $0xFFFFFFFE, v5;
	v13 =	vld [tilespmem:s11+$0xFFFFFFD0]  }
0x4a: {  	s29 =	simm.s32 $0x1;
	v8 =	vbroadcast v8, $0x0;
	v5 =	vld [tilespmem:s11+$0xFFFFFFC0]  }
0x4b: {  	v4 =	vmov s29;
	v10 =	vld [tilespmem:s11+$0x30]  }
0x4c: {  	v3 =	vand.u32 $0xFFFFFFFD, v4;
	v14 =	vld [tilespmem:s11+$0x20]  }
0x4d: {  	v4 =	vbroadcast v3, $0x0;
	v15 =	vld.idx.msk [tilespmem:v6+s23+$0x0], $0xffff  }
0x4e: {  	v9 =	vld.idx.msk [tilespmem:v6+s24+$0x0], $0xffff  }
0x4f: {  	v18 =	vld.idx.msk [tilespmem:v7+s24+$0x0], $0xffff  }
0x50: {  	v3 =	vld.idx.msk [tilespmem:v8+s24+$0x0], $0xffff  }
0x51: {  	v16 =	vld.idx.msk [tilespmem:v6+s25+$0x0], $0xffff  }
0x52: {  	v6 =	vld.idx.msk [tilespmem:v7+s25+$0x0], $0xffff  }
0x53: {  	v19 =	vld.idx.msk [tilespmem:v4+s23+$0x0], $0xffff;
	v17 =	vmul.f32 v14, v9  }
0x54: {  	s0 =	simm.s32 $0x5040;
	v12 =	vld.idx.msk [tilespmem:v7+s23+$0x0], $0xffff;
	v21 =	vmul.f32 v5, v18  }
0x55: {  	v20 =	vld.idx.msk [tilespmem:v4+s24+$0x0], $0xffff;
	v23 =	vmul.f32 v10, v9;
	[tilespmem:s0+$0x20] =	vst v17  }
0x56: {  	v22 =	vld [tilespmem:s11+$0xFFFFFFF0];
	v24 =	vmul.f32 v10, v15;
	[tilespmem:s0+$0xFFFFFFC0] =	vst v21  }
0x57: {  	v63 =	vsel vm0, v15, v9;
	v10 =	vmul.f32 v2, v3;
	v15 =	vmul.f32 v14, v15;
	[tilespmem:s0+$0x30] =	vst v23  }
0x58: {  	v7 =	vld.idx.msk [tilespmem:v8+s23+$0x0], $0xffff;
	v17 =	vmul.f32 v13, v18;
	v9 =	vmul.f32 v11, v19;
	[tilespmem:s11+$0x30] =	vst v24  }
0x59: {  	v8 =	vld.idx.msk [tilespmem:v8+s25+$0x0], $0xffff;
	v21 =	vmul.f32 v16, v63;
	v16 =	vmul.f32 v1, v3;
	[tilespmem:s11+$0x20] =	vst v15  }
0x5a: {  	s12 =	simm.s32 $0xA040;
	s17 =	simm.s32 $0x50C0;
	v14 =	vmul.f32 v11, v20;
	v11 =	vsel vm0, v19, v20;
	v13 =	vmul.f32 v13, v12;
	[tilespmem:s0+$0xFFFFFFD0] =	vst v17  }
0x5b: {  	s16 =	simm.s32 $0x4;
	s18 =	simm.s32 $0xA0C0;
	s19 =	simm.s32 $0xC0;
	v15 =	vsel vm0, v12, v18;
	v18 =	vmul.f32 v22, v19;
	v17 =	vmul.f32 v22, v20;
	[tilespmem:s12+$0x20] =	vst v21  }
.LBB2_2:
0x5c: {  	v19 =	vmov s16;
	s2 =	sadd.s32 $0x1, s16;
	s20 =	sadd.s32 $0x2, s16;
	s29 =	sadd.s32 $0x3, s16;
	v12 =	vmul.f32 v5, v12;
	v20 =	vld.idx.msk [tilespmem:v4+s25+$0x0], $0xffff;
	[tilespmem:s12+$0x30] =	vst v0  }
0x5d: {  	p0 =	slt.u32 s16, $0x7C;
	s16 =	sadd.s32 $0x4, s16;
	v4 =	vand.u32 $0xFFFFFFFC, v19;
	v5 =	vmov s2;
	v19 =	vmov s20;
	v21 =	vld [tilespmem:s19+$0x10];
	[tilespmem:s0+$0x10] =	vst v16  }
0x5e: {  	v16 =	vbroadcast v4, $0x0;
	v4 =	vand.u32 $0xFFFFFFFD, v5;
	v5 =	vand.u32 $0xFFFFFFFE, v19;
	v19 =	vld [tilespmem:s19+$0x0];
	[tilespmem:s0+$0xFFFFFFF0] =	vst v17  }
0x5f: {  	v23 =	vmov s29;
	v4 =	vbroadcast v4, $0x0;
	v17 =	vld [tilespmem:s19+$0xFFFFFFE0];
	v22 =	vbroadcast v5, $0x0;
	[tilespmem:s0+$0xFFFFFFE0] =	vst v14  }
0x60: {  	v24 =	vld [tilespmem:s19+$0xFFFFFFD0];
	[tilespmem:s11+$0xFFFFFFF0] =	vst v18  }
0x61: {  	v6 =	vmul.f32 v6, v15;
	v5 =	vld [tilespmem:s19+$0xFFFFFFC0];
	[tilespmem:s11+$0xFFFFFFC0] =	vst v12  }
0x62: {  	v14 =	vld [tilespmem:s19+$0x30];
	[tilespmem:s11+$0xFFFFFFD0] =	vst v13  }
0x63: {  	v13 =	vld [tilespmem:s19+$0x20];
	[tilespmem:s12+$0xFFFFFFC0] =	vst v6  }
0x64: {  	v6 =	vmul.f32 v2, v7;
	v2 =	vmov v19;
	v15 =	vld.idx.msk [tilespmem:v23+s23+$0x0], $0xffff;
	[tilespmem:s0+$0x0] =	vst v10;
	s0 =	smov.u32 s17  }
0x65: {  	v10 =	vld.idx.msk [tilespmem:v23+s24+$0x0], $0xffff;
	[tilespmem:s12+$0xFFFFFFD0] =	vst v0  }
0x66: {  	v18 =	vld.idx.msk [tilespmem:v16+s24+$0x0], $0xffff;
	[tilespmem:s11+$0x0] =	vst v6  }
0x67: {  	v6 =	vmul.f32 v20, v11;
	v19 =	vld.idx.msk [tilespmem:v4+s23+$0x0], $0xffff;
	[tilespmem:s11+$0xFFFFFFE0] =	vst v9  }
0x68: {  	v9 =	vmul.f32 v1, v7;
	v7 =	vsel vm0, v7, v3;
	v1 =	vmov v21;
	[tilespmem:s12+$0xFFFFFFF0] =	vst v0;
	v3 =	vld.idx.msk [tilespmem:v22+s24+$0x0], $0xffff  }
0x69: {  	v7 =	vmul.f32 v8, v7;
	v11 =	vld.idx.msk [tilespmem:v23+s25+$0x0], $0xffff;
	[tilespmem:s12+$0xFFFFFFE0] =	vst v6  }
0x6a: {  	v6 =	vld.idx.msk [tilespmem:v16+s25+$0x0], $0xffff;
	[tilespmem:s11+$0x10] =	vst v9;
	s11 =	smov.u32 s19  }
0x6b: {  	v8 =	vmul.f32 v13, v10;
	v21 =	vmul.f32 v14, v10;
	v20 =	vld.idx.msk [tilespmem:v4+s24+$0x0], $0xffff;
	[tilespmem:s12+$0x0] =	vst v7  }
0x6c: {  	v26 =	vsel vm0, v15, v10;
	v7 =	vmul.f32 v5, v18;
	v23 =	vmul.f32 v24, v18;
	v25 =	vld [tilespmem:s19+$0xFFFFFFF0];
	[tilespmem:s12+$0x10] =	vst v0;
	s12 =	smov.u32 s18  }
0x6d: {  	v27 =	vmul.f32 v14, v15;
	v9 =	vmul.f32 v17, v19;
	v12 =	vld.idx.msk [tilespmem:v16+s23+$0x0], $0xffff;
	[tilespmem:s17+$0x20] =	vst v8  }
0x6e: {  	v13 =	vmul.f32 v13, v15;
	v10 =	vmul.f32 v2, v3;
	[tilespmem:s17+$0xFFFFFFC0] =	vst v7;
	v7 =	vld.idx.msk [tilespmem:v22+s23+$0x0], $0xffff  }
.Ltmp0:
0x6f: {  	v8 =	vld.idx.msk [tilespmem:v22+s25+$0x0], $0xffff;
	[tilespmem:s17+$0x30] =	vst v21;
	v21 =	vmul.f32 v11, v26;
	(pc) =	sbr.rel @p0 .LBB2_2-.Ltmp0, $4  }
0x70: {  	v16 =	vmul.f32 v1, v3;
	[tilespmem:s17+$0xFFFFFFD0] =	vst v23  }
0x71: {  	v14 =	vmul.f32 v17, v20;
	v11 =	vsel vm0, v19, v20;
	v17 =	vmul.f32 v25, v20;
	[tilespmem:s19+$0x30] =	vst v27  }
0x72: {  	[tilespmem:s19+$0x20] =	vst v13  }
0x73: {  	s18 =	sadd.s32 $0x80, s18;
	s17 =	sadd.s32 $0x80, s17;
	v13 =	vmul.f32 v24, v12;
	v15 =	vsel vm0, v12, v18;
	v18 =	vmul.f32 v25, v19;
	s19 =	sadd.s32 $0x80, s19;
	[tilespmem:s12+$0x20] =	vst v21  }
0x74: {  	_ =	sdelay $0x1  }
0x75: {  	[tilespmem:s12+$0x30] =	vst v0  }
0x76: {  	[tilespmem:s0+$0x10] =	vst v16  }
0x77: {  	v4 =	vld.idx.msk [tilespmem:v4+s25+$0x0], $0xffff;
	[tilespmem:s0+$0xFFFFFFF0] =	vst v17  }
0x78: {  	[tilespmem:s0+$0xFFFFFFE0] =	vst v14  }
0x79: {  	[tilespmem:s0+$0x0] =	vst v10  }
0x7a: {  	[tilespmem:s11+$0xFFFFFFF0] =	vst v18  }
0x7b: {  	v5 =	vmul.f32 v5, v12;
	[tilespmem:s11+$0xFFFFFFD0] =	vst v13  }
0x7c: {  	v2 =	vmul.f32 v2, v7;
	[tilespmem:s11+$0xFFFFFFE0] =	vst v9  }
0x7d: {  	[tilespmem:s11+$0xFFFFFFC0] =	vst v5  }
0x7e: {  	v1 =	vmul.f32 v1, v7;
	[tilespmem:s11+$0x0] =	vst v2  }
0x7f: {  	[tilespmem:s12+$0xFFFFFFF0] =	vst v0  }
0x80: {  	[tilespmem:s11+$0x10] =	vst v1  }
0x81: {  	[tilespmem:s12+$0xFFFFFFD0] =	vst v0;
	v2 =	vmul.f32 v4, v11  }
0x82: {  	v3 =	vsel vm0, v7, v3;
	v5 =	vmul.f32 v6, v15;
	[tilespmem:s12+$0x10] =	vst v0  }
0x83: {  	[tilespmem:s12+$0xFFFFFFE0] =	vst v2;
	v2 =	vmul.f32 v8, v3  }
0x84: {  	[tilespmem:s12+$0xFFFFFFC0] =	vst v5  }
0x85: {  	[tilespmem:s12+$0x0] =	vst v2  }
0x86: {  	[spmem:s1] =	stream.indirect.scatter.add.f32 [tilespmem:s5], [sflag:$0x2], $0x20, s22, s26, $0xb8;
	[tilespmem:$0x13080] =	vst v63  }
0x87: {  	s17 =	simm.s32 $0x5000  }
0x88: {  	[spmem:s3] =	stream.indirect.scatter.add.f32 [tilespmem:s17], [sflag:$0x2], $0x20, s22, s26, $0xb8;
	[tilespmem:$0x13080] =	vst v63  }
0x89: {  	s18 =	simm.s32 $0xA000  }
0x8a: {  	[spmem:s4] =	stream.indirect.scatter.add.f32 [tilespmem:s18], [sflag:$0x2], $0x20, s22, s26, $0xb8;
	[tilespmem:$0x13080] =	vst v63  }
0x8b: {  	_ =	swait.ge [sflag:s30], $0x1000  }
0x8c: {  	[sflag:s30] =	ssyncset.done $0x0  }
0x8d: {  	s11 =	simm.s32 $0x1070;
	[sflag:s30] =	ssyncadd.s32 $0xFFFFF000  }
0x8e: {  	s19 =	simm.s32 $0x81;
	v1 =	vld [tilespmem:s11+$0xFFFFFFE0]  }
0x8f: {  	s2 =	simm.s32 $0x80;
	s20 =	simm.s32 $0x83;
	v3 =	vmov s19;
	v2 =	vld [tilespmem:s11+$0xFFFFFFD0]  }
0x90: {  	v5 =	vmov s20;
	v4 =	vmov s2;
	v3 =	vand.u32 $0xFFFFFFFD, v3;
	v7 =	vld [tilespmem:s11+$0xFFFFFFC0]  }
0x91: {  	s29 =	simm.s32 $0x82;
	v4 =	vand.u32 $0xFFFFFFFC, v4;
	v8 =	vbroadcast v3, $0x0;
	v10 =	vld [tilespmem:s11+$0xFFFFFFB0]  }
0x92: {  	v4 =	vbroadcast v4, $0x0;
	v3 =	vmov s29;
	v6 =	vld [tilespmem:s11+$0xFFFFFFA0]  }
0x93: {  	v3 =	vand.u32 $0xFFFFFFFE, v3;
	v9 =	vld [tilespmem:s11+$0xFFFFFF90]  }
0x94: {  	v11 =	vbroadcast v3, $0x0;
	v15 =	vld [tilespmem:s11+$0x0]  }
0x95: {  	v12 =	vld.idx.msk [tilespmem:v5+s24+$0x0], $0xffff  }
0x96: {  	v13 =	vld [tilespmem:s11+$0xFFFFFFF0]  }
0x97: {  	v16 =	vld.idx.msk [tilespmem:v8+s24+$0x0], $0xffff  }
0x98: {  	v14 =	vld.idx.msk [tilespmem:v4+s24+$0x0], $0xffff  }
0x99: {  	v17 =	vld.idx.msk [tilespmem:v4+s23+$0x0], $0xffff  }
0x9a: {  	v3 =	vld.idx.msk [tilespmem:v11+s24+$0x0], $0xffff  }
0x9b: {  	v60 =	vld.idx.msk [tilespmem:v5+s25+$0x0], $0xffff;
	v19 =	vmul.f32 v15, v12  }
0x9c: {  	s0 =	simm.s32 $0x6070;
	v21 =	vld.idx.msk [tilespmem:v5+s23+$0x0], $0xffff;
	v20 =	vmul.f32 v13, v12  }
0x9d: {  	v61 =	vld.idx.msk [tilespmem:v8+s23+$0x0], $0xffff;
	v5 =	vmul.f32 v9, v14;
	[tilespmem:s0+$0x0] =	vst v19  }
0x9e: {  	v22 =	vld.idx.msk [tilespmem:v4+s25+$0x0], $0xffff;
	v23 =	vmul.f32 v6, v14;
	[tilespmem:s0+$0xFFFFFFF0] =	vst v20  }
0x9f: {  	v24 =	vmul.f32 v6, v17;
	v25 =	vsel vm0, v17, v14;
	v62 =	vmul.f32 v2, v3;
	[tilespmem:s0+$0xFFFFFF90] =	vst v5  }
0xa0: {  	v14 =	vmul.f32 v9, v17;
	v9 =	vld.idx.msk [tilespmem:v11+s23+$0x0], $0xffff;
	v17 =	vmul.f32 v1, v3;
	[tilespmem:s0+$0xFFFFFFA0] =	vst v23  }
0xa1: {  	v4 =	vmul.f32 v10, v16;
	v6 =	vmul.f32 v7, v16;
	v5 =	vld.idx.msk [tilespmem:v11+s25+$0x0], $0xffff;
	[tilespmem:s0+$0xFFFFFFD0] =	vst v62  }
0xa2: {  	v8 =	vld.idx.msk [tilespmem:v8+s25+$0x0], $0xffff;
	v63 =	vmul.f32 v13, v21;
	v10 =	vmul.f32 v10, v61;
	[tilespmem:s0+$0xFFFFFFE0] =	vst v17  }
0xa3: {  	s16 =	simm.s32 $0x0;
	s19 =	simm.s32 $0xB0F0;
	v15 =	vmul.f32 v15, v21;
	v13 =	vmul.f32 v22, v25;
	v11 =	vsel vm0, v21, v12;
	[tilespmem:s11+$0xFFFFFFA0] =	vst v24  }
0xa4: {  	s12 =	simm.s32 $0xB070;
	s17 =	simm.s32 $0x10F0;
	s18 =	simm.s32 $0x60F0;
	v12 =	vmul.f32 v60, v11;
	v11 =	vmul.f32 v7, v61;
	[tilespmem:s11+$0xFFFFFFF0] =	vst v63;
	v7 =	vsel vm0, v61, v16  }
.LBB2_4:
0xa5: {  	s2 =	sadd.s32 $0x84, s16  }
0xa6: {  	s20 =	sadd.s32 $0x85, s16;
	s29 =	sadd.s32 $0x86, s16;
	v16 =	vld [tilespmem:s17+$0xFFFFFFE0];
	[tilespmem:s11+$0xFFFFFF90] =	vst v14;
	v14 =	vmov s2  }
0xa7: {  	v17 =	vmov s20;
	v18 =	vmov s29;
	v19 =	vld [tilespmem:s17+$0xFFFFFFD0];
	s2 =	sadd.s32 $0x87, s16;
	s16 =	sadd.s32 $0x4, s16;
	[tilespmem:s11+$0x0] =	vst v15  }
0xa8: {  	v14 =	vand.u32 $0xFFFFFFFC, v14;
	v15 =	vand.u32 $0xFFFFFFFD, v17;
	v17 =	vld [tilespmem:s17+$0xFFFFFFC0];
	v20 =	vmov s2;
	p0 =	slt.u32 s16, $0x7C;
	[tilespmem:s12+$0xFFFFFF90] =	vst v13  }
0xa9: {  	v13 =	vbroadcast v14, $0x0;
	v15 =	vbroadcast v15, $0x0;
	v21 =	vld [tilespmem:s17+$0xFFFFFFB0];
	v14 =	vand.u32 $0xFFFFFFFE, v18;
	[tilespmem:s12+$0xFFFFFFA0] =	vst v0  }
0xaa: {  	v24 =	vsel vm0, v9, v3;
	v18 =	vld [tilespmem:s17+$0xFFFFFFA0];
	v22 =	vbroadcast v14, $0x0;
	v14 =	vmul.f32 v2, v9;
	[tilespmem:s12+$0x0] =	vst v0  }
0xab: {  	v3 =	vmul.f32 v1, v9;
	v5 =	vmul.f32 v5, v24;
	v23 =	vld [tilespmem:s17+$0xFFFFFF90];
	[tilespmem:s12+$0xFFFFFFF0] =	vst v12;
	v1 =	vmov v16  }
0xac: {  	v16 =	vld [tilespmem:s17+$0x0];
	[tilespmem:s0+$0xFFFFFFC0] =	vst v6;
	v2 =	vmov v19  }
0xad: {  	v12 =	vld.idx.msk [tilespmem:v20+s24+$0x0], $0xffff;
	[tilespmem:s0+$0xFFFFFFB0] =	vst v4;
	s0 =	smov.u32 s18  }
0xae: {  	v19 =	vld [tilespmem:s17+$0xFFFFFFF0];
	[tilespmem:s11+$0xFFFFFFC0] =	vst v11  }
0xaf: {  	v24 =	vld.idx.msk [tilespmem:v15+s24+$0x0], $0xffff;
	[tilespmem:s11+$0xFFFFFFB0] =	vst v10  }
0xb0: {  	v4 =	vld.idx.msk [tilespmem:v13+s24+$0x0], $0xffff;
	[tilespmem:s11+$0xFFFFFFE0] =	vst v3  }
0xb1: {  	v9 =	vld.idx.msk [tilespmem:v13+s23+$0x0], $0xffff;
	[tilespmem:s11+$0xFFFFFFD0] =	vst v14;
	s11 =	smov.u32 s17  }
0xb2: {  	v6 =	vmul.f32 v8, v7;
	v3 =	vld.idx.msk [tilespmem:v22+s24+$0x0], $0xffff;
	[tilespmem:s12+$0xFFFFFFC0] =	vst v0  }
0xb3: {  	v10 =	vmul.f32 v16, v12;
	v7 =	vld.idx.msk [tilespmem:v20+s25+$0x0], $0xffff;
	v8 =	vmul.f32 v19, v12;
	[tilespmem:s12+$0xFFFFFFD0] =	vst v5  }
0xb4: {  	v20 =	vld.idx.msk [tilespmem:v20+s23+$0x0], $0xffff;
	[tilespmem:s12+$0xFFFFFFE0] =	vst v0  }
0xb5: {  	v11 =	vld.idx.msk [tilespmem:v13+s25+$0x0], $0xffff;
	[tilespmem:s12+$0xFFFFFFB0] =	vst v6;
	s12 =	smov.u32 s19  }
0xb6: {  	v5 =	vmul.f32 v23, v4;
	v13 =	vmul.f32 v18, v4;
	v25 =	vld.idx.msk [tilespmem:v15+s23+$0x0], $0xffff;
	[tilespmem:s18+$0x0] =	vst v10  }
0xb7: {  	v10 =	vmul.f32 v18, v9;
	v18 =	vsel vm0, v9, v4;
	v4 =	vmul.f32 v21, v24;
	[tilespmem:s18+$0xFFFFFFF0] =	vst v8  }
0xb8: {  	v6 =	vmul.f32 v17, v24;
	v8 =	vmul.f32 v2, v3;
	[tilespmem:s18+$0xFFFFFF90] =	vst v5;
	v5 =	vld.idx.msk [tilespmem:v22+s25+$0x0], $0xffff  }
.Ltmp1:
0xb9: {  	v14 =	vmul.f32 v23, v9;
	[tilespmem:s18+$0xFFFFFFA0] =	vst v13;
	v9 =	vld.idx.msk [tilespmem:v22+s23+$0x0], $0xffff;
	v22 =	vmul.f32 v1, v3;
	(pc) =	sbr.rel @p0 .LBB2_4-.Ltmp1, $4  }
0xba: {  	v12 =	vsel vm0, v20, v12;
	[tilespmem:s18+$0xFFFFFFD0] =	vst v8;
	v8 =	vmul.f32 v19, v20  }
0xbb: {  	v13 =	vmul.f32 v11, v18;
	v12 =	vmul.f32 v7, v12;
	[tilespmem:s17+$0xFFFFFFA0] =	vst v10  }
0xbc: {  	v10 =	vmul.f32 v21, v25;
	v11 =	vmul.f32 v17, v25;
	v7 =	vsel vm0, v25, v24;
	[tilespmem:s17+$0xFFFFFFF0] =	vst v8  }
0xbd: {  	s19 =	sadd.s32 $0x80, s19;
	s18 =	sadd.s32 $0x80, s18;
	s17 =	sadd.s32 $0x80, s17;
	v8 =	vld.idx.msk [tilespmem:v15+s25+$0x0], $0xffff;
	[tilespmem:s0+$0xFFFFFFE0] =	vst v22;
	v15 =	vmul.f32 v16, v20  }
0xbe: {  	[tilespmem:s11+$0xFFFFFF90] =	vst v14  }
0xbf: {  	[tilespmem:s0+$0xFFFFFFC0] =	vst v6  }
0xc0: {  	[tilespmem:s0+$0xFFFFFFB0] =	vst v4  }
0xc1: {  	[tilespmem:s11+$0x0] =	vst v15  }
0xc2: {  	[tilespmem:s12+$0xFFFFFF90] =	vst v13  }
0xc3: {  	[tilespmem:s12+$0xFFFFFFA0] =	vst v0  }
0xc4: {  	[tilespmem:s11+$0xFFFFFFC0] =	vst v11  }
0xc5: {  	[tilespmem:s11+$0xFFFFFFB0] =	vst v10  }
0xc6: {  	v1 =	vmul.f32 v1, v9;
	[tilespmem:s12+$0x0] =	vst v0  }
0xc7: {  	v2 =	vmul.f32 v2, v9;
	[tilespmem:s12+$0xFFFFFFF0] =	vst v12  }
0xc8: {  	[tilespmem:s11+$0xFFFFFFE0] =	vst v1  }
0xc9: {  	v3 =	vsel vm0, v9, v3;
	[tilespmem:s11+$0xFFFFFFD0] =	vst v2  }
0xca: {  	v1 =	vmul.f32 v5, v3;
	[tilespmem:s12+$0xFFFFFFC0] =	vst v0  }
0xcb: {  	[tilespmem:s12+$0xFFFFFFE0] =	vst v0;
	v2 =	vmul.f32 v8, v7  }
0xcc: {  	[tilespmem:s12+$0xFFFFFFD0] =	vst v1  }
0xcd: {  	s2 =	simm.s32 $0xF300;
	[tilespmem:s12+$0xFFFFFFB0] =	vst v2;
	s12 =	simm.s32 $0x1000  }
0xce: {  	[spmem:s1] =	stream.indirect.scatter.add.f32 [tilespmem:s12], [sflag:$0x2], $0x20, s2, s26, $0xb8;
	[tilespmem:$0x13080] =	vst v63  }
0xcf: {  	s16 =	simm.s32 $0x6000  }
0xd0: {  	[spmem:s3] =	stream.indirect.scatter.add.f32 [tilespmem:s16], [sflag:$0x2], $0x20, s2, s26, $0xb8;
	[tilespmem:$0x13080] =	vst v63  }
0xd1: {  	s17 =	simm.s32 $0xB000  }
0xd2: {  	[spmem:s4] =	stream.indirect.scatter.add.f32 [tilespmem:s17], [sflag:$0x2], $0x20, s2, s26, $0xb8;
	[tilespmem:$0x13080] =	vst v63  }
0xd3: {  	_ =	swait.ge [sflag:s30], $0x1000  }
0xd4: {  	[sflag:s30] =	ssyncset.done $0x0  }
0xd5: {  	s11 =	simm.s32 $0x2070;
	[sflag:s30] =	ssyncadd.s32 $0xFFFFF000  }
0xd6: {  	s18 =	simm.s32 $0x101;
	v1 =	vld [tilespmem:s11+$0xFFFFFFE0]  }
0xd7: {  	s19 =	simm.s32 $0x100;
	s20 =	simm.s32 $0x103;
	v3 =	vmov s18;
	v2 =	vld [tilespmem:s11+$0xFFFFFFD0]  }
0xd8: {  	v4 =	vmov s19;
	v5 =	vmov s20;
	v3 =	vand.u32 $0xFFFFFFFD, v3;
	v7 =	vld [tilespmem:s11+$0xFFFFFFC0]  }
0xd9: {  	s29 =	simm.s32 $0x102;
	v4 =	vand.u32 $0xFFFFFFFC, v4;
	v8 =	vbroadcast v3, $0x0;
	v10 =	vld [tilespmem:s11+$0xFFFFFFB0]  }
0xda: {  	v4 =	vbroadcast v4, $0x0;
	v3 =	vmov s29;
	v6 =	vld [tilespmem:s11+$0xFFFFFFA0]  }
0xdb: {  	v3 =	vand.u32 $0xFFFFFFFE, v3;
	v9 =	vld [tilespmem:s11+$0xFFFFFF90]  }
0xdc: {  	v11 =	vbroadcast v3, $0x0;
	v15 =	vld [tilespmem:s11+$0x0]  }
0xdd: {  	v12 =	vld.idx.msk [tilespmem:v5+s24+$0x0], $0xffff  }
0xde: {  	v13 =	vld [tilespmem:s11+$0xFFFFFFF0]  }
0xdf: {  	v16 =	vld.idx.msk [tilespmem:v8+s24+$0x0], $0xffff  }
0xe0: {  	v14 =	vld.idx.msk [tilespmem:v4+s24+$0x0], $0xffff  }
0xe1: {  	v17 =	vld.idx.msk [tilespmem:v4+s23+$0x0], $0xffff  }
0xe2: {  	v3 =	vld.idx.msk [tilespmem:v11+s24+$0x0], $0xffff  }
0xe3: {  	v18 =	vld.idx.msk [tilespmem:v5+s25+$0x0], $0xffff;
	v19 =	vmul.f32 v15, v12  }
0xe4: {  	s0 =	simm.s32 $0x7070;
	v21 =	vld.idx.msk [tilespmem:v5+s23+$0x0], $0xffff;
	v20 =	vmul.f32 v13, v12  }
0xe5: {  	v61 =	vld.idx.msk [tilespmem:v8+s23+$0x0], $0xffff;
	v5 =	vmul.f32 v9, v14;
	[tilespmem:s0+$0x0] =	vst v19  }
0xe6: {  	v22 =	vld.idx.msk [tilespmem:v4+s25+$0x0], $0xffff;
	v23 =	vmul.f32 v6, v14;
	[tilespmem:s0+$0xFFFFFFF0] =	vst v20  }
0xe7: {  	v24 =	vmul.f32 v6, v17;
	v25 =	vsel vm0, v17, v14;
	v62 =	vmul.f32 v2, v3;
	[tilespmem:s0+$0xFFFFFF90] =	vst v5  }
0xe8: {  	v14 =	vmul.f32 v9, v17;
	v9 =	vld.idx.msk [tilespmem:v11+s23+$0x0], $0xffff;
	v17 =	vmul.f32 v1, v3;
	[tilespmem:s0+$0xFFFFFFA0] =	vst v23  }
0xe9: {  	v4 =	vmul.f32 v10, v16;
	v6 =	vmul.f32 v7, v16;
	v5 =	vld.idx.msk [tilespmem:v11+s25+$0x0], $0xffff;
	[tilespmem:s0+$0xFFFFFFD0] =	vst v62  }
0xea: {  	v8 =	vld.idx.msk [tilespmem:v8+s25+$0x0], $0xffff;
	v63 =	vmul.f32 v13, v21;
	v10 =	vmul.f32 v10, v61;
	[tilespmem:s0+$0xFFFFFFE0] =	vst v17  }
0xeb: {  	s19 =	simm.s32 $0xC0F0;
	s18 =	simm.s32 $0x70F0;
	v15 =	vmul.f32 v15, v21;
	v13 =	vmul.f32 v22, v25;
	v11 =	vsel vm0, v21, v12;
	[tilespmem:s11+$0xFFFFFFA0] =	vst v24  }
0xec: {  	s12 =	simm.s32 $0xC070;
	s16 =	simm.s32 $0x0;
	s17 =	simm.s32 $0x20F0;
	v12 =	vmul.f32 v18, v11;
	v11 =	vmul.f32 v7, v61;
	[tilespmem:s11+$0xFFFFFFF0] =	vst v63;
	v7 =	vsel vm0, v61, v16  }
.LBB2_6:
0xed: {  	s2 =	sadd.s32 $0x104, s16  }
0xee: {  	s20 =	sadd.s32 $0x105, s16;
	s29 =	sadd.s32 $0x106, s16;
	v16 =	vld [tilespmem:s17+$0xFFFFFFE0];
	[tilespmem:s11+$0xFFFFFF90] =	vst v14;
	v14 =	vmov s2  }
0xef: {  	v17 =	vmov s20;
	v18 =	vmov s29;
	v19 =	vld [tilespmem:s17+$0xFFFFFFD0];
	s2 =	sadd.s32 $0x107, s16;
	s16 =	sadd.s32 $0x4, s16;
	[tilespmem:s11+$0x0] =	vst v15  }
0xf0: {  	v14 =	vand.u32 $0xFFFFFFFC, v14;
	v15 =	vand.u32 $0xFFFFFFFD, v17;
	v17 =	vld [tilespmem:s17+$0xFFFFFFC0];
	v20 =	vmov s2;
	p0 =	slt.u32 s16, $0x7C;
	[tilespmem:s12+$0xFFFFFF90] =	vst v13  }
0xf1: {  	v13 =	vbroadcast v14, $0x0;
	v15 =	vbroadcast v15, $0x0;
	v21 =	vld [tilespmem:s17+$0xFFFFFFB0];
	v14 =	vand.u32 $0xFFFFFFFE, v18;
	[tilespmem:s12+$0xFFFFFFA0] =	vst v0  }
0xf2: {  	v24 =	vsel vm0, v9, v3;
	v18 =	vld [tilespmem:s17+$0xFFFFFFA0];
	v22 =	vbroadcast v14, $0x0;
	v14 =	vmul.f32 v2, v9;
	[tilespmem:s12+$0x0] =	vst v0  }
0xf3: {  	v3 =	vmul.f32 v1, v9;
	v5 =	vmul.f32 v5, v24;
	v23 =	vld [tilespmem:s17+$0xFFFFFF90];
	[tilespmem:s12+$0xFFFFFFF0] =	vst v12;
	v1 =	vmov v16  }
0xf4: {  	v16 =	vld [tilespmem:s17+$0x0];
	[tilespmem:s0+$0xFFFFFFC0] =	vst v6;
	v2 =	vmov v19  }
0xf5: {  	v12 =	vld.idx.msk [tilespmem:v20+s24+$0x0], $0xffff;
	[tilespmem:s0+$0xFFFFFFB0] =	vst v4;
	s0 =	smov.u32 s18  }
0xf6: {  	v19 =	vld [tilespmem:s17+$0xFFFFFFF0];
	[tilespmem:s11+$0xFFFFFFC0] =	vst v11  }
0xf7: {  	v24 =	vld.idx.msk [tilespmem:v15+s24+$0x0], $0xffff;
	[tilespmem:s11+$0xFFFFFFB0] =	vst v10  }
0xf8: {  	v4 =	vld.idx.msk [tilespmem:v13+s24+$0x0], $0xffff;
	[tilespmem:s11+$0xFFFFFFE0] =	vst v3  }
0xf9: {  	v9 =	vld.idx.msk [tilespmem:v13+s23+$0x0], $0xffff;
	[tilespmem:s11+$0xFFFFFFD0] =	vst v14;
	s11 =	smov.u32 s17  }
0xfa: {  	v6 =	vmul.f32 v8, v7;
	v3 =	vld.idx.msk [tilespmem:v22+s24+$0x0], $0xffff;
	[tilespmem:s12+$0xFFFFFFC0] =	vst v0  }
0xfb: {  	v10 =	vmul.f32 v16, v12;
	v7 =	vld.idx.msk [tilespmem:v20+s25+$0x0], $0xffff;
	v8 =	vmul.f32 v19, v12;
	[tilespmem:s12+$0xFFFFFFD0] =	vst v5  }
0xfc: {  	v20 =	vld.idx.msk [tilespmem:v20+s23+$0x0], $0xffff;
	[tilespmem:s12+$0xFFFFFFE0] =	vst v0  }
0xfd: {  	v11 =	vld.idx.msk [tilespmem:v13+s25+$0x0], $0xffff;
	[tilespmem:s12+$0xFFFFFFB0] =	vst v6;
	s12 =	smov.u32 s19  }
0xfe: {  	v5 =	vmul.f32 v23, v4;
	v13 =	vmul.f32 v18, v4;
	v25 =	vld.idx.msk [tilespmem:v15+s23+$0x0], $0xffff;
	[tilespmem:s18+$0x0] =	vst v10  }
0xff: {  	v10 =	vmul.f32 v18, v9;
	v18 =	vsel vm0, v9, v4;
	v4 =	vmul.f32 v21, v24;
	[tilespmem:s18+$0xFFFFFFF0] =	vst v8  }
0x100: {  	v6 =	vmul.f32 v17, v24;
	v8 =	vmul.f32 v2, v3;
	[tilespmem:s18+$0xFFFFFF90] =	vst v5;
	v5 =	vld.idx.msk [tilespmem:v22+s25+$0x0], $0xffff  }
.Ltmp2:
0x101: {  	v14 =	vmul.f32 v23, v9;
	[tilespmem:s18+$0xFFFFFFA0] =	vst v13;
	v9 =	vld.idx.msk [tilespmem:v22+s23+$0x0], $0xffff;
	v22 =	vmul.f32 v1, v3;
	(pc) =	sbr.rel @p0 .LBB2_6-.Ltmp2, $4  }
0x102: {  	v12 =	vsel vm0, v20, v12;
	[tilespmem:s18+$0xFFFFFFD0] =	vst v8;
	v8 =	vmul.f32 v19, v20  }
0x103: {  	v13 =	vmul.f32 v11, v18;
	v12 =	vmul.f32 v7, v12;
	[tilespmem:s17+$0xFFFFFFA0] =	vst v10  }
0x104: {  	v10 =	vmul.f32 v21, v25;
	v11 =	vmul.f32 v17, v25;
	v7 =	vsel vm0, v25, v24;
	[tilespmem:s17+$0xFFFFFFF0] =	vst v8  }
0x105: {  	s19 =	sadd.s32 $0x80, s19;
	s18 =	sadd.s32 $0x80, s18;
	s17 =	sadd.s32 $0x80, s17;
	v8 =	vld.idx.msk [tilespmem:v15+s25+$0x0], $0xffff;
	[tilespmem:s0+$0xFFFFFFE0] =	vst v22;
	v15 =	vmul.f32 v16, v20  }
0x106: {  	[tilespmem:s11+$0xFFFFFF90] =	vst v14  }
0x107: {  	[tilespmem:s0+$0xFFFFFFC0] =	vst v6  }
0x108: {  	[tilespmem:s0+$0xFFFFFFB0] =	vst v4  }
0x109: {  	[tilespmem:s11+$0x0] =	vst v15  }
0x10a: {  	[tilespmem:s12+$0xFFFFFF90] =	vst v13  }
0x10b: {  	[tilespmem:s12+$0xFFFFFFA0] =	vst v0  }
0x10c: {  	[tilespmem:s11+$0xFFFFFFC0] =	vst v11  }
0x10d: {  	[tilespmem:s11+$0xFFFFFFB0] =	vst v10  }
0x10e: {  	v1 =	vmul.f32 v1, v9;
	[tilespmem:s12+$0x0] =	vst v0  }
0x10f: {  	v2 =	vmul.f32 v2, v9;
	[tilespmem:s12+$0xFFFFFFF0] =	vst v12  }
0x110: {  	[tilespmem:s11+$0xFFFFFFE0] =	vst v1  }
0x111: {  	v3 =	vsel vm0, v9, v3;
	[tilespmem:s11+$0xFFFFFFD0] =	vst v2  }
0x112: {  	v1 =	vmul.f32 v5, v3;
	[tilespmem:s12+$0xFFFFFFC0] =	vst v0  }
0x113: {  	[tilespmem:s12+$0xFFFFFFE0] =	vst v0;
	v2 =	vmul.f32 v8, v7  }
0x114: {  	[tilespmem:s12+$0xFFFFFFD0] =	vst v1  }
0x115: {  	s2 =	simm.s32 $0xF380;
	[tilespmem:s12+$0xFFFFFFB0] =	vst v2;
	s12 =	simm.s32 $0x2000  }
0x116: {  	[spmem:s1] =	stream.indirect.scatter.add.f32 [tilespmem:s12], [sflag:$0x2], $0x20, s2, s26, $0xb8;
	[tilespmem:$0x13080] =	vst v63  }
0x117: {  	s16 =	simm.s32 $0x7000  }
0x118: {  	[spmem:s3] =	stream.indirect.scatter.add.f32 [tilespmem:s16], [sflag:$0x2], $0x20, s2, s26, $0xb8;
	[tilespmem:$0x13080] =	vst v63  }
0x119: {  	s17 =	simm.s32 $0xC000  }
0x11a: {  	[spmem:s4] =	stream.indirect.scatter.add.f32 [tilespmem:s17], [sflag:$0x2], $0x20, s2, s26, $0xb8;
	[tilespmem:$0x13080] =	vst v63  }
0x11b: {  	_ =	swait.ge [sflag:s30], $0x1000  }
0x11c: {  	[sflag:s30] =	ssyncset.done $0x0  }
0x11d: {  	s11 =	simm.s32 $0x3070;
	[sflag:s30] =	ssyncadd.s32 $0xFFFFF000  }
0x11e: {  	s18 =	simm.s32 $0x181;
	v1 =	vld [tilespmem:s11+$0xFFFFFFE0]  }
0x11f: {  	s19 =	simm.s32 $0x180;
	s20 =	simm.s32 $0x183;
	v3 =	vmov s18;
	v2 =	vld [tilespmem:s11+$0xFFFFFFD0]  }
0x120: {  	v4 =	vmov s19;
	v5 =	vmov s20;
	v3 =	vand.u32 $0xFFFFFFFD, v3;
	v7 =	vld [tilespmem:s11+$0xFFFFFFC0]  }
0x121: {  	s29 =	simm.s32 $0x182;
	v4 =	vand.u32 $0xFFFFFFFC, v4;
	v8 =	vbroadcast v3, $0x0;
	v10 =	vld [tilespmem:s11+$0xFFFFFFB0]  }
0x122: {  	v4 =	vbroadcast v4, $0x0;
	v3 =	vmov s29;
	v6 =	vld [tilespmem:s11+$0xFFFFFFA0]  }
0x123: {  	v3 =	vand.u32 $0xFFFFFFFE, v3;
	v9 =	vld [tilespmem:s11+$0xFFFFFF90]  }
0x124: {  	v11 =	vbroadcast v3, $0x0;
	v15 =	vld [tilespmem:s11+$0x0]  }
0x125: {  	v12 =	vld.idx.msk [tilespmem:v5+s24+$0x0], $0xffff  }
0x126: {  	v13 =	vld [tilespmem:s11+$0xFFFFFFF0]  }
0x127: {  	v16 =	vld.idx.msk [tilespmem:v8+s24+$0x0], $0xffff  }
0x128: {  	v14 =	vld.idx.msk [tilespmem:v4+s24+$0x0], $0xffff  }
0x129: {  	v17 =	vld.idx.msk [tilespmem:v4+s23+$0x0], $0xffff  }
0x12a: {  	v3 =	vld.idx.msk [tilespmem:v11+s24+$0x0], $0xffff  }
0x12b: {  	v18 =	vld.idx.msk [tilespmem:v5+s25+$0x0], $0xffff;
	v19 =	vmul.f32 v15, v12  }
0x12c: {  	s0 =	simm.s32 $0x8070;
	v21 =	vld.idx.msk [tilespmem:v5+s23+$0x0], $0xffff;
	v20 =	vmul.f32 v13, v12  }
0x12d: {  	v61 =	vld.idx.msk [tilespmem:v8+s23+$0x0], $0xffff;
	v5 =	vmul.f32 v9, v14;
	[tilespmem:s0+$0x0] =	vst v19  }
0x12e: {  	v22 =	vld.idx.msk [tilespmem:v4+s25+$0x0], $0xffff;
	v23 =	vmul.f32 v6, v14;
	[tilespmem:s0+$0xFFFFFFF0] =	vst v20  }
0x12f: {  	v24 =	vmul.f32 v6, v17;
	v25 =	vsel vm0, v17, v14;
	v62 =	vmul.f32 v2, v3;
	[tilespmem:s0+$0xFFFFFF90] =	vst v5  }
0x130: {  	v14 =	vmul.f32 v9, v17;
	v9 =	vld.idx.msk [tilespmem:v11+s23+$0x0], $0xffff;
	v17 =	vmul.f32 v1, v3;
	[tilespmem:s0+$0xFFFFFFA0] =	vst v23  }
0x131: {  	v4 =	vmul.f32 v10, v16;
	v6 =	vmul.f32 v7, v16;
	v5 =	vld.idx.msk [tilespmem:v11+s25+$0x0], $0xffff;
	[tilespmem:s0+$0xFFFFFFD0] =	vst v62  }
0x132: {  	v8 =	vld.idx.msk [tilespmem:v8+s25+$0x0], $0xffff;
	v63 =	vmul.f32 v13, v21;
	v10 =	vmul.f32 v10, v61;
	[tilespmem:s0+$0xFFFFFFE0] =	vst v17  }
0x133: {  	s19 =	simm.s32 $0xD0F0;
	s18 =	simm.s32 $0x80F0;
	v15 =	vmul.f32 v15, v21;
	v13 =	vmul.f32 v22, v25;
	v11 =	vsel vm0, v21, v12;
	[tilespmem:s11+$0xFFFFFFA0] =	vst v24  }
0x134: {  	s12 =	simm.s32 $0xD070;
	s16 =	simm.s32 $0x0;
	s17 =	simm.s32 $0x30F0;
	v12 =	vmul.f32 v18, v11;
	v11 =	vmul.f32 v7, v61;
	[tilespmem:s11+$0xFFFFFFF0] =	vst v63;
	v7 =	vsel vm0, v61, v16  }
.LBB2_8:
0x135: {  	s2 =	sadd.s32 $0x184, s16  }
0x136: {  	s20 =	sadd.s32 $0x185, s16;
	s29 =	sadd.s32 $0x186, s16;
	v16 =	vld [tilespmem:s17+$0xFFFFFFE0];
	[tilespmem:s11+$0xFFFFFF90] =	vst v14;
	v14 =	vmov s2  }
0x137: {  	v17 =	vmov s20;
	v18 =	vmov s29;
	v19 =	vld [tilespmem:s17+$0xFFFFFFD0];
	s2 =	sadd.s32 $0x187, s16;
	s16 =	sadd.s32 $0x4, s16;
	[tilespmem:s11+$0x0] =	vst v15  }
0x138: {  	v14 =	vand.u32 $0xFFFFFFFC, v14;
	v15 =	vand.u32 $0xFFFFFFFD, v17;
	v17 =	vld [tilespmem:s17+$0xFFFFFFC0];
	v20 =	vmov s2;
	p0 =	slt.u32 s16, $0x7C;
	[tilespmem:s12+$0xFFFFFF90] =	vst v13  }
0x139: {  	v13 =	vbroadcast v14, $0x0;
	v15 =	vbroadcast v15, $0x0;
	v21 =	vld [tilespmem:s17+$0xFFFFFFB0];
	v14 =	vand.u32 $0xFFFFFFFE, v18;
	[tilespmem:s12+$0xFFFFFFA0] =	vst v0  }
0x13a: {  	v24 =	vsel vm0, v9, v3;
	v18 =	vld [tilespmem:s17+$0xFFFFFFA0];
	v22 =	vbroadcast v14, $0x0;
	v14 =	vmul.f32 v2, v9;
	[tilespmem:s12+$0x0] =	vst v0  }
0x13b: {  	v3 =	vmul.f32 v1, v9;
	v5 =	vmul.f32 v5, v24;
	v23 =	vld [tilespmem:s17+$0xFFFFFF90];
	[tilespmem:s12+$0xFFFFFFF0] =	vst v12;
	v1 =	vmov v16  }
0x13c: {  	v16 =	vld [tilespmem:s17+$0x0];
	[tilespmem:s0+$0xFFFFFFC0] =	vst v6;
	v2 =	vmov v19  }
0x13d: {  	v12 =	vld.idx.msk [tilespmem:v20+s24+$0x0], $0xffff;
	[tilespmem:s0+$0xFFFFFFB0] =	vst v4;
	s0 =	smov.u32 s18  }
0x13e: {  	v19 =	vld [tilespmem:s17+$0xFFFFFFF0];
	[tilespmem:s11+$0xFFFFFFC0] =	vst v11  }
0x13f: {  	v24 =	vld.idx.msk [tilespmem:v15+s24+$0x0], $0xffff;
	[tilespmem:s11+$0xFFFFFFB0] =	vst v10  }
0x140: {  	v4 =	vld.idx.msk [tilespmem:v13+s24+$0x0], $0xffff;
	[tilespmem:s11+$0xFFFFFFE0] =	vst v3  }
0x141: {  	v9 =	vld.idx.msk [tilespmem:v13+s23+$0x0], $0xffff;
	[tilespmem:s11+$0xFFFFFFD0] =	vst v14;
	s11 =	smov.u32 s17  }
0x142: {  	v6 =	vmul.f32 v8, v7;
	v3 =	vld.idx.msk [tilespmem:v22+s24+$0x0], $0xffff;
	[tilespmem:s12+$0xFFFFFFC0] =	vst v0  }
0x143: {  	v10 =	vmul.f32 v16, v12;
	v7 =	vld.idx.msk [tilespmem:v20+s25+$0x0], $0xffff;
	v8 =	vmul.f32 v19, v12;
	[tilespmem:s12+$0xFFFFFFD0] =	vst v5  }
0x144: {  	v20 =	vld.idx.msk [tilespmem:v20+s23+$0x0], $0xffff;
	[tilespmem:s12+$0xFFFFFFE0] =	vst v0  }
0x145: {  	v11 =	vld.idx.msk [tilespmem:v13+s25+$0x0], $0xffff;
	[tilespmem:s12+$0xFFFFFFB0] =	vst v6;
	s12 =	smov.u32 s19  }
0x146: {  	v5 =	vmul.f32 v23, v4;
	v13 =	vmul.f32 v18, v4;
	v25 =	vld.idx.msk [tilespmem:v15+s23+$0x0], $0xffff;
	[tilespmem:s18+$0x0] =	vst v10  }
0x147: {  	v10 =	vmul.f32 v18, v9;
	v18 =	vsel vm0, v9, v4;
	v4 =	vmul.f32 v21, v24;
	[tilespmem:s18+$0xFFFFFFF0] =	vst v8  }
0x148: {  	v6 =	vmul.f32 v17, v24;
	v8 =	vmul.f32 v2, v3;
	[tilespmem:s18+$0xFFFFFF90] =	vst v5;
	v5 =	vld.idx.msk [tilespmem:v22+s25+$0x0], $0xffff  }
.Ltmp3:
0x149: {  	v14 =	vmul.f32 v23, v9;
	[tilespmem:s18+$0xFFFFFFA0] =	vst v13;
	v9 =	vld.idx.msk [tilespmem:v22+s23+$0x0], $0xffff;
	v22 =	vmul.f32 v1, v3;
	(pc) =	sbr.rel @p0 .LBB2_8-.Ltmp3, $4  }
0x14a: {  	v12 =	vsel vm0, v20, v12;
	[tilespmem:s18+$0xFFFFFFD0] =	vst v8;
	v8 =	vmul.f32 v19, v20  }
0x14b: {  	v13 =	vmul.f32 v11, v18;
	v12 =	vmul.f32 v7, v12;
	[tilespmem:s17+$0xFFFFFFA0] =	vst v10  }
0x14c: {  	v10 =	vmul.f32 v21, v25;
	v11 =	vmul.f32 v17, v25;
	v7 =	vsel vm0, v25, v24;
	[tilespmem:s17+$0xFFFFFFF0] =	vst v8  }
0x14d: {  	s19 =	sadd.s32 $0x80, s19;
	s18 =	sadd.s32 $0x80, s18;
	s17 =	sadd.s32 $0x80, s17;
	v8 =	vld.idx.msk [tilespmem:v15+s25+$0x0], $0xffff;
	[tilespmem:s0+$0xFFFFFFE0] =	vst v22;
	v15 =	vmul.f32 v16, v20  }
0x14e: {  	[tilespmem:s11+$0xFFFFFF90] =	vst v14  }
0x14f: {  	[tilespmem:s0+$0xFFFFFFC0] =	vst v6  }
0x150: {  	[tilespmem:s0+$0xFFFFFFB0] =	vst v4  }
0x151: {  	[tilespmem:s11+$0x0] =	vst v15  }
0x152: {  	[tilespmem:s12+$0xFFFFFF90] =	vst v13  }
0x153: {  	[tilespmem:s12+$0xFFFFFFA0] =	vst v0  }
0x154: {  	[tilespmem:s11+$0xFFFFFFC0] =	vst v11  }
0x155: {  	[tilespmem:s11+$0xFFFFFFB0] =	vst v10  }
0x156: {  	v1 =	vmul.f32 v1, v9;
	[tilespmem:s12+$0x0] =	vst v0  }
0x157: {  	v2 =	vmul.f32 v2, v9;
	[tilespmem:s12+$0xFFFFFFF0] =	vst v12  }
0x158: {  	[tilespmem:s11+$0xFFFFFFE0] =	vst v1  }
0x159: {  	v3 =	vsel vm0, v9, v3;
	[tilespmem:s11+$0xFFFFFFD0] =	vst v2  }
0x15a: {  	v1 =	vmul.f32 v5, v3;
	[tilespmem:s12+$0xFFFFFFC0] =	vst v0  }
0x15b: {  	[tilespmem:s12+$0xFFFFFFE0] =	vst v0;
	v2 =	vmul.f32 v8, v7  }
0x15c: {  	[tilespmem:s12+$0xFFFFFFD0] =	vst v1  }
0x15d: {  	s29 =	simm.s32 $0x3000;
	s2 =	simm.s32 $0xF400;
	s16 =	simm.s32 $0x200;
	[tilespmem:s12+$0xFFFFFFB0] =	vst v2  }
0x15e: {  	[spmem:s1] =	stream.indirect.scatter.add.f32 [tilespmem:s29], [sflag:$0x2], $0x20, s2, s26, $0xb8;
	[tilespmem:$0x13080] =	vst v63  }
0x15f: {  	s17 =	simm.s32 $0x203;
	s19 =	simm.s32 $0x201;
	v1 =	vmov s16;
	s12 =	simm.s32 $0x8000  }
0x160: {  	v1 =	vand.u32 $0xFFFFFFFC, v1;
	[spmem:s3] =	stream.indirect.scatter.add.f32 [tilespmem:s12], [sflag:$0x2], $0x20, s2, s26, $0xb8;
	[tilespmem:$0x13080] =	vst v63  }
0x161: {  	s18 =	simm.s32 $0xD000;
	s20 =	simm.s32 $0x202;
	v9 =	vmov s17;
	v3 =	vbroadcast v1, $0x0;
	v1 =	vmov s19  }
0x162: {  	v2 =	vmov s20;
	v1 =	vand.u32 $0xFFFFFFFD, v1;
	[spmem:s4] =	stream.indirect.scatter.add.f32 [tilespmem:s18], [sflag:$0x2], $0x20, s2, s26, $0xb8;
	[tilespmem:$0x13080] =	vst v63  }
0x163: {  	v10 =	vbroadcast v1, $0x0;
	v1 =	vand.u32 $0xFFFFFFFE, v2;
	_ =	swait.ge [sflag:s30], $0x1000  }
0x164: {  	v8 =	vbroadcast v1, $0x0;
	[sflag:s30] =	ssyncset.done $0x0  }
0x165: {  	[sflag:s30] =	ssyncadd.s32 $0xFFFFF000  }
0x166: {  	v1 =	vld.idx.msk [tilespmem:v9+s23+$0x0], $0xffff  }
0x167: {  	v11 =	vld.idx.msk [tilespmem:v3+s25+$0x0], $0xffff  }
0x168: {  	v6 =	vld.idx.msk [tilespmem:v3+s23+$0x0], $0xffff  }
0x169: {  	v7 =	vld.idx.msk [tilespmem:v3+s24+$0x0], $0xffff  }
0x16a: {  	v3 =	vld.idx.msk [tilespmem:v8+s23+$0x0], $0xffff  }
0x16b: {  	v5 =	vld.idx.msk [tilespmem:v8+s24+$0x0], $0xffff  }
0x16c: {  	v12 =	vld.idx.msk [tilespmem:v8+s25+$0x0], $0xffff  }
0x16d: {  	v2 =	vld.idx.msk [tilespmem:v9+s24+$0x0], $0xffff  }
0x16e: {  	v4 =	vld.idx.msk [tilespmem:v10+s23+$0x0], $0xffff  }
0x16f: {  	v8 =	vld.idx.msk [tilespmem:v10+s24+$0x0], $0xffff  }
0x170: {  	v13 =	vld.idx.msk [tilespmem:v10+s25+$0x0], $0xffff;
	v10 =	vsel vm0, v3, v5  }
0x171: {  	v14 =	vmul.f32 v12, v10;
	v10 =	vld.idx.msk [tilespmem:v9+s25+$0x0], $0xffff;
	_ =	sdelay $0x1  }
0x172: {  	v9 =	vsel vm0, v6, v7  }
0x173: {  	s11 =	simm.s32 $0x0;
	v15 =	vsel vm0, v4, v8;
	v12 =	vmul.f32 v11, v9  }
0x174: {  	s0 =	simm.s32 $0x0;
	s12 =	simm.s32 $0x0;
	v9 =	vld [tilespmem:s11+$0x4000];
	v11 =	vmul.f32 v13, v15;
	v13 =	vsel vm0, v1, v2;
	[tilespmem:s11+$0xE040] =	vst v14  }
.LBB2_10:
0x175: {  	s2 =	sadd.s32 $0x204, s12;
	s16 =	sadd.s32 $0x205, s12;
	v14 =	vld [tilespmem:s11+$0x4010];
	[tilespmem:s11+$0xE000] =	vst v12;
	v10 =	vmul.f32 v10, v13  }
0x176: {  	v12 =	vmov s2;
	v13 =	vmov s16;
	s2 =	sadd.s32 $0x207, s12;
	v15 =	vld [tilespmem:s11+$0x4020];
	[tilespmem:s11+$0xE020] =	vst v11  }
0x177: {  	v11 =	vand.u32 $0xFFFFFFFC, v12;
	v12 =	vand.u32 $0xFFFFFFFD, v13;
	v13 =	vmov s2;
	v16 =	vld [tilespmem:s11+$0x4030];
	[tilespmem:s11+$0xE060] =	vst v10  }
0x178: {  	v10 =	vbroadcast v11, $0x0;
	v11 =	vbroadcast v12, $0x0;
	[tilespmem:s11+$0xE010] =	vst v0;
	v12 =	vld [tilespmem:s11+$0x4040]  }
0x179: {  	s2 =	sadd.s32 $0x206, s12;
	v17 =	vmul.f32 v9, v7;
	v9 =	vmul.f32 v9, v6;
	[tilespmem:s11+$0xE030] =	vst v0;
	v18 =	vld [tilespmem:s11+$0x4050]  }
0x17a: {  	s12 =	sadd.s32 $0x4, s12;
	v19 =	vmov s2;
	v7 =	vmul.f32 v14, v7;
	v6 =	vmul.f32 v14, v6;
	[tilespmem:s11+$0xE050] =	vst v0;
	v14 =	vld [tilespmem:s11+$0x4060]  }
0x17b: {  	p0 =	slt.u32 s12, $0x7C;
	v19 =	vand.u32 $0xFFFFFFFE, v19;
	[tilespmem:s11+$0x9000] =	vst v17;
	v17 =	vmul.f32 v15, v8;
	v15 =	vmul.f32 v15, v4;
	v20 =	vld [tilespmem:s11+$0x4070]  }
0x17c: {  	v19 =	vbroadcast v19, $0x0;
	v21 =	vld.idx.msk [tilespmem:v13+s23+$0x0], $0xffff;
	[tilespmem:s11+$0x9010] =	vst v7;
	v8 =	vmul.f32 v16, v8  }
0x17d: {  	v22 =	vld.idx.msk [tilespmem:v13+s24+$0x0], $0xffff;
	[tilespmem:s11+$0x4000] =	vst v9;
	v9 =	vmul.f32 v16, v4;
	v16 =	vmul.f32 v12, v5  }
0x17e: {  	v12 =	vmul.f32 v12, v3;
	v23 =	vld.idx.msk [tilespmem:v10+s25+$0x0], $0xffff;
	[tilespmem:s11+$0x4010] =	vst v6;
	v24 =	vmul.f32 v18, v5  }
0x17f: {  	v6 =	vld.idx.msk [tilespmem:v10+s23+$0x0], $0xffff;
	[tilespmem:s11+$0x9020] =	vst v17;
	v17 =	vmul.f32 v18, v3;
	v18 =	vmul.f32 v14, v2  }
0x180: {  	v14 =	vmul.f32 v14, v1;
	v7 =	vld.idx.msk [tilespmem:v10+s24+$0x0], $0xffff;
	[tilespmem:s11+$0x9030] =	vst v8;
	v25 =	vmul.f32 v20, v2  }
0x181: {  	v4 =	vld.idx.msk [tilespmem:v11+s23+$0x0], $0xffff;
	[tilespmem:s11+$0x4020] =	vst v15;
	v15 =	vmul.f32 v20, v1  }
0x182: {  	v1 =	vmov v21;
	v3 =	vld.idx.msk [tilespmem:v19+s23+$0x0], $0xffff;
	[tilespmem:s11+$0x4030] =	vst v9  }
0x183: {  	v2 =	vmov v22;
	v5 =	vld.idx.msk [tilespmem:v19+s24+$0x0], $0xffff;
	[tilespmem:s11+$0x9040] =	vst v16  }
0x184: {  	v9 =	vld.idx.msk [tilespmem:v19+s25+$0x0], $0xffff;
	[tilespmem:s11+$0x9050] =	vst v24  }
0x185: {  	v8 =	vld.idx.msk [tilespmem:v11+s24+$0x0], $0xffff;
	[tilespmem:s11+$0x4040] =	vst v12  }
0x186: {  	v11 =	vld.idx.msk [tilespmem:v11+s25+$0x0], $0xffff;
	[tilespmem:s11+$0x4050] =	vst v17  }
0x187: {  	v10 =	vld.idx.msk [tilespmem:v13+s25+$0x0], $0xffff;
	[tilespmem:s11+$0x9060] =	vst v18  }
.Ltmp4:
0x188: {  	[tilespmem:s11+$0x9070] =	vst v25;
	(pc) =	sbr.rel @p0 .LBB2_10-.Ltmp4, $4  }
0x189: {  	v12 =	vsel vm0, v3, v5;
	[tilespmem:s11+$0x4060] =	vst v14  }
0x18a: {  	s0 =	sadd.s32 $0x200, s0;
	v13 =	vsel vm0, v6, v7;
	v14 =	vmul.f32 v9, v12;
	[tilespmem:s11+$0x4070] =	vst v15  }
0x18b: {  	v12 =	vmul.f32 v23, v13;
	v13 =	vsel vm0, v4, v8;
	[tilespmem:s11+$0xE070] =	vst v0;
	s11 =	sshra.s32 s0, $0x2  }
0x18c: {  	v11 =	vmul.f32 v11, v13;
	v13 =	vsel vm0, v1, v2;
	v9 =	vld [tilespmem:s11+$0x4000];
	[tilespmem:s11+$0xE040] =	vst v14  }
0x18d: {  	[tilespmem:s11+$0xE000] =	vst v12  }
0x18e: {  	[tilespmem:s11+$0xE010] =	vst v0  }
0x18f: {  	v14 =	vld [tilespmem:s11+$0x4010];
	[tilespmem:s11+$0xE030] =	vst v0  }
0x190: {  	[tilespmem:s11+$0xE050] =	vst v0  }
0x191: {  	v10 =	vmul.f32 v10, v13;
	v57 =	vld [tilespmem:s11+$0x4030];
	[tilespmem:s11+$0xE070] =	vst v0  }
0x192: {  	v56 =	vld [tilespmem:s11+$0x4020];
	[tilespmem:s11+$0xE020] =	vst v11;
	v59 =	vmul.f32 v9, v7  }
0x193: {  	v58 =	vld [tilespmem:s11+$0x4040];
	[tilespmem:s11+$0xE060] =	vst v10;
	v60 =	vmul.f32 v9, v6  }
0x194: {  	v15 =	vld [tilespmem:s11+$0x4050];
	v7 =	vmul.f32 v14, v7;
	[tilespmem:s11+$0x9000] =	vst v59  }
0x195: {  	v6 =	vmul.f32 v14, v6;
	[tilespmem:s11+$0x4000] =	vst v60  }
0x196: {  	v61 =	vmul.f32 v57, v8;
	[tilespmem:s11+$0x9010] =	vst v7  }
0x197: {  	v7 =	vmul.f32 v56, v8;
	[tilespmem:s11+$0x4010] =	vst v6  }
0x198: {  	v63 =	vmul.f32 v58, v5;
	[tilespmem:s11+$0x9030] =	vst v61  }
0x199: {  	v5 =	vmul.f32 v15, v5;
	[tilespmem:s11+$0x9020] =	vst v7;
	v7 =	vld [tilespmem:s11+$0x4060]  }
0x19a: {  	v62 =	vld [tilespmem:s11+$0x4070];
	v6 =	vmul.f32 v56, v4;
	v4 =	vmul.f32 v57, v4;
	[tilespmem:s11+$0x9040] =	vst v63  }
0x19b: {  	[tilespmem:s11+$0x9050] =	vst v5  }
0x19c: {  	[tilespmem:s11+$0x4030] =	vst v4;
	v4 =	vmul.f32 v58, v3  }
0x19d: {  	[tilespmem:s11+$0x4020] =	vst v6;
	v3 =	vmul.f32 v15, v3  }
0x19e: {  	[tilespmem:s11+$0x4040] =	vst v4;
	v5 =	vmul.f32 v7, v2  }
0x19f: {  	[tilespmem:s11+$0x4050] =	vst v3;
	v2 =	vmul.f32 v62, v2  }
0x1a0: {  	v3 =	vmul.f32 v7, v1;
	[tilespmem:s11+$0x9060] =	vst v5  }
0x1a1: {  	v1 =	vmul.f32 v62, v1;
	[tilespmem:s11+$0x9070] =	vst v2  }
0x1a2: {  	[tilespmem:s11+$0x4060] =	vst v3  }
0x1a3: {  	s0 =	simm.s32 $0x4000;
	[tilespmem:s11+$0x4070] =	vst v1  }
0x1a4: {  	[spmem:s1] =	stream.indirect.scatter.add.f32 [tilespmem:s0], [sflag:$0x2], $0x20, s31, s26, $0xb8;
	[tilespmem:$0x13080] =	vst v63  }
0x1a5: {  	s19 =	simm.s32 $0x9000  }
0x1a6: {  	[spmem:s3] =	stream.indirect.scatter.add.f32 [tilespmem:s19], [sflag:$0x2], $0x20, s31, s26, $0xb8;
	[tilespmem:$0x13080] =	vst v63  }
0x1a7: {  	s20 =	simm.s32 $0xE000  }
0x1a8: {  	[spmem:s4] =	stream.indirect.scatter.add.f32 [tilespmem:s20], [sflag:$0x2], $0x20, s31, s26, $0xb8;
	[tilespmem:$0x13080] =	vst v63  }
0x1a9: {  	_ =	swait.ge [sflag:s8], $0x1000  }
0x1aa: {  	[sflag:s8] =	ssyncset.done $0x0  }
0x1ab: {  	[sflag:s8] =	ssyncadd.s32 $0xFFFFF000  }
0x1ac: {  	_ =	swait.ge [sflag:s8], $0x1000  }
0x1ad: {  	[sflag:s8] =	ssyncset.done $0x0  }
0x1ae: {  	[sflag:s8] =	ssyncadd.s32 $0xFFFFF000  }
0x1af: {  	_ =	swait.ge [sflag:s8], $0x1000  }
0x1b0: {  	[sflag:s8] =	ssyncset.done $0x0  }
0x1b1: {  	[sflag:s8] =	ssyncadd.s32 $0xFFFFF000  }
0x1b2: {  	_ =	swait.ge [sflag:s8], $0x1000  }
0x1b3: {  	[sflag:s8] =	ssyncset.done $0x0  }
0x1b4: {  	[sflag:s8] =	ssyncadd.s32 $0xFFFFF000  }
0x1b5: {  	_ =	swait.ge [sflag:s8], $0x1000  }
0x1b6: {  	[sflag:s8] =	ssyncset.done $0x0  }
0x1b7: {  	[sflag:s8] =	ssyncadd.s32 $0xFFFFF000  }
0x1b8: {  	_ =	swait.ge [sflag:s8], $0x1000  }
0x1b9: {  	[sflag:s8] =	ssyncset.done $0x0  }
0x1ba: {  	[sflag:s8] =	ssyncadd.s32 $0xFFFFF000  }
0x1bb: {  	_ =	swait.ge [sflag:s8], $0x1000  }
0x1bc: {  	[sflag:s8] =	ssyncset.done $0x0  }
0x1bd: {  	[sflag:s8] =	ssyncadd.s32 $0xFFFFF000  }
0x1be: {  	_ =	swait.ge [sflag:s8], $0x1000  }
0x1bf: {  	[sflag:s8] =	ssyncset.done $0x0  }
0x1c0: {  	[sflag:s8] =	ssyncadd.s32 $0xFFFFF000  }
0x1c1: {  	_ =	swait.ge [sflag:s8], $0x1000  }
0x1c2: {  	[sflag:s8] =	ssyncset.done $0x0  }
0x1c3: {  	[sflag:s8] =	ssyncadd.s32 $0xFFFFF000  }
0x1c4: {  	_ =	swait.ge [sflag:s8], $0x1000  }
0x1c5: {  	[sflag:s8] =	ssyncset.done $0x0  }
0x1c6: {  	[sflag:s8] =	ssyncadd.s32 $0xFFFFF000  }
0x1c7: {  	_ =	swait.ge [sflag:s8], $0x1000  }
0x1c8: {  	[sflag:s8] =	ssyncset.done $0x0  }
0x1c9: {  	[sflag:s8] =	ssyncadd.s32 $0xFFFFF000  }
0x1ca: {  	_ =	swait.ge [sflag:s8], $0x1000  }
0x1cb: {  	[sflag:s8] =	ssyncset.done $0x0  }
0x1cc: {  	[sflag:s8] =	ssyncadd.s32 $0xFFFFF000  }
0x1cd: {  	_ =	swait.ge [sflag:s8], $0x1000  }
0x1ce: {  	[sflag:s8] =	ssyncset.done $0x0  }
0x1cf: {  	[sflag:s8] =	ssyncadd.s32 $0xFFFFF000  }
0x1d0: {  	_ =	swait.ge [sflag:s8], $0x1000  }
0x1d1: {  	[sflag:s8] =	ssyncset.done $0x0  }
0x1d2: {  	[sflag:s8] =	ssyncadd.s32 $0xFFFFF000  }
0x1d3: {  	_ =	swait.ge [sflag:s8], $0x1000  }
0x1d4: {  	[sflag:s8] =	ssyncset.done $0x0  }
0x1d5: {  	[sflag:s8] =	ssyncadd.s32 $0xFFFFF000  }
0x1d6: {  	[bflag:$0x0] =	sbarrier.arrive $0xFFFF  }
0x1d7: {  	[tilespmem:s9], [sflag:$0x3] =	stream.linear.gather [spmem:s13], $0x800, $0x38;
	[tilespmem:$0x13080] =	vst v63  }
0x1d8: {  	_ =	swait.ge [sflag:s21], $0x800  }
0x1d9: {  	s2 =	simm.s32 $0x0;
	[sflag:s21] =	ssyncset.done $0x0  }
0x1da: {  	s18 =	simm.s32 $0x20;
	s0 =	simm.s32 $0x0;
	[sflag:s21] =	ssyncadd.s32 $0xFFFFF800  }
0x1db: {  	s12 =	simm.s32 $0x4;
	s18 =	sand.u32 $0x60, s18;
	s17 =	sand.u32 $0x1E00, s0;
	v2 =	vld [tilespmem:s2+$0xFCA0]  }
0x1dc: {  	s11 =	simm.s32 $0x100;
	s17 =	sshrl.u32 s17, $0x2;
	s19 =	simm.s32 $0x30;
	v3 =	vld [tilespmem:s2+$0xFC90]  }
0x1dd: {  	s16 =	sand.u32 $0x40, s0;
	s17 =	sadd.s32 $0x10480, s17;
	s19 =	sand.u32 $0x70, s19;
	v4 =	vld [tilespmem:s2+$0xFCB0]  }
0x1de: {  	s16 =	sor.u32 s16, s17;
	s18 =	sor.u32 s18, s17;
	s17 =	sor.u32 s19, s17;
	v1 =	vld [tilespmem:s2+$0xFC80]  }
.LBB2_12:
0x1df: {  	s12 =	sadd.s32 $0x4, s12  }
0x1e0: {  	s2 =	sshra.s32 s11, $0x2;
	[tilespmem:s18+$0x0] =	vst v2;
	s0 =	sadd.s32 $0x40, s0;
	p0 =	slt.u32 s12, $0x7C  }
.Ltmp5:
0x1e1: {  	v2 =	vld [tilespmem:s2+$0xFCA0];
	[tilespmem:s16+$0x10] =	vst v3;
	(pc) =	sbr.rel @p0 .LBB2_12-.Ltmp5, $4  }
0x1e2: {  	s19 =	sand.u32 $0x1E00, s11;
	s11 =	sadd.s32 $0x100, s11;
	s18 =	sand.u32 $0x40, s0;
	v3 =	vld [tilespmem:s2+$0xFC90];
	[tilespmem:s17+$0x0] =	vst v4  }
0x1e3: {  	s20 =	sadd.s32 $0x30, s0;
	s17 =	sshrl.u32 s19, $0x2;
	s19 =	sadd.s32 $0x20, s0;
	v4 =	vld [tilespmem:s2+$0xFCB0];
	[tilespmem:s16+$0x0] =	vst v1  }
0x1e4: {  	v1 =	vld [tilespmem:s2+$0xFC80];
	s2 =	sadd.s32 $0x10480, s17;
	s17 =	sand.u32 $0x60, s19;
	s19 =	sand.u32 $0x70, s20  }
0x1e5: {  	s16 =	sor.u32 s18, s2;
	s18 =	sor.u32 s17, s2;
	s17 =	sor.u32 s19, s2  }
0x1e6: {  	s2 =	sshra.s32 s11, $0x2  }
0x1e7: {  	v5 =	vld [tilespmem:s2+$0xFCA0]  }
0x1e8: {  	[tilespmem:s18+$0x0] =	vst v2;
	s0 =	sadd.s32 $0x40, s0;
	s19 =	sand.u32 $0x1E00, s11;
	v2 =	vld [tilespmem:s2+$0xFC90]  }
0x1e9: {  	[tilespmem:s16+$0x10] =	vst v3;
	s11 =	sshrl.u32 s19, $0x2;
	s12 =	sadd.s32 $0x20, s0;
	v3 =	vld [tilespmem:s2+$0xFCB0]  }
0x1ea: {  	[tilespmem:s17+$0x0] =	vst v4;
	v4 =	vld [tilespmem:s2+$0xFC80];
	s20 =	sadd.s32 $0x10480, s11;
	s12 =	sand.u32 $0x60, s12  }
0x1eb: {  	s17 =	sand.u32 $0x40, s0;
	s0 =	sadd.s32 $0x30, s0;
	[tilespmem:s16+$0x0] =	vst v1;
	s11 =	sor.u32 s12, s20  }
0x1ec: {  	s0 =	sand.u32 $0x70, s0;
	s12 =	sor.u32 s17, s20;
	[tilespmem:s11+$0x0] =	vst v5  }
0x1ed: {  	s0 =	sor.u32 s0, s20;
	[tilespmem:s12+$0x10] =	vst v2  }
0x1ee: {  	[tilespmem:s0+$0x0] =	vst v3  }
0x1ef: {  	[tilespmem:s12+$0x0] =	vst v4  }
0x1f0: {  	s0 =	simm.s32 $0x0;
	s18 =	rddreg [dreg:$0xb]  }
0x1f1: {  	[hbm4b:s18+s0] =	stream.linear.scatter [tilespmem:s28], [sflag:$0x3], $0x800, $0x38;
	[tilespmem:$0x13080] =	vst v63  }
0x1f2: {  	_ =	swait.ge [sflag:s21], $0x800  }
0x1f3: {  	[sflag:s21] =	ssyncset.done $0x0  }
0x1f4: {  	[sflag:s21] =	ssyncadd.s32 $0xFFFFF800  }
0x1f5: {  	[tilespmem:s9], [sflag:$0x3] =	stream.linear.gather [spmem:s14], $0x800, $0x38;
	[tilespmem:$0x13080] =	vst v63  }
0x1f6: {  	_ =	swait.ge [sflag:s21], $0x800  }
0x1f7: {  	[sflag:s21] =	ssyncset.done $0x0  }
0x1f8: {  	s2 =	simm.s32 $0x0;
	s20 =	simm.s32 $0x20;
	[sflag:s21] =	ssyncadd.s32 $0xFFFFF800  }
0x1f9: {  	s11 =	simm.s32 $0x100;
	s12 =	simm.s32 $0x4;
	s19 =	sand.u32 $0x1E00, s0;
	v2 =	vld [tilespmem:s2+$0xFCA0]  }
0x1fa: {  	s16 =	sand.u32 $0x40, s0;
	s17 =	sshrl.u32 s19, $0x2;
	s19 =	simm.s32 $0x30;
	v3 =	vld [tilespmem:s2+$0xFC90]  }
0x1fb: {  	s17 =	sadd.s32 $0x10480, s17;
	s18 =	sand.u32 $0x60, s20;
	s19 =	sand.u32 $0x70, s19;
	v4 =	vld [tilespmem:s2+$0xFCB0]  }
0x1fc: {  	s16 =	sor.u32 s16, s17;
	s18 =	sor.u32 s18, s17;
	s17 =	sor.u32 s19, s17;
	v1 =	vld [tilespmem:s2+$0xFC80]  }
.LBB2_14:
0x1fd: {  	s12 =	sadd.s32 $0x4, s12  }
0x1fe: {  	s2 =	sshra.s32 s11, $0x2;
	[tilespmem:s18+$0x0] =	vst v2;
	s0 =	sadd.s32 $0x40, s0;
	p0 =	slt.u32 s12, $0x7C  }
.Ltmp6:
0x1ff: {  	v2 =	vld [tilespmem:s2+$0xFCA0];
	[tilespmem:s16+$0x10] =	vst v3;
	(pc) =	sbr.rel @p0 .LBB2_14-.Ltmp6, $4  }
0x200: {  	s19 =	sand.u32 $0x1E00, s11;
	s11 =	sadd.s32 $0x100, s11;
	s18 =	sand.u32 $0x40, s0;
	v3 =	vld [tilespmem:s2+$0xFC90];
	[tilespmem:s17+$0x0] =	vst v4  }
0x201: {  	s20 =	sadd.s32 $0x30, s0;
	s17 =	sshrl.u32 s19, $0x2;
	s19 =	sadd.s32 $0x20, s0;
	v4 =	vld [tilespmem:s2+$0xFCB0];
	[tilespmem:s16+$0x0] =	vst v1  }
0x202: {  	v1 =	vld [tilespmem:s2+$0xFC80];
	s2 =	sadd.s32 $0x10480, s17;
	s17 =	sand.u32 $0x60, s19;
	s19 =	sand.u32 $0x70, s20  }
0x203: {  	s16 =	sor.u32 s18, s2;
	s18 =	sor.u32 s17, s2;
	s17 =	sor.u32 s19, s2  }
0x204: {  	s2 =	sshra.s32 s11, $0x2  }
0x205: {  	v5 =	vld [tilespmem:s2+$0xFCA0]  }
0x206: {  	[tilespmem:s18+$0x0] =	vst v2;
	s0 =	sadd.s32 $0x40, s0;
	s19 =	sand.u32 $0x1E00, s11;
	v2 =	vld [tilespmem:s2+$0xFC90]  }
0x207: {  	[tilespmem:s16+$0x10] =	vst v3;
	s11 =	sshrl.u32 s19, $0x2;
	s12 =	sadd.s32 $0x20, s0;
	v3 =	vld [tilespmem:s2+$0xFCB0]  }
0x208: {  	[tilespmem:s17+$0x0] =	vst v4;
	v4 =	vld [tilespmem:s2+$0xFC80];
	s20 =	sadd.s32 $0x10480, s11;
	s12 =	sand.u32 $0x60, s12  }
0x209: {  	s17 =	sand.u32 $0x40, s0;
	s0 =	sadd.s32 $0x30, s0;
	[tilespmem:s16+$0x0] =	vst v1;
	s11 =	sor.u32 s12, s20  }
0x20a: {  	s0 =	sand.u32 $0x70, s0;
	s12 =	sor.u32 s17, s20;
	[tilespmem:s11+$0x0] =	vst v5  }
0x20b: {  	s0 =	sor.u32 s0, s20;
	[tilespmem:s12+$0x10] =	vst v2  }
0x20c: {  	[tilespmem:s0+$0x0] =	vst v3  }
0x20d: {  	[tilespmem:s12+$0x0] =	vst v4  }
0x20e: {  	s0 =	simm.s32 $0x0;
	s18 =	rddreg [dreg:$0xc]  }
0x20f: {  	[hbm4b:s18+s0] =	stream.linear.scatter [tilespmem:s28], [sflag:$0x3], $0x800, $0x38;
	[tilespmem:$0x13080] =	vst v63  }
0x210: {  	_ =	swait.ge [sflag:s21], $0x800  }
0x211: {  	[sflag:s21] =	ssyncset.done $0x0  }
0x212: {  	[sflag:s21] =	ssyncadd.s32 $0xFFFFF800  }
0x213: {  	[tilespmem:s9], [sflag:$0x3] =	stream.linear.gather [spmem:s15], $0x800, $0x38;
	[tilespmem:$0x13080] =	vst v63  }
0x214: {  	_ =	swait.ge [sflag:s21], $0x800  }
0x215: {  	[sflag:s21] =	ssyncset.done $0x0  }
0x216: {  	s2 =	simm.s32 $0x0;
	s20 =	simm.s32 $0x20;
	[sflag:s21] =	ssyncadd.s32 $0xFFFFF800  }
0x217: {  	s11 =	simm.s32 $0x100;
	s12 =	simm.s32 $0x4;
	s19 =	sand.u32 $0x1E00, s0;
	v2 =	vld [tilespmem:s2+$0xFCA0]  }
0x218: {  	s16 =	sand.u32 $0x40, s0;
	s17 =	sshrl.u32 s19, $0x2;
	s19 =	simm.s32 $0x30;
	v3 =	vld [tilespmem:s2+$0xFC90]  }
0x219: {  	s17 =	sadd.s32 $0x10480, s17;
	s18 =	sand.u32 $0x60, s20;
	s19 =	sand.u32 $0x70, s19;
	v4 =	vld [tilespmem:s2+$0xFCB0]  }
0x21a: {  	s16 =	sor.u32 s16, s17;
	s18 =	sor.u32 s18, s17;
	s17 =	sor.u32 s19, s17;
	v1 =	vld [tilespmem:s2+$0xFC80]  }
.LBB2_16:
0x21b: {  	s12 =	sadd.s32 $0x4, s12  }
0x21c: {  	s2 =	sshra.s32 s11, $0x2;
	[tilespmem:s18+$0x0] =	vst v2;
	s0 =	sadd.s32 $0x40, s0;
	p0 =	slt.u32 s12, $0x7C  }
.Ltmp7:
0x21d: {  	v2 =	vld [tilespmem:s2+$0xFCA0];
	[tilespmem:s16+$0x10] =	vst v3;
	(pc) =	sbr.rel @p0 .LBB2_16-.Ltmp7, $4  }
0x21e: {  	s19 =	sand.u32 $0x1E00, s11;
	s11 =	sadd.s32 $0x100, s11;
	s18 =	sand.u32 $0x40, s0;
	v3 =	vld [tilespmem:s2+$0xFC90];
	[tilespmem:s17+$0x0] =	vst v4  }
0x21f: {  	s20 =	sadd.s32 $0x30, s0;
	s17 =	sshrl.u32 s19, $0x2;
	s19 =	sadd.s32 $0x20, s0;
	v4 =	vld [tilespmem:s2+$0xFCB0];
	[tilespmem:s16+$0x0] =	vst v1  }
0x220: {  	v1 =	vld [tilespmem:s2+$0xFC80];
	s2 =	sadd.s32 $0x10480, s17;
	s17 =	sand.u32 $0x60, s19;
	s19 =	sand.u32 $0x70, s20  }
0x221: {  	s16 =	sor.u32 s18, s2;
	s18 =	sor.u32 s17, s2;
	s17 =	sor.u32 s19, s2  }
0x222: {  	s2 =	sshra.s32 s11, $0x2  }
0x223: {  	v5 =	vld [tilespmem:s2+$0xFCA0]  }
0x224: {  	[tilespmem:s18+$0x0] =	vst v2;
	s0 =	sadd.s32 $0x40, s0;
	s12 =	sand.u32 $0x1E00, s11;
	v2 =	vld [tilespmem:s2+$0xFC90]  }
0x225: {  	[tilespmem:s16+$0x10] =	vst v3;
	s11 =	sshrl.u32 s12, $0x2;
	s12 =	sadd.s32 $0x20, s0;
	v3 =	vld [tilespmem:s2+$0xFCB0]  }
0x226: {  	v63 =	vld [tilespmem:s2+$0xFC80];
	[tilespmem:s17+$0x0] =	vst v4;
	s17 =	sadd.s32 $0x10480, s11;
	s18 =	sand.u32 $0x60, s12  }
0x227: {  	s19 =	sand.u32 $0x40, s0;
	s0 =	sadd.s32 $0x30, s0;
	[tilespmem:s16+$0x0] =	vst v1;
	s11 =	sor.u32 s18, s17  }
0x228: {  	s0 =	sand.u32 $0x70, s0;
	s12 =	sor.u32 s19, s17;
	[tilespmem:s11+$0x0] =	vst v5  }
0x229: {  	s0 =	sor.u32 s0, s17;
	[tilespmem:s12+$0x10] =	vst v2  }
0x22a: {  	[tilespmem:s0+$0x0] =	vst v3  }
0x22b: {  	[tilespmem:s12+$0x0] =	vst v63  }
0x22c: {  	s0 =	rddreg [dreg:$0xd]  }
0x22d: {  	[hbm4b:s0+s5] =	stream.linear.scatter [tilespmem:s28], [sflag:$0x3], $0x800, $0x38;
	[tilespmem:$0x13080] =	vst v63  }
0x22e: {  	_ =	swait.ge [sflag:s21], $0x800  }
0x22f: {  	s10 =	sadd.s32 $0x1, s10;
	s20 =	rddreg [dreg:$0xe]  }
0x230: {  	p0 =	sne.s32 s10, s20  }
.Ltmp8:
0x231: {  	_ = 	snop;
	(pc) =	sbr.rel @p0 .LBB2_1-.Ltmp8, $3  }
0x232: {  	_ =	sdelay $0x1  }
0x233: {  	[sflag:s21] =	ssyncset.done $0x0  }
0x234: {  	[sflag:s21] =	ssyncadd.s32 $0xFFFFF800  }
0x235: {  	_ =	sfence.sel $0x180000  }
0x236: {  	[bflag:$0x0] =	sbarrier.arrive $0xFFFF  }
0x237: {  	_ =	strace $0x90000047  }
0x238: {  	s0 =	stileid.u32;
	[bflag:$0x2] =	sbarrier.arrive $0xFFFF  }
0x239: {  	p0 =	sne.s32 s0, $0x0;
	s0 =	rddreg [dreg:$0x5]  }
0x23a: {  	s0 =	sadd.s32 @!p0 $0x100000, s0  }
0x23b: {  	[sflag:s0] =	ssyncadd.tile.s32 @!p0 $0x1;
	_ =	shalt  }
.Lfunc_end2:
_tile_overlayer_lowered:
.L_overlay_start_2:
0x23c: {  	(tag) =	ssettag $0x2  }
0x23d: {  	s0 =	rddreg [dreg:$0x0];
	s2 =	stileid.u32  }
0x23e: {  	s1 =	rddreg [dreg:$0x1];
	p0 =	sne.s32 s2, $0x0  }
0x23f: {  	s3 =	rddreg [dreg:$0x2];
	[bflag:$0x3] =	sbarrier.arrive $0xFFFF;
	s2 =	simm.s32 @!p0 $0x1C03  }
0x240: {  	[timem:s3], [sflag:s2] =	dma.local @!p0 [hbm:s0], s1  }
0x241: {  	s0 =	simm.s32 @!p0 $0x3  }
0x242: {  	_ =	swait.ge @!p0 [sflag:s0], s1  }
0x243: {  	s1 =	ssub.s32 @!p0 $0x0, s1;
	[sflag:s0] =	ssyncset.done @!p0 $0x0  }
0x244: {  	[sflag:s0] =	ssyncadd.s32 @!p0 s1  }
0x245: {  	[bflag:$0x3] =	sbarrier.arrive $0xFFFF  }
0x246: {  	_ =	shalt  }

</sc_bundles>
